<compile_context>
chip_gen: v7x
topology: tpu7x:2x2x1
jax: 0.10.2.dev20260603
libtpu: 0.0.44.dev20260713+nightly
codegen_flags: <defaults>
</compile_context>

<pallas_src>
import functools

import jax
import jax.numpy as jnp
from jax import lax
from jax.experimental import pallas as pl
from jax.experimental.pallas import tpu as pltpu
from jax.experimental.pallas import tpu_sc as plsc

B = 4096
HIST = 200
D = 128
FLAT = HIST * D
OUT = 512

CHUNKS = (1536, 1280, 768, 512)

NC = 2
NS = 16
NW = NC * NS
SPLIT = 104

BM = 256
HK = 40
NKT = HIST // HK


def _make_sc_gather(bc, base):
    spw = bc // NW

    def _sc_gather(idx_hbm, table_hbm, out_hbm, idx_v, rows_v, sem):
        wid = lax.axis_index("s") * NC + lax.axis_index("c")
        base_b = wid * spw

        def body(i, carry):
            b = base_b + i
            pltpu.sync_copy(idx_hbm.at[base + b], idx_v)
            cp1 = pltpu.async_copy(
                table_hbm.at[idx_v.at[pl.ds(0, SPLIT)]],
                rows_v.at[pl.ds(0, SPLIT)], sem)
            cp2 = pltpu.async_copy(
                table_hbm.at[idx_v.at[pl.ds(SPLIT, HIST - SPLIT)]],
                rows_v.at[pl.ds(SPLIT, HIST - SPLIT)], sem)
            cp1.wait()
            cp2.wait()
            pltpu.sync_copy(rows_v, out_hbm.at[b])
            return carry

        lax.fori_loop(0, spw, body, 0)

    return functools.partial(
        pl.kernel,
        out_type=jax.ShapeDtypeStruct((bc, HIST, D), jnp.float32),
        mesh=plsc.VectorSubcoreMesh(core_axis_name="c", subcore_axis_name="s"),
        scratch_types=[
            pltpu.VMEM((HIST,), jnp.int32),
            pltpu.VMEM((HIST, D), jnp.float32),
            pltpu.SemaphoreType.DMA,
        ],
        compiler_params=pltpu.CompilerParams(use_tc_tiling_on_sc=True),
    )(_sc_gather)


def _tc_body(x_ref, w1_ref, b1_ref, xa_ref, w2_ref, b2_ref, o_prev_ref,
             o_ref, acc_ref):
    k = pl.program_id(0)
    m = pl.program_id(1)
    del o_prev_ref
    part = None
    for j in range(HK // 2):
        xcat = jnp.concatenate(
            [x_ref[:, 2 * j, :], x_ref[:, 2 * j + 1, :]],
            axis=1).astype(jnp.bfloat16)
        d = jnp.dot(xcat, w1_ref[pl.ds(j * 2 * D, 2 * D), :],
                    preferred_element_type=jnp.float32)
        part = d if part is None else part + d

    @pl.when(k == 0)
    def _():
        acc_ref[m] = part

    @pl.when(k > 0)
    def _():
        acc_ref[m] += part

    @pl.when(k == NKT - 1)
    def _():
        o_ref[:, :OUT] = acc_ref[m] + b1_ref[...]
        o_ref[:, OUT:OUT + 2] = (
            jnp.dot(xa_ref[...], w2_ref[...],
                    preferred_element_type=jnp.float32) + b2_ref[...])


def _make_tc_matmul(bc, base):
    nmt = bc // BM
    base_m = base // BM

    return pl.pallas_call(
        _tc_body,
        grid=(NKT, nmt),
        in_specs=[
            pl.BlockSpec((BM, HK, D), lambda k, m: (m, k, 0)),
            pl.BlockSpec((HK * D, OUT), lambda k, m: (k, 0)),
            pl.BlockSpec((1, OUT), lambda k, m: (0, 0)),
            pl.BlockSpec((BM, 2), lambda k, m: (base_m + m, 0)),
            pl.BlockSpec((2, 2), lambda k, m: (0, 0)),
            pl.BlockSpec((1, 2), lambda k, m: (0, 0)),
            pl.BlockSpec((8, OUT + 2), lambda k, m: (0, 0)),
        ],
        out_specs=pl.BlockSpec((BM, OUT + 2), lambda k, m: (base_m + m, 0)),
        out_shape=jax.ShapeDtypeStruct((B, OUT + 2), jnp.float32),
        scratch_shapes=[pltpu.VMEM((nmt, BM, OUT), jnp.float32)],
        input_output_aliases={6: 0},
        compiler_params=pltpu.CompilerParams(
            dimension_semantics=("arbitrary", "arbitrary")),
    )


def kernel(x_rxdx, x_age_gender, table, W1, b1, W2, b2):
    W1bf = W1.astype(jnp.bfloat16)
    b1r = b1.reshape(1, OUT)
    b2r = b2.reshape(1, 2)
    out = jnp.zeros((B, OUT + 2), jnp.float32)
    base = 0
    for bc in CHUNKS:
        h1_c = _make_sc_gather(bc, base)(x_rxdx, table)
        out = _make_tc_matmul(bc, base)(
            h1_c, W1bf, b1r, x_age_gender, W2, b2r, out)
        base += bc
    return out

# --- scband reference (transcript-rebuilt; emitter-appended) ---
"""Pipeline reference for scband-patient-encoder-84310208020975 (READ-ONLY COPY).

The authoritative reference and input builder live on the scoring server;
editing this copy changes nothing except your own understanding.
"""

import jax, jax.numpy as jnp
import numpy as np

VOCAB = 100000
EMBED_DIM = 128
OUTPUT_DIM = 512
BATCH = 4096
HIST = 200
FLAT = HIST * EMBED_DIM  # 25600


def setup_inputs(seed: int = 0) -> dict:
    key = jax.random.key(seed)
    k1, k2, k3, k4, k5, k6, k7 = jax.random.split(key, 7)
    x_rxdx = jax.random.randint(k1, (BATCH, HIST), 0, VOCAB, dtype=jnp.int64 if jax.config.jax_enable_x64 else jnp.int32).astype(jnp.int32)
    x_age_gender = jax.random.normal(k2, (BATCH, 2), dtype=jnp.float32)
    table = jax.random.normal(k3, (VOCAB + 1, EMBED_DIM), dtype=jnp.float32) * 0.02
    W1 = jax.random.normal(k4, (FLAT, OUTPUT_DIM), dtype=jnp.float32) * (1.0 / np.sqrt(FLAT))
    b1 = jax.random.normal(k5, (OUTPUT_DIM,), dtype=jnp.float32) * 0.01
    W2 = jax.random.normal(k6, (2, 2), dtype=jnp.float32) * (1.0 / np.sqrt(2.0))
    b2 = jax.random.normal(k7, (2,), dtype=jnp.float32) * 0.01
    return {"x_rxdx": x_rxdx, "x_age_gender": x_age_gender, "table": table,
            "W1": W1, "b1": b1, "W2": W2, "b2": b2}


def reference(x_rxdx, x_age_gender, table, W1, b1, W2, b2):
    # h1 = embedding lookup
    h1 = jnp.take(table, x_rxdx, axis=0)            # [B, HIST, EMBED_DIM]
    h2 = h1.reshape(h1.shape[0], -1)                # [B, 25600]
    output_1 = h2 @ W1 + b1                          # [B, OUTPUT_DIM]
    output_2 = x_age_gender @ W2 + b2                # [B, 2]
    out = jnp.concatenate([output_1, output_2], axis=1)  # [B, OUTPUT_DIM+2]
    # dropout is identity in eval/deterministic mode
    return out

if __name__ == "__main__":
    import jax
    _d = setup_inputs()
    print(jax.jit(kernel)(*tuple(_d.values())))

</pallas_src>

<mosaic_0001>
#map = affine_map<(d0, d1) -> (0, 0)>
#map1 = affine_map<(d0, d1) -> (0, 0, 0)>
module attributes {stable_mosaic.version = 14 : i64} {
  func.func @_sc_gather(%arg0: i32, %arg1: i32, %arg2: memref<4096x200xi32, #tpu.memory_space<hbm>>, %arg3: memref<100001x128xf32, #tpu.memory_space<hbm>>, %arg4: memref<1280x200x128xf32, #tpu.memory_space<hbm>>, %arg5: memref<200xi32, #tpu.memory_space<vmem>>, %arg6: memref<200x128xf32, #tpu.memory_space<vmem>>, %arg7: memref<!tpu.dma_semaphore, #tpu.memory_space<semaphore_mem>>) attributes {dimension_semantics = [#tpu.dimension_semantics<core_parallel>, #tpu.dimension_semantics<subcore_parallel>], iteration_bounds = array<i64: 2, 16>, scalar_prefetch = 0 : i64, scratch_operands = 3 : i64, tpu.core_type = #tpu.core_type<sc_vector_subcore>, window_params = [{transform_indices = #map}, {transform_indices = #map}, {transform_indices = #map1}]} {
    %mul3A = arith.constant 2 : i32
    %mul3A_0 = arith.muli %arg1, %mul3A : i32
    %add3A = arith.addi %mul3A_0, %arg0 : i32
    %mul3A_1 = arith.constant 40 : i32
    %mul3A_2 = arith.muli %add3A, %mul3A_1 : i32
    %scan3A = arith.constant 0 : i32
    %scan3A_3 = arith.constant 0 : i32
    %scan3A_4 = arith.constant 40 : i32
    %scan3A_5 = arith.addi %scan3A_3, %scan3A_4 : i32
    %scan3A_6 = arith.constant 1 : i32
    scf.for %scan3A_8 = %scan3A_3 to %scan3A_5 step %scan3A_6  : i32 {
      %add3A_9 = arith.addi %mul3A_2, %scan3A_8 : i32
      %add3A_10 = arith.constant 1536 : i32
      %add3A_11 = arith.addi %add3A_10, %add3A_9 : i32
      "tpu.region"() ({
        %run_scoped3A = tpu.sem_alloc : memref<!tpu.dma_semaphore, #tpu.memory_space<semaphore_mem>>
        %dma_start3A_42 = arith.constant 0 : i32
        %dma_start3A_43 = tpu.memref_slice %arg2[%add3A_11, %dma_start3A_42] : memref<4096x200xi32, #tpu.memory_space<hbm>> -> memref<1x200xi32, #tpu.memory_space<hbm>>
        %dma_start3A_44 = tpu.memref_squeeze %dma_start3A_43 : memref<1x200xi32, #tpu.memory_space<hbm>> -> memref<200xi32, #tpu.memory_space<hbm>>
        %dma_start3A_45 = arith.constant 0 : i32
        %dma_start3A_46 = tpu.memref_slice %arg2[%add3A_11, %dma_start3A_45] : memref<4096x200xi32, #tpu.memory_space<hbm>> -> memref<1x200xi32, #tpu.memory_space<hbm>>
        %dma_start3A_47 = tpu.memref_squeeze %dma_start3A_46 : memref<1x200xi32, #tpu.memory_space<hbm>> -> memref<200xi32, #tpu.memory_space<hbm>>
        tpu.enqueue_dma source(%dma_start3A_47 : memref<200xi32, #tpu.memory_space<hbm>>) target(%arg5 : memref<200xi32, #tpu.memory_space<vmem>>) target_semaphore(%run_scoped3A : memref<!tpu.dma_semaphore, #tpu.memory_space<semaphore_mem>>)
        %dma_wait3A_48 = arith.constant 0 : i32
        %dma_wait3A_49 = tpu.memref_slice %arg2[%add3A_11, %dma_wait3A_48] : memref<4096x200xi32, #tpu.memory_space<hbm>> -> memref<1x200xi32, #tpu.memory_space<hbm>>
        %dma_wait3A_50 = tpu.memref_squeeze %dma_wait3A_49 : memref<1x200xi32, #tpu.memory_space<hbm>> -> memref<200xi32, #tpu.memory_space<hbm>>
        %dma_wait3A_51 = arith.constant 0 : i32
        %dma_wait3A_52 = tpu.memref_slice %arg2[%add3A_11, %dma_wait3A_51] : memref<4096x200xi32, #tpu.memory_space<hbm>> -> memref<1x200xi32, #tpu.memory_space<hbm>>
        %dma_wait3A_53 = tpu.memref_squeeze %dma_wait3A_52 : memref<1x200xi32, #tpu.memory_space<hbm>> -> memref<200xi32, #tpu.memory_space<hbm>>
        tpu.wait_dma2 semaphore(%run_scoped3A : memref<!tpu.dma_semaphore, #tpu.memory_space<semaphore_mem>>) src(%dma_wait3A_53 : memref<200xi32, #tpu.memory_space<hbm>>) dst(%arg5 : memref<200xi32, #tpu.memory_space<vmem>>)
        tpu.yield
      }) : () -> ()
      %dma_start3A = arith.constant 0 : i32
      %dma_start3A_12 = arith.constant 0 : i32
      %dma_start3A_13 = tpu.memref_slice %arg6[%dma_start3A, %dma_start3A_12] : memref<200x128xf32, #tpu.memory_space<vmem>> -> memref<104x128xf32, #tpu.memory_space<vmem>>
      %dma_start3A_14 = arith.constant 0 : i32
      %dma_start3A_15 = tpu.memref_slice %arg5[%dma_start3A_14] : memref<200xi32, #tpu.memory_space<vmem>> -> memref<104xi32, #tpu.memory_space<vmem>>
      %dma_start3A_16 = arith.constant 0 : i32
      %dma_start3A_17 = arith.constant 0 : i32
      %dma_start3A_18 = tpu.memref_slice %arg3[%dma_start3A_16, %dma_start3A_17] : memref<100001x128xf32, #tpu.memory_space<hbm>> -> memref<100001x128xf32, #tpu.memory_space<hbm>>
      tpu.enqueue_indirect_dma source(%dma_start3A_18 : memref<100001x128xf32, #tpu.memory_space<hbm>>) target(%dma_start3A_13 : memref<104x128xf32, #tpu.memory_space<vmem>>) offsets(%dma_start3A_15 : memref<104xi32, #tpu.memory_space<vmem>>) semaphore(%arg7 : memref<!tpu.dma_semaphore, #tpu.memory_space<semaphore_mem>>)
      %dma_start3A_19 = arith.constant 104 : i32
      %dma_start3A_20 = arith.constant 0 : i32
      %dma_start3A_21 = tpu.memref_slice %arg6[%dma_start3A_19, %dma_start3A_20] : memref<200x128xf32, #tpu.memory_space<vmem>> -> memref<96x128xf32, #tpu.memory_space<vmem>>
      %dma_start3A_22 = arith.constant 104 : i32
      %dma_start3A_23 = tpu.memref_slice %arg5[%dma_start3A_22] : memref<200xi32, #tpu.memory_space<vmem>> -> memref<96xi32, #tpu.memory_space<vmem>>
      %dma_start3A_24 = arith.constant 0 : i32
      %dma_start3A_25 = arith.constant 0 : i32
      %dma_start3A_26 = tpu.memref_slice %arg3[%dma_start3A_24, %dma_start3A_25] : memref<100001x128xf32, #tpu.memory_space<hbm>> -> memref<100001x128xf32, #tpu.memory_space<hbm>>
      tpu.enqueue_indirect_dma source(%dma_start3A_26 : memref<100001x128xf32, #tpu.memory_space<hbm>>) target(%dma_start3A_21 : memref<96x128xf32, #tpu.memory_space<vmem>>) offsets(%dma_start3A_23 : memref<96xi32, #tpu.memory_space<vmem>>) semaphore(%arg7 : memref<!tpu.dma_semaphore, #tpu.memory_space<semaphore_mem>>)
      %dma_wait3A = arith.constant 0 : i32
      %dma_wait3A_27 = arith.constant 0 : i32
      %dma_wait3A_28 = tpu.memref_slice %arg6[%dma_wait3A, %dma_wait3A_27] : memref<200x128xf32, #tpu.memory_space<vmem>> -> memref<104x128xf32, #tpu.memory_space<vmem>>
      %dma_wait3A_29 = arith.constant 0 : i32
      %dma_wait3A_30 = tpu.memref_slice %arg5[%dma_wait3A_29] : memref<200xi32, #tpu.memory_space<vmem>> -> memref<104xi32, #tpu.memory_space<vmem>>
      %dma_wait3A_31 = arith.constant 0 : i32
      %dma_wait3A_32 = arith.constant 0 : i32
      %dma_wait3A_33 = tpu.memref_slice %arg3[%dma_wait3A_31, %dma_wait3A_32] : memref<100001x128xf32, #tpu.memory_space<hbm>> -> memref<100001x128xf32, #tpu.memory_space<hbm>>
      tpu.wait_indirect_dma semaphore(%arg7 : memref<!tpu.dma_semaphore, #tpu.memory_space<semaphore_mem>>) src(%dma_wait3A_33 : memref<100001x128xf32, #tpu.memory_space<hbm>>) dst(%dma_wait3A_28 : memref<104x128xf32, #tpu.memory_space<vmem>>)
      %dma_wait3A_34 = arith.constant 104 : i32
      %dma_wait3A_35 = arith.constant 0 : i32
      %dma_wait3A_36 = tpu.memref_slice %arg6[%dma_wait3A_34, %dma_wait3A_35] : memref<200x128xf32, #tpu.memory_space<vmem>> -> memref<96x128xf32, #tpu.memory_space<vmem>>
      %dma_wait3A_37 = arith.constant 104 : i32
      %dma_wait3A_38 = tpu.memref_slice %arg5[%dma_wait3A_37] : memref<200xi32, #tpu.memory_space<vmem>> -> memref<96xi32, #tpu.memory_space<vmem>>
      %dma_wait3A_39 = arith.constant 0 : i32
      %dma_wait3A_40 = arith.constant 0 : i32
      %dma_wait3A_41 = tpu.memref_slice %arg3[%dma_wait3A_39, %dma_wait3A_40] : memref<100001x128xf32, #tpu.memory_space<hbm>> -> memref<100001x128xf32, #tpu.memory_space<hbm>>
      tpu.wait_indirect_dma semaphore(%arg7 : memref<!tpu.dma_semaphore, #tpu.memory_space<semaphore_mem>>) src(%dma_wait3A_41 : memref<100001x128xf32, #tpu.memory_space<hbm>>) dst(%dma_wait3A_36 : memref<96x128xf32, #tpu.memory_space<vmem>>)
      "tpu.region"() ({
        %run_scoped3A = tpu.sem_alloc : memref<!tpu.dma_semaphore, #tpu.memory_space<semaphore_mem>>
        %dma_start3A_42 = arith.constant 0 : i32
        %dma_start3A_43 = arith.constant 0 : i32
        %dma_start3A_44 = tpu.memref_slice %arg4[%add3A_9, %dma_start3A_42, %dma_start3A_43] : memref<1280x200x128xf32, #tpu.memory_space<hbm>> -> memref<1x200x128xf32, #tpu.memory_space<hbm>>
        %dma_start3A_45 = tpu.memref_squeeze %dma_start3A_44 : memref<1x200x128xf32, #tpu.memory_space<hbm>> -> memref<200x128xf32, #tpu.memory_space<hbm>>
        %dma_start3A_46 = arith.constant 0 : i32
        %dma_start3A_47 = arith.constant 0 : i32
        %dma_start3A_48 = tpu.memref_slice %arg4[%add3A_9, %dma_start3A_46, %dma_start3A_47] : memref<1280x200x128xf32, #tpu.memory_space<hbm>> -> memref<1x200x128xf32, #tpu.memory_space<hbm>>
        %dma_start3A_49 = tpu.memref_squeeze %dma_start3A_48 : memref<1x200x128xf32, #tpu.memory_space<hbm>> -> memref<200x128xf32, #tpu.memory_space<hbm>>
        tpu.enqueue_dma source(%arg6 : memref<200x128xf32, #tpu.memory_space<vmem>>) target(%dma_start3A_49 : memref<200x128xf32, #tpu.memory_space<hbm>>) target_semaphore(%run_scoped3A : memref<!tpu.dma_semaphore, #tpu.memory_space<semaphore_mem>>)
        %dma_wait3A_50 = arith.constant 0 : i32
        %dma_wait3A_51 = arith.constant 0 : i32
        %dma_wait3A_52 = tpu.memref_slice %arg4[%add3A_9, %dma_wait3A_50, %dma_wait3A_51] : memref<1280x200x128xf32, #tpu.memory_space<hbm>> -> memref<1x200x128xf32, #tpu.memory_space<hbm>>
        %dma_wait3A_53 = tpu.memref_squeeze %dma_wait3A_52 : memref<1x200x128xf32, #tpu.memory_space<hbm>> -> memref<200x128xf32, #tpu.memory_space<hbm>>
        %dma_wait3A_54 = arith.constant 0 : i32
        %dma_wait3A_55 = arith.constant 0 : i32
        %dma_wait3A_56 = tpu.memref_slice %arg4[%add3A_9, %dma_wait3A_54, %dma_wait3A_55] : memref<1280x200x128xf32, #tpu.memory_space<hbm>> -> memref<1x200x128xf32, #tpu.memory_space<hbm>>
        %dma_wait3A_57 = tpu.memref_squeeze %dma_wait3A_56 : memref<1x200x128xf32, #tpu.memory_space<hbm>> -> memref<200x128xf32, #tpu.memory_space<hbm>>
        tpu.wait_dma2 semaphore(%run_scoped3A : memref<!tpu.dma_semaphore, #tpu.memory_space<semaphore_mem>>) src(%arg6 : memref<200x128xf32, #tpu.memory_space<vmem>>) dst(%dma_wait3A_57 : memref<200x128xf32, #tpu.memory_space<hbm>>)
        tpu.yield
      }) : () -> ()
    }
    %scan3A_7 = arith.constant 40 : i32
    return
  }
}

#map = affine_map<(d0, d1) -> (0, 0)>
#map1 = affine_map<(d0, d1) -> (0, 0, 0)>
module attributes {stable_mosaic.version = 14 : i64} {
  func.func @_sc_gather(%arg0: i32, %arg1: i32, %arg2: memref<4096x200xi32, #tpu.memory_space<hbm>>, %arg3: memref<100001x128xf32, #tpu.memory_space<hbm>>, %arg4: memref<768x200x128xf32, #tpu.memory_space<hbm>>, %arg5: memref<200xi32, #tpu.memory_space<vmem>>, %arg6: memref<200x128xf32, #tpu.memory_space<vmem>>, %arg7: memref<!tpu.dma_semaphore, #tpu.memory_space<semaphore_mem>>) attributes {dimension_semantics = [#tpu.dimension_semantics<core_parallel>, #tpu.dimension_semantics<subcore_parallel>], iteration_bounds = array<i64: 2, 16>, scalar_prefetch = 0 : i64, scratch_operands = 3 : i64, tpu.core_type = #tpu.core_type<sc_vector_subcore>, window_params = [{transform_indices = #map}, {transform_indices = #map}, {transform_indices = #map1}]} {
    %mul3A = arith.constant 2 : i32
    %mul3A_0 = arith.muli %arg1, %mul3A : i32
    %add3A = arith.addi %mul3A_0, %arg0 : i32
    %mul3A_1 = arith.constant 24 : i32
    %mul3A_2 = arith.muli %add3A, %mul3A_1 : i32
    %scan3A = arith.constant 0 : i32
    %scan3A_3 = arith.constant 0 : i32
    %scan3A_4 = arith.constant 24 : i32
    %scan3A_5 = arith.addi %scan3A_3, %scan3A_4 : i32
    %scan3A_6 = arith.constant 1 : i32
    scf.for %scan3A_8 = %scan3A_3 to %scan3A_5 step %scan3A_6  : i32 {
      %add3A_9 = arith.addi %mul3A_2, %scan3A_8 : i32
      %add3A_10 = arith.constant 2816 : i32
      %add3A_11 = arith.addi %add3A_10, %add3A_9 : i32
      "tpu.region"() ({
        %run_scoped3A = tpu.sem_alloc : memref<!tpu.dma_semaphore, #tpu.memory_space<semaphore_mem>>
        %dma_start3A_42 = arith.constant 0 : i32
        %dma_start3A_43 = tpu.memref_slice %arg2[%add3A_11, %dma_start3A_42] : memref<4096x200xi32, #tpu.memory_space<hbm>> -> memref<1x200xi32, #tpu.memory_space<hbm>>
        %dma_start3A_44 = tpu.memref_squeeze %dma_start3A_43 : memref<1x200xi32, #tpu.memory_space<hbm>> -> memref<200xi32, #tpu.memory_space<hbm>>
        %dma_start3A_45 = arith.constant 0 : i32
        %dma_start3A_46 = tpu.memref_slice %arg2[%add3A_11, %dma_start3A_45] : memref<4096x200xi32, #tpu.memory_space<hbm>> -> memref<1x200xi32, #tpu.memory_space<hbm>>
        %dma_start3A_47 = tpu.memref_squeeze %dma_start3A_46 : memref<1x200xi32, #tpu.memory_space<hbm>> -> memref<200xi32, #tpu.memory_space<hbm>>
        tpu.enqueue_dma source(%dma_start3A_47 : memref<200xi32, #tpu.memory_space<hbm>>) target(%arg5 : memref<200xi32, #tpu.memory_space<vmem>>) target_semaphore(%run_scoped3A : memref<!tpu.dma_semaphore, #tpu.memory_space<semaphore_mem>>)
        %dma_wait3A_48 = arith.constant 0 : i32
        %dma_wait3A_49 = tpu.memref_slice %arg2[%add3A_11, %dma_wait3A_48] : memref<4096x200xi32, #tpu.memory_space<hbm>> -> memref<1x200xi32, #tpu.memory_space<hbm>>
        %dma_wait3A_50 = tpu.memref_squeeze %dma_wait3A_49 : memref<1x200xi32, #tpu.memory_space<hbm>> -> memref<200xi32, #tpu.memory_space<hbm>>
        %dma_wait3A_51 = arith.constant 0 : i32
        %dma_wait3A_52 = tpu.memref_slice %arg2[%add3A_11, %dma_wait3A_51] : memref<4096x200xi32, #tpu.memory_space<hbm>> -> memref<1x200xi32, #tpu.memory_space<hbm>>
        %dma_wait3A_53 = tpu.memref_squeeze %dma_wait3A_52 : memref<1x200xi32, #tpu.memory_space<hbm>> -> memref<200xi32, #tpu.memory_space<hbm>>
        tpu.wait_dma2 semaphore(%run_scoped3A : memref<!tpu.dma_semaphore, #tpu.memory_space<semaphore_mem>>) src(%dma_wait3A_53 : memref<200xi32, #tpu.memory_space<hbm>>) dst(%arg5 : memref<200xi32, #tpu.memory_space<vmem>>)
        tpu.yield
      }) : () -> ()
      %dma_start3A = arith.constant 0 : i32
      %dma_start3A_12 = arith.constant 0 : i32
      %dma_start3A_13 = tpu.memref_slice %arg6[%dma_start3A, %dma_start3A_12] : memref<200x128xf32, #tpu.memory_space<vmem>> -> memref<104x128xf32, #tpu.memory_space<vmem>>
      %dma_start3A_14 = arith.constant 0 : i32
      %dma_start3A_15 = tpu.memref_slice %arg5[%dma_start3A_14] : memref<200xi32, #tpu.memory_space<vmem>> -> memref<104xi32, #tpu.memory_space<vmem>>
      %dma_start3A_16 = arith.constant 0 : i32
      %dma_start3A_17 = arith.constant 0 : i32
      %dma_start3A_18 = tpu.memref_slice %arg3[%dma_start3A_16, %dma_start3A_17] : memref<100001x128xf32, #tpu.memory_space<hbm>> -> memref<100001x128xf32, #tpu.memory_space<hbm>>
      tpu.enqueue_indirect_dma source(%dma_start3A_18 : memref<100001x128xf32, #tpu.memory_space<hbm>>) target(%dma_start3A_13 : memref<104x128xf32, #tpu.memory_space<vmem>>) offsets(%dma_start3A_15 : memref<104xi32, #tpu.memory_space<vmem>>) semaphore(%arg7 : memref<!tpu.dma_semaphore, #tpu.memory_space<semaphore_mem>>)
      %dma_start3A_19 = arith.constant 104 : i32
      %dma_start3A_20 = arith.constant 0 : i32
      %dma_start3A_21 = tpu.memref_slice %arg6[%dma_start3A_19, %dma_start3A_20] : memref<200x128xf32, #tpu.memory_space<vmem>> -> memref<96x128xf32, #tpu.memory_space<vmem>>
      %dma_start3A_22 = arith.constant 104 : i32
      %dma_start3A_23 = tpu.memref_slice %arg5[%dma_start3A_22] : memref<200xi32, #tpu.memory_space<vmem>> -> memref<96xi32, #tpu.memory_space<vmem>>
      %dma_start3A_24 = arith.constant 0 : i32
      %dma_start3A_25 = arith.constant 0 : i32
      %dma_start3A_26 = tpu.memref_slice %arg3[%dma_start3A_24, %dma_start3A_25] : memref<100001x128xf32, #tpu.memory_space<hbm>> -> memref<100001x128xf32, #tpu.memory_space<hbm>>
      tpu.enqueue_indirect_dma source(%dma_start3A_26 : memref<100001x128xf32, #tpu.memory_space<hbm>>) target(%dma_start3A_21 : memref<96x128xf32, #tpu.memory_space<vmem>>) offsets(%dma_start3A_23 : memref<96xi32, #tpu.memory_space<vmem>>) semaphore(%arg7 : memref<!tpu.dma_semaphore, #tpu.memory_space<semaphore_mem>>)
      %dma_wait3A = arith.constant 0 : i32
      %dma_wait3A_27 = arith.constant 0 : i32
      %dma_wait3A_28 = tpu.memref_slice %arg6[%dma_wait3A, %dma_wait3A_27] : memref<200x128xf32, #tpu.memory_space<vmem>> -> memref<104x128xf32, #tpu.memory_space<vmem>>
      %dma_wait3A_29 = arith.constant 0 : i32
      %dma_wait3A_30 = tpu.memref_slice %arg5[%dma_wait3A_29] : memref<200xi32, #tpu.memory_space<vmem>> -> memref<104xi32, #tpu.memory_space<vmem>>
      %dma_wait3A_31 = arith.constant 0 : i32
      %dma_wait3A_32 = arith.constant 0 : i32
      %dma_wait3A_33 = tpu.memref_slice %arg3[%dma_wait3A_31, %dma_wait3A_32] : memref<100001x128xf32, #tpu.memory_space<hbm>> -> memref<100001x128xf32, #tpu.memory_space<hbm>>
      tpu.wait_indirect_dma semaphore(%arg7 : memref<!tpu.dma_semaphore, #tpu.memory_space<semaphore_mem>>) src(%dma_wait3A_33 : memref<100001x128xf32, #tpu.memory_space<hbm>>) dst(%dma_wait3A_28 : memref<104x128xf32, #tpu.memory_space<vmem>>)
      %dma_wait3A_34 = arith.constant 104 : i32
      %dma_wait3A_35 = arith.constant 0 : i32
      %dma_wait3A_36 = tpu.memref_slice %arg6[%dma_wait3A_34, %dma_wait3A_35] : memref<200x128xf32, #tpu.memory_space<vmem>> -> memref<96x128xf32, #tpu.memory_space<vmem>>
      %dma_wait3A_37 = arith.constant 104 : i32
      %dma_wait3A_38 = tpu.memref_slice %arg5[%dma_wait3A_37] : memref<200xi32, #tpu.memory_space<vmem>> -> memref<96xi32, #tpu.memory_space<vmem>>
      %dma_wait3A_39 = arith.constant 0 : i32
      %dma_wait3A_40 = arith.constant 0 : i32
      %dma_wait3A_41 = tpu.memref_slice %arg3[%dma_wait3A_39, %dma_wait3A_40] : memref<100001x128xf32, #tpu.memory_space<hbm>> -> memref<100001x128xf32, #tpu.memory_space<hbm>>
      tpu.wait_indirect_dma semaphore(%arg7 : memref<!tpu.dma_semaphore, #tpu.memory_space<semaphore_mem>>) src(%dma_wait3A_41 : memref<100001x128xf32, #tpu.memory_space<hbm>>) dst(%dma_wait3A_36 : memref<96x128xf32, #tpu.memory_space<vmem>>)
      "tpu.region"() ({
        %run_scoped3A = tpu.sem_alloc : memref<!tpu.dma_semaphore, #tpu.memory_space<semaphore_mem>>
        %dma_start3A_42 = arith.constant 0 : i32
        %dma_start3A_43 = arith.constant 0 : i32
        %dma_start3A_44 = tpu.memref_slice %arg4[%add3A_9, %dma_start3A_42, %dma_start3A_43] : memref<768x200x128xf32, #tpu.memory_space<hbm>> -> memref<1x200x128xf32, #tpu.memory_space<hbm>>
        %dma_start3A_45 = tpu.memref_squeeze %dma_start3A_44 : memref<1x200x128xf32, #tpu.memory_space<hbm>> -> memref<200x128xf32, #tpu.memory_space<hbm>>
        %dma_start3A_46 = arith.constant 0 : i32
        %dma_start3A_47 = arith.constant 0 : i32
        %dma_start3A_48 = tpu.memref_slice %arg4[%add3A_9, %dma_start3A_46, %dma_start3A_47] : memref<768x200x128xf32, #tpu.memory_space<hbm>> -> memref<1x200x128xf32, #tpu.memory_space<hbm>>
        %dma_start3A_49 = tpu.memref_squeeze %dma_start3A_48 : memref<1x200x128xf32, #tpu.memory_space<hbm>> -> memref<200x128xf32, #tpu.memory_space<hbm>>
        tpu.enqueue_dma source(%arg6 : memref<200x128xf32, #tpu.memory_space<vmem>>) target(%dma_start3A_49 : memref<200x128xf32, #tpu.memory_space<hbm>>) target_semaphore(%run_scoped3A : memref<!tpu.dma_semaphore, #tpu.memory_space<semaphore_mem>>)
        %dma_wait3A_50 = arith.constant 0 : i32
        %dma_wait3A_51 = arith.constant 0 : i32
        %dma_wait3A_52 = tpu.memref_slice %arg4[%add3A_9, %dma_wait3A_50, %dma_wait3A_51] : memref<768x200x128xf32, #tpu.memory_space<hbm>> -> memref<1x200x128xf32, #tpu.memory_space<hbm>>
        %dma_wait3A_53 = tpu.memref_squeeze %dma_wait3A_52 : memref<1x200x128xf32, #tpu.memory_space<hbm>> -> memref<200x128xf32, #tpu.memory_space<hbm>>
        %dma_wait3A_54 = arith.constant 0 : i32
        %dma_wait3A_55 = arith.constant 0 : i32
        %dma_wait3A_56 = tpu.memref_slice %arg4[%add3A_9, %dma_wait3A_54, %dma_wait3A_55] : memref<768x200x128xf32, #tpu.memory_space<hbm>> -> memref<1x200x128xf32, #tpu.memory_space<hbm>>
        %dma_wait3A_57 = tpu.memref_squeeze %dma_wait3A_56 : memref<1x200x128xf32, #tpu.memory_space<hbm>> -> memref<200x128xf32, #tpu.memory_space<hbm>>
        tpu.wait_dma2 semaphore(%run_scoped3A : memref<!tpu.dma_semaphore, #tpu.memory_space<semaphore_mem>>) src(%arg6 : memref<200x128xf32, #tpu.memory_space<vmem>>) dst(%dma_wait3A_57 : memref<200x128xf32, #tpu.memory_space<hbm>>)
        tpu.yield
      }) : () -> ()
    }
    %scan3A_7 = arith.constant 24 : i32
    return
  }
}

#map = affine_map<(d0, d1) -> (0, 0)>
#map1 = affine_map<(d0, d1) -> (0, 0, 0)>
module attributes {stable_mosaic.version = 14 : i64} {
  func.func @_sc_gather(%arg0: i32, %arg1: i32, %arg2: memref<4096x200xi32, #tpu.memory_space<hbm>>, %arg3: memref<100001x128xf32, #tpu.memory_space<hbm>>, %arg4: memref<1536x200x128xf32, #tpu.memory_space<hbm>>, %arg5: memref<200xi32, #tpu.memory_space<vmem>>, %arg6: memref<200x128xf32, #tpu.memory_space<vmem>>, %arg7: memref<!tpu.dma_semaphore, #tpu.memory_space<semaphore_mem>>) attributes {dimension_semantics = [#tpu.dimension_semantics<core_parallel>, #tpu.dimension_semantics<subcore_parallel>], iteration_bounds = array<i64: 2, 16>, scalar_prefetch = 0 : i64, scratch_operands = 3 : i64, tpu.core_type = #tpu.core_type<sc_vector_subcore>, window_params = [{transform_indices = #map}, {transform_indices = #map}, {transform_indices = #map1}]} {
    %mul3A = arith.constant 2 : i32
    %mul3A_0 = arith.muli %arg1, %mul3A : i32
    %add3A = arith.addi %mul3A_0, %arg0 : i32
    %mul3A_1 = arith.constant 48 : i32
    %mul3A_2 = arith.muli %add3A, %mul3A_1 : i32
    %scan3A = arith.constant 0 : i32
    %scan3A_3 = arith.constant 0 : i32
    %scan3A_4 = arith.constant 48 : i32
    %scan3A_5 = arith.addi %scan3A_3, %scan3A_4 : i32
    %scan3A_6 = arith.constant 1 : i32
    scf.for %scan3A_8 = %scan3A_3 to %scan3A_5 step %scan3A_6  : i32 {
      %add3A_9 = arith.addi %mul3A_2, %scan3A_8 : i32
      %add3A_10 = arith.constant 0 : i32
      %add3A_11 = arith.addi %add3A_10, %add3A_9 : i32
      "tpu.region"() ({
        %run_scoped3A = tpu.sem_alloc : memref<!tpu.dma_semaphore, #tpu.memory_space<semaphore_mem>>
        %dma_start3A_42 = arith.constant 0 : i32
        %dma_start3A_43 = tpu.memref_slice %arg2[%add3A_11, %dma_start3A_42] : memref<4096x200xi32, #tpu.memory_space<hbm>> -> memref<1x200xi32, #tpu.memory_space<hbm>>
        %dma_start3A_44 = tpu.memref_squeeze %dma_start3A_43 : memref<1x200xi32, #tpu.memory_space<hbm>> -> memref<200xi32, #tpu.memory_space<hbm>>
        %dma_start3A_45 = arith.constant 0 : i32
        %dma_start3A_46 = tpu.memref_slice %arg2[%add3A_11, %dma_start3A_45] : memref<4096x200xi32, #tpu.memory_space<hbm>> -> memref<1x200xi32, #tpu.memory_space<hbm>>
        %dma_start3A_47 = tpu.memref_squeeze %dma_start3A_46 : memref<1x200xi32, #tpu.memory_space<hbm>> -> memref<200xi32, #tpu.memory_space<hbm>>
        tpu.enqueue_dma source(%dma_start3A_47 : memref<200xi32, #tpu.memory_space<hbm>>) target(%arg5 : memref<200xi32, #tpu.memory_space<vmem>>) target_semaphore(%run_scoped3A : memref<!tpu.dma_semaphore, #tpu.memory_space<semaphore_mem>>)
        %dma_wait3A_48 = arith.constant 0 : i32
        %dma_wait3A_49 = tpu.memref_slice %arg2[%add3A_11, %dma_wait3A_48] : memref<4096x200xi32, #tpu.memory_space<hbm>> -> memref<1x200xi32, #tpu.memory_space<hbm>>
        %dma_wait3A_50 = tpu.memref_squeeze %dma_wait3A_49 : memref<1x200xi32, #tpu.memory_space<hbm>> -> memref<200xi32, #tpu.memory_space<hbm>>
        %dma_wait3A_51 = arith.constant 0 : i32
        %dma_wait3A_52 = tpu.memref_slice %arg2[%add3A_11, %dma_wait3A_51] : memref<4096x200xi32, #tpu.memory_space<hbm>> -> memref<1x200xi32, #tpu.memory_space<hbm>>
        %dma_wait3A_53 = tpu.memref_squeeze %dma_wait3A_52 : memref<1x200xi32, #tpu.memory_space<hbm>> -> memref<200xi32, #tpu.memory_space<hbm>>
        tpu.wait_dma2 semaphore(%run_scoped3A : memref<!tpu.dma_semaphore, #tpu.memory_space<semaphore_mem>>) src(%dma_wait3A_53 : memref<200xi32, #tpu.memory_space<hbm>>) dst(%arg5 : memref<200xi32, #tpu.memory_space<vmem>>)
        tpu.yield
      }) : () -> ()
      %dma_start3A = arith.constant 0 : i32
      %dma_start3A_12 = arith.constant 0 : i32
      %dma_start3A_13 = tpu.memref_slice %arg6[%dma_start3A, %dma_start3A_12] : memref<200x128xf32, #tpu.memory_space<vmem>> -> memref<104x128xf32, #tpu.memory_space<vmem>>
      %dma_start3A_14 = arith.constant 0 : i32
      %dma_start3A_15 = tpu.memref_slice %arg5[%dma_start3A_14] : memref<200xi32, #tpu.memory_space<vmem>> -> memref<104xi32, #tpu.memory_space<vmem>>
      %dma_start3A_16 = arith.constant 0 : i32
      %dma_start3A_17 = arith.constant 0 : i32
      %dma_start3A_18 = tpu.memref_slice %arg3[%dma_start3A_16, %dma_start3A_17] : memref<100001x128xf32, #tpu.memory_space<hbm>> -> memref<100001x128xf32, #tpu.memory_space<hbm>>
      tpu.enqueue_indirect_dma source(%dma_start3A_18 : memref<100001x128xf32, #tpu.memory_space<hbm>>) target(%dma_start3A_13 : memref<104x128xf32, #tpu.memory_space<vmem>>) offsets(%dma_start3A_15 : memref<104xi32, #tpu.memory_space<vmem>>) semaphore(%arg7 : memref<!tpu.dma_semaphore, #tpu.memory_space<semaphore_mem>>)
      %dma_start3A_19 = arith.constant 104 : i32
      %dma_start3A_20 = arith.constant 0 : i32
      %dma_start3A_21 = tpu.memref_slice %arg6[%dma_start3A_19, %dma_start3A_20] : memref<200x128xf32, #tpu.memory_space<vmem>> -> memref<96x128xf32, #tpu.memory_space<vmem>>
      %dma_start3A_22 = arith.constant 104 : i32
      %dma_start3A_23 = tpu.memref_slice %arg5[%dma_start3A_22] : memref<200xi32, #tpu.memory_space<vmem>> -> memref<96xi32, #tpu.memory_space<vmem>>
      %dma_start3A_24 = arith.constant 0 : i32
      %dma_start3A_25 = arith.constant 0 : i32
      %dma_start3A_26 = tpu.memref_slice %arg3[%dma_start3A_24, %dma_start3A_25] : memref<100001x128xf32, #tpu.memory_space<hbm>> -> memref<100001x128xf32, #tpu.memory_space<hbm>>
      tpu.enqueue_indirect_dma source(%dma_start3A_26 : memref<100001x128xf32, #tpu.memory_space<hbm>>) target(%dma_start3A_21 : memref<96x128xf32, #tpu.memory_space<vmem>>) offsets(%dma_start3A_23 : memref<96xi32, #tpu.memory_space<vmem>>) semaphore(%arg7 : memref<!tpu.dma_semaphore, #tpu.memory_space<semaphore_mem>>)
      %dma_wait3A = arith.constant 0 : i32
      %dma_wait3A_27 = arith.constant 0 : i32
      %dma_wait3A_28 = tpu.memref_slice %arg6[%dma_wait3A, %dma_wait3A_27] : memref<200x128xf32, #tpu.memory_space<vmem>> -> memref<104x128xf32, #tpu.memory_space<vmem>>
      %dma_wait3A_29 = arith.constant 0 : i32
      %dma_wait3A_30 = tpu.memref_slice %arg5[%dma_wait3A_29] : memref<200xi32, #tpu.memory_space<vmem>> -> memref<104xi32, #tpu.memory_space<vmem>>
      %dma_wait3A_31 = arith.constant 0 : i32
      %dma_wait3A_32 = arith.constant 0 : i32
      %dma_wait3A_33 = tpu.memref_slice %arg3[%dma_wait3A_31, %dma_wait3A_32] : memref<100001x128xf32, #tpu.memory_space<hbm>> -> memref<100001x128xf32, #tpu.memory_space<hbm>>
      tpu.wait_indirect_dma semaphore(%arg7 : memref<!tpu.dma_semaphore, #tpu.memory_space<semaphore_mem>>) src(%dma_wait3A_33 : memref<100001x128xf32, #tpu.memory_space<hbm>>) dst(%dma_wait3A_28 : memref<104x128xf32, #tpu.memory_space<vmem>>)
      %dma_wait3A_34 = arith.constant 104 : i32
      %dma_wait3A_35 = arith.constant 0 : i32
      %dma_wait3A_36 = tpu.memref_slice %arg6[%dma_wait3A_34, %dma_wait3A_35] : memref<200x128xf32, #tpu.memory_space<vmem>> -> memref<96x128xf32, #tpu.memory_space<vmem>>
      %dma_wait3A_37 = arith.constant 104 : i32
      %dma_wait3A_38 = tpu.memref_slice %arg5[%dma_wait3A_37] : memref<200xi32, #tpu.memory_space<vmem>> -> memref<96xi32, #tpu.memory_space<vmem>>
      %dma_wait3A_39 = arith.constant 0 : i32
      %dma_wait3A_40 = arith.constant 0 : i32
      %dma_wait3A_41 = tpu.memref_slice %arg3[%dma_wait3A_39, %dma_wait3A_40] : memref<100001x128xf32, #tpu.memory_space<hbm>> -> memref<100001x128xf32, #tpu.memory_space<hbm>>
      tpu.wait_indirect_dma semaphore(%arg7 : memref<!tpu.dma_semaphore, #tpu.memory_space<semaphore_mem>>) src(%dma_wait3A_41 : memref<100001x128xf32, #tpu.memory_space<hbm>>) dst(%dma_wait3A_36 : memref<96x128xf32, #tpu.memory_space<vmem>>)
      "tpu.region"() ({
        %run_scoped3A = tpu.sem_alloc : memref<!tpu.dma_semaphore, #tpu.memory_space<semaphore_mem>>
        %dma_start3A_42 = arith.constant 0 : i32
        %dma_start3A_43 = arith.constant 0 : i32
        %dma_start3A_44 = tpu.memref_slice %arg4[%add3A_9, %dma_start3A_42, %dma_start3A_43] : memref<1536x200x128xf32, #tpu.memory_space<hbm>> -> memref<1x200x128xf32, #tpu.memory_space<hbm>>
        %dma_start3A_45 = tpu.memref_squeeze %dma_start3A_44 : memref<1x200x128xf32, #tpu.memory_space<hbm>> -> memref<200x128xf32, #tpu.memory_space<hbm>>
        %dma_start3A_46 = arith.constant 0 : i32
        %dma_start3A_47 = arith.constant 0 : i32
        %dma_start3A_48 = tpu.memref_slice %arg4[%add3A_9, %dma_start3A_46, %dma_start3A_47] : memref<1536x200x128xf32, #tpu.memory_space<hbm>> -> memref<1x200x128xf32, #tpu.memory_space<hbm>>
        %dma_start3A_49 = tpu.memref_squeeze %dma_start3A_48 : memref<1x200x128xf32, #tpu.memory_space<hbm>> -> memref<200x128xf32, #tpu.memory_space<hbm>>
        tpu.enqueue_dma source(%arg6 : memref<200x128xf32, #tpu.memory_space<vmem>>) target(%dma_start3A_49 : memref<200x128xf32, #tpu.memory_space<hbm>>) target_semaphore(%run_scoped3A : memref<!tpu.dma_semaphore, #tpu.memory_space<semaphore_mem>>)
        %dma_wait3A_50 = arith.constant 0 : i32
        %dma_wait3A_51 = arith.constant 0 : i32
        %dma_wait3A_52 = tpu.memref_slice %arg4[%add3A_9, %dma_wait3A_50, %dma_wait3A_51] : memref<1536x200x128xf32, #tpu.memory_space<hbm>> -> memref<1x200x128xf32, #tpu.memory_space<hbm>>
        %dma_wait3A_53 = tpu.memref_squeeze %dma_wait3A_52 : memref<1x200x128xf32, #tpu.memory_space<hbm>> -> memref<200x128xf32, #tpu.memory_space<hbm>>
        %dma_wait3A_54 = arith.constant 0 : i32
        %dma_wait3A_55 = arith.constant 0 : i32
        %dma_wait3A_56 = tpu.memref_slice %arg4[%add3A_9, %dma_wait3A_54, %dma_wait3A_55] : memref<1536x200x128xf32, #tpu.memory_space<hbm>> -> memref<1x200x128xf32, #tpu.memory_space<hbm>>
        %dma_wait3A_57 = tpu.memref_squeeze %dma_wait3A_56 : memref<1x200x128xf32, #tpu.memory_space<hbm>> -> memref<200x128xf32, #tpu.memory_space<hbm>>
        tpu.wait_dma2 semaphore(%run_scoped3A : memref<!tpu.dma_semaphore, #tpu.memory_space<semaphore_mem>>) src(%arg6 : memref<200x128xf32, #tpu.memory_space<vmem>>) dst(%dma_wait3A_57 : memref<200x128xf32, #tpu.memory_space<hbm>>)
        tpu.yield
      }) : () -> ()
    }
    %scan3A_7 = arith.constant 48 : i32
    return
  }
}

#map = affine_map<(d0, d1) -> (0, 0)>
#map1 = affine_map<(d0, d1) -> (0, 0, 0)>
module attributes {stable_mosaic.version = 14 : i64} {
  func.func @_sc_gather(%arg0: i32, %arg1: i32, %arg2: memref<4096x200xi32, #tpu.memory_space<hbm>>, %arg3: memref<100001x128xf32, #tpu.memory_space<hbm>>, %arg4: memref<512x200x128xf32, #tpu.memory_space<hbm>>, %arg5: memref<200xi32, #tpu.memory_space<vmem>>, %arg6: memref<200x128xf32, #tpu.memory_space<vmem>>, %arg7: memref<!tpu.dma_semaphore, #tpu.memory_space<semaphore_mem>>) attributes {dimension_semantics = [#tpu.dimension_semantics<core_parallel>, #tpu.dimension_semantics<subcore_parallel>], iteration_bounds = array<i64: 2, 16>, scalar_prefetch = 0 : i64, scratch_operands = 3 : i64, tpu.core_type = #tpu.core_type<sc_vector_subcore>, window_params = [{transform_indices = #map}, {transform_indices = #map}, {transform_indices = #map1}]} {
    %mul3A = arith.constant 2 : i32
    %mul3A_0 = arith.muli %arg1, %mul3A : i32
    %add3A = arith.addi %mul3A_0, %arg0 : i32
    %mul3A_1 = arith.constant 16 : i32
    %mul3A_2 = arith.muli %add3A, %mul3A_1 : i32
    %scan3A = arith.constant 0 : i32
    %scan3A_3 = arith.constant 0 : i32
    %scan3A_4 = arith.constant 16 : i32
    %scan3A_5 = arith.addi %scan3A_3, %scan3A_4 : i32
    %scan3A_6 = arith.constant 1 : i32
    scf.for %scan3A_8 = %scan3A_3 to %scan3A_5 step %scan3A_6  : i32 {
      %add3A_9 = arith.addi %mul3A_2, %scan3A_8 : i32
      %add3A_10 = arith.constant 3584 : i32
      %add3A_11 = arith.addi %add3A_10, %add3A_9 : i32
      "tpu.region"() ({
        %run_scoped3A = tpu.sem_alloc : memref<!tpu.dma_semaphore, #tpu.memory_space<semaphore_mem>>
        %dma_start3A_42 = arith.constant 0 : i32
        %dma_start3A_43 = tpu.memref_slice %arg2[%add3A_11, %dma_start3A_42] : memref<4096x200xi32, #tpu.memory_space<hbm>> -> memref<1x200xi32, #tpu.memory_space<hbm>>
        %dma_start3A_44 = tpu.memref_squeeze %dma_start3A_43 : memref<1x200xi32, #tpu.memory_space<hbm>> -> memref<200xi32, #tpu.memory_space<hbm>>
        %dma_start3A_45 = arith.constant 0 : i32
        %dma_start3A_46 = tpu.memref_slice %arg2[%add3A_11, %dma_start3A_45] : memref<4096x200xi32, #tpu.memory_space<hbm>> -> memref<1x200xi32, #tpu.memory_space<hbm>>
        %dma_start3A_47 = tpu.memref_squeeze %dma_start3A_46 : memref<1x200xi32, #tpu.memory_space<hbm>> -> memref<200xi32, #tpu.memory_space<hbm>>
        tpu.enqueue_dma source(%dma_start3A_47 : memref<200xi32, #tpu.memory_space<hbm>>) target(%arg5 : memref<200xi32, #tpu.memory_space<vmem>>) target_semaphore(%run_scoped3A : memref<!tpu.dma_semaphore, #tpu.memory_space<semaphore_mem>>)
        %dma_wait3A_48 = arith.constant 0 : i32
        %dma_wait3A_49 = tpu.memref_slice %arg2[%add3A_11, %dma_wait3A_48] : memref<4096x200xi32, #tpu.memory_space<hbm>> -> memref<1x200xi32, #tpu.memory_space<hbm>>
        %dma_wait3A_50 = tpu.memref_squeeze %dma_wait3A_49 : memref<1x200xi32, #tpu.memory_space<hbm>> -> memref<200xi32, #tpu.memory_space<hbm>>
        %dma_wait3A_51 = arith.constant 0 : i32
        %dma_wait3A_52 = tpu.memref_slice %arg2[%add3A_11, %dma_wait3A_51] : memref<4096x200xi32, #tpu.memory_space<hbm>> -> memref<1x200xi32, #tpu.memory_space<hbm>>
        %dma_wait3A_53 = tpu.memref_squeeze %dma_wait3A_52 : memref<1x200xi32, #tpu.memory_space<hbm>> -> memref<200xi32, #tpu.memory_space<hbm>>
        tpu.wait_dma2 semaphore(%run_scoped3A : memref<!tpu.dma_semaphore, #tpu.memory_space<semaphore_mem>>) src(%dma_wait3A_53 : memref<200xi32, #tpu.memory_space<hbm>>) dst(%arg5 : memref<200xi32, #tpu.memory_space<vmem>>)
        tpu.yield
      }) : () -> ()
      %dma_start3A = arith.constant 0 : i32
      %dma_start3A_12 = arith.constant 0 : i32
      %dma_start3A_13 = tpu.memref_slice %arg6[%dma_start3A, %dma_start3A_12] : memref<200x128xf32, #tpu.memory_space<vmem>> -> memref<104x128xf32, #tpu.memory_space<vmem>>
      %dma_start3A_14 = arith.constant 0 : i32
      %dma_start3A_15 = tpu.memref_slice %arg5[%dma_start3A_14] : memref<200xi32, #tpu.memory_space<vmem>> -> memref<104xi32, #tpu.memory_space<vmem>>
      %dma_start3A_16 = arith.constant 0 : i32
      %dma_start3A_17 = arith.constant 0 : i32
      %dma_start3A_18 = tpu.memref_slice %arg3[%dma_start3A_16, %dma_start3A_17] : memref<100001x128xf32, #tpu.memory_space<hbm>> -> memref<100001x128xf32, #tpu.memory_space<hbm>>
      tpu.enqueue_indirect_dma source(%dma_start3A_18 : memref<100001x128xf32, #tpu.memory_space<hbm>>) target(%dma_start3A_13 : memref<104x128xf32, #tpu.memory_space<vmem>>) offsets(%dma_start3A_15 : memref<104xi32, #tpu.memory_space<vmem>>) semaphore(%arg7 : memref<!tpu.dma_semaphore, #tpu.memory_space<semaphore_mem>>)
      %dma_start3A_19 = arith.constant 104 : i32
      %dma_start3A_20 = arith.constant 0 : i32
      %dma_start3A_21 = tpu.memref_slice %arg6[%dma_start3A_19, %dma_start3A_20] : memref<200x128xf32, #tpu.memory_space<vmem>> -> memref<96x128xf32, #tpu.memory_space<vmem>>
      %dma_start3A_22 = arith.constant 104 : i32
      %dma_start3A_23 = tpu.memref_slice %arg5[%dma_start3A_22] : memref<200xi32, #tpu.memory_space<vmem>> -> memref<96xi32, #tpu.memory_space<vmem>>
      %dma_start3A_24 = arith.constant 0 : i32
      %dma_start3A_25 = arith.constant 0 : i32
      %dma_start3A_26 = tpu.memref_slice %arg3[%dma_start3A_24, %dma_start3A_25] : memref<100001x128xf32, #tpu.memory_space<hbm>> -> memref<100001x128xf32, #tpu.memory_space<hbm>>
      tpu.enqueue_indirect_dma source(%dma_start3A_26 : memref<100001x128xf32, #tpu.memory_space<hbm>>) target(%dma_start3A_21 : memref<96x128xf32, #tpu.memory_space<vmem>>) offsets(%dma_start3A_23 : memref<96xi32, #tpu.memory_space<vmem>>) semaphore(%arg7 : memref<!tpu.dma_semaphore, #tpu.memory_space<semaphore_mem>>)
      %dma_wait3A = arith.constant 0 : i32
      %dma_wait3A_27 = arith.constant 0 : i32
      %dma_wait3A_28 = tpu.memref_slice %arg6[%dma_wait3A, %dma_wait3A_27] : memref<200x128xf32, #tpu.memory_space<vmem>> -> memref<104x128xf32, #tpu.memory_space<vmem>>
      %dma_wait3A_29 = arith.constant 0 : i32
      %dma_wait3A_30 = tpu.memref_slice %arg5[%dma_wait3A_29] : memref<200xi32, #tpu.memory_space<vmem>> -> memref<104xi32, #tpu.memory_space<vmem>>
      %dma_wait3A_31 = arith.constant 0 : i32
      %dma_wait3A_32 = arith.constant 0 : i32
      %dma_wait3A_33 = tpu.memref_slice %arg3[%dma_wait3A_31, %dma_wait3A_32] : memref<100001x128xf32, #tpu.memory_space<hbm>> -> memref<100001x128xf32, #tpu.memory_space<hbm>>
      tpu.wait_indirect_dma semaphore(%arg7 : memref<!tpu.dma_semaphore, #tpu.memory_space<semaphore_mem>>) src(%dma_wait3A_33 : memref<100001x128xf32, #tpu.memory_space<hbm>>) dst(%dma_wait3A_28 : memref<104x128xf32, #tpu.memory_space<vmem>>)
      %dma_wait3A_34 = arith.constant 104 : i32
      %dma_wait3A_35 = arith.constant 0 : i32
      %dma_wait3A_36 = tpu.memref_slice %arg6[%dma_wait3A_34, %dma_wait3A_35] : memref<200x128xf32, #tpu.memory_space<vmem>> -> memref<96x128xf32, #tpu.memory_space<vmem>>
      %dma_wait3A_37 = arith.constant 104 : i32
      %dma_wait3A_38 = tpu.memref_slice %arg5[%dma_wait3A_37] : memref<200xi32, #tpu.memory_space<vmem>> -> memref<96xi32, #tpu.memory_space<vmem>>
      %dma_wait3A_39 = arith.constant 0 : i32
      %dma_wait3A_40 = arith.constant 0 : i32
      %dma_wait3A_41 = tpu.memref_slice %arg3[%dma_wait3A_39, %dma_wait3A_40] : memref<100001x128xf32, #tpu.memory_space<hbm>> -> memref<100001x128xf32, #tpu.memory_space<hbm>>
      tpu.wait_indirect_dma semaphore(%arg7 : memref<!tpu.dma_semaphore, #tpu.memory_space<semaphore_mem>>) src(%dma_wait3A_41 : memref<100001x128xf32, #tpu.memory_space<hbm>>) dst(%dma_wait3A_36 : memref<96x128xf32, #tpu.memory_space<vmem>>)
      "tpu.region"() ({
        %run_scoped3A = tpu.sem_alloc : memref<!tpu.dma_semaphore, #tpu.memory_space<semaphore_mem>>
        %dma_start3A_42 = arith.constant 0 : i32
        %dma_start3A_43 = arith.constant 0 : i32
        %dma_start3A_44 = tpu.memref_slice %arg4[%add3A_9, %dma_start3A_42, %dma_start3A_43] : memref<512x200x128xf32, #tpu.memory_space<hbm>> -> memref<1x200x128xf32, #tpu.memory_space<hbm>>
        %dma_start3A_45 = tpu.memref_squeeze %dma_start3A_44 : memref<1x200x128xf32, #tpu.memory_space<hbm>> -> memref<200x128xf32, #tpu.memory_space<hbm>>
        %dma_start3A_46 = arith.constant 0 : i32
        %dma_start3A_47 = arith.constant 0 : i32
        %dma_start3A_48 = tpu.memref_slice %arg4[%add3A_9, %dma_start3A_46, %dma_start3A_47] : memref<512x200x128xf32, #tpu.memory_space<hbm>> -> memref<1x200x128xf32, #tpu.memory_space<hbm>>
        %dma_start3A_49 = tpu.memref_squeeze %dma_start3A_48 : memref<1x200x128xf32, #tpu.memory_space<hbm>> -> memref<200x128xf32, #tpu.memory_space<hbm>>
        tpu.enqueue_dma source(%arg6 : memref<200x128xf32, #tpu.memory_space<vmem>>) target(%dma_start3A_49 : memref<200x128xf32, #tpu.memory_space<hbm>>) target_semaphore(%run_scoped3A : memref<!tpu.dma_semaphore, #tpu.memory_space<semaphore_mem>>)
        %dma_wait3A_50 = arith.constant 0 : i32
        %dma_wait3A_51 = arith.constant 0 : i32
        %dma_wait3A_52 = tpu.memref_slice %arg4[%add3A_9, %dma_wait3A_50, %dma_wait3A_51] : memref<512x200x128xf32, #tpu.memory_space<hbm>> -> memref<1x200x128xf32, #tpu.memory_space<hbm>>
        %dma_wait3A_53 = tpu.memref_squeeze %dma_wait3A_52 : memref<1x200x128xf32, #tpu.memory_space<hbm>> -> memref<200x128xf32, #tpu.memory_space<hbm>>
        %dma_wait3A_54 = arith.constant 0 : i32
        %dma_wait3A_55 = arith.constant 0 : i32
        %dma_wait3A_56 = tpu.memref_slice %arg4[%add3A_9, %dma_wait3A_54, %dma_wait3A_55] : memref<512x200x128xf32, #tpu.memory_space<hbm>> -> memref<1x200x128xf32, #tpu.memory_space<hbm>>
        %dma_wait3A_57 = tpu.memref_squeeze %dma_wait3A_56 : memref<1x200x128xf32, #tpu.memory_space<hbm>> -> memref<200x128xf32, #tpu.memory_space<hbm>>
        tpu.wait_dma2 semaphore(%run_scoped3A : memref<!tpu.dma_semaphore, #tpu.memory_space<semaphore_mem>>) src(%arg6 : memref<200x128xf32, #tpu.memory_space<vmem>>) dst(%dma_wait3A_57 : memref<200x128xf32, #tpu.memory_space<hbm>>)
        tpu.yield
      }) : () -> ()
    }
    %scan3A_7 = arith.constant 16 : i32
    return
  }
}

module attributes {stable_mosaic.version = 14 : i64} {
  func.func @_tc_body(%arg0: i32, %arg1: i32, %arg2: memref<256x40x128xf32, #tpu.memory_space<vmem>>, %arg3: memref<5120x512xbf16, #tpu.memory_space<vmem>>, %arg4: memref<1x512xf32, #tpu.memory_space<vmem>>, %arg5: memref<256x2xf32, #tpu.memory_space<vmem>>, %arg6: memref<2x2xf32, #tpu.memory_space<vmem>>, %arg7: memref<1x2xf32, #tpu.memory_space<vmem>>, %arg8: memref<8x514xf32, #tpu.memory_space<vmem>>, %arg9: memref<256x514xf32, #tpu.memory_space<vmem>>, %arg10: memref<6x256x512xf32, #tpu.memory_space<vmem>>) attributes {dimension_semantics = [#tpu.dimension_semantics<arbitrary>, #tpu.dimension_semantics<arbitrary>], iteration_bounds = array<i64: 5, 6>, scalar_prefetch = 0 : i64, scratch_operands = 1 : i64, tpu.core_type = #tpu.core_type<tc>, window_params = [{transform_indices = @transform_0, window_bounds = array<i64: 256, 40, 128>}, {transform_indices = @transform_1, window_bounds = array<i64: 5120, 512>}, {pipeline_mode = #tpu.pipeline_mode<synchronous>, transform_indices = @transform_2, window_bounds = array<i64: 1, 512>}, {transform_indices = @transform_3, window_bounds = array<i64: 256, 2>}, {pipeline_mode = #tpu.pipeline_mode<synchronous>, transform_indices = @transform_4, window_bounds = array<i64: 2, 2>}, {pipeline_mode = #tpu.pipeline_mode<synchronous>, transform_indices = @transform_5, window_bounds = array<i64: 1, 2>}, {transform_indices = @transform_6, window_bounds = array<i64: 8, 514>}, {transform_indices = @transform_7, window_bounds = array<i64: 256, 514>}]} {
    %get3A = arith.constant 0 : index
    %get3A_0 = arith.constant 0 : index
    %get3A_1 = arith.constant 0 : index
    %get3A_2 = vector.load %arg2[%get3A, %get3A_0, %get3A_1] : memref<256x40x128xf32, #tpu.memory_space<vmem>>, vector<256x1x128xf32>
    %get3A_3 = vector.shape_cast %get3A_2 : vector<256x1x128xf32> to vector<256x128xf32>
    %get3A_4 = arith.constant 0 : index
    %get3A_5 = arith.constant 1 : index
    %get3A_6 = arith.constant 0 : index
    %get3A_7 = vector.load %arg2[%get3A_4, %get3A_5, %get3A_6] : memref<256x40x128xf32, #tpu.memory_space<vmem>>, vector<256x1x128xf32>
    %get3A_8 = vector.shape_cast %get3A_7 : vector<256x1x128xf32> to vector<256x128xf32>
    %concatenate3A = tpu.concatenate %get3A_3, %get3A_8 in 1 : vector<256x128xf32>, vector<256x128xf32> -> vector<256x256xf32>
    %convert_element_type3A = arith.truncf %concatenate3A : vector<256x256xf32> to vector<256x256xbf16>
    %get3A_9 = arith.constant 0 : index
    %get3A_10 = arith.constant 0 : index
    %get3A_11 = vector.load %arg3[%get3A_9, %get3A_10] : memref<5120x512xbf16, #tpu.memory_space<vmem>>, vector<256x512xbf16>
    %dot_general3A = arith.constant dense<0.000000e+00> : vector<256x512xf32>
    %dot_general3A_12 = tpu.matmul %convert_element_type3A, %get3A_11, %dot_general3A {dimension_numbers = #tpu.dot_dimension_numbers<[1], [0], [0], [1], [0, 0, 1, 1], [], []>, transpose_lhs_hint = false} : vector<256x256xbf16>, vector<256x512xbf16>, vector<256x512xf32> -> vector<256x512xf32>
    %get3A_13 = arith.constant 0 : index
    %get3A_14 = arith.constant 2 : index
    %get3A_15 = arith.constant 0 : index
    %get3A_16 = vector.load %arg2[%get3A_13, %get3A_14, %get3A_15] : memref<256x40x128xf32, #tpu.memory_space<vmem>>, vector<256x1x128xf32>
    %get3A_17 = vector.shape_cast %get3A_16 : vector<256x1x128xf32> to vector<256x128xf32>
    %get3A_18 = arith.constant 0 : index
    %get3A_19 = arith.constant 3 : index
    %get3A_20 = arith.constant 0 : index
    %get3A_21 = vector.load %arg2[%get3A_18, %get3A_19, %get3A_20] : memref<256x40x128xf32, #tpu.memory_space<vmem>>, vector<256x1x128xf32>
    %get3A_22 = vector.shape_cast %get3A_21 : vector<256x1x128xf32> to vector<256x128xf32>
    %concatenate3A_23 = tpu.concatenate %get3A_17, %get3A_22 in 1 : vector<256x128xf32>, vector<256x128xf32> -> vector<256x256xf32>
    %convert_element_type3A_24 = arith.truncf %concatenate3A_23 : vector<256x256xf32> to vector<256x256xbf16>
    %get3A_25 = arith.constant 256 : index
    %get3A_26 = arith.constant 0 : index
    %get3A_27 = vector.load %arg3[%get3A_25, %get3A_26] : memref<5120x512xbf16, #tpu.memory_space<vmem>>, vector<256x512xbf16>
    %dot_general3A_28 = arith.constant dense<0.000000e+00> : vector<256x512xf32>
    %dot_general3A_29 = tpu.matmul %convert_element_type3A_24, %get3A_27, %dot_general3A_28 {dimension_numbers = #tpu.dot_dimension_numbers<[1], [0], [0], [1], [0, 0, 1, 1], [], []>, transpose_lhs_hint = false} : vector<256x256xbf16>, vector<256x512xbf16>, vector<256x512xf32> -> vector<256x512xf32>
    %add3A = arith.addf %dot_general3A_12, %dot_general3A_29 : vector<256x512xf32>
    %get3A_30 = arith.constant 0 : index
    %get3A_31 = arith.constant 4 : index
    %get3A_32 = arith.constant 0 : index
    %get3A_33 = vector.load %arg2[%get3A_30, %get3A_31, %get3A_32] : memref<256x40x128xf32, #tpu.memory_space<vmem>>, vector<256x1x128xf32>
    %get3A_34 = vector.shape_cast %get3A_33 : vector<256x1x128xf32> to vector<256x128xf32>
    %get3A_35 = arith.constant 0 : index
    %get3A_36 = arith.constant 5 : index
    %get3A_37 = arith.constant 0 : index
    %get3A_38 = vector.load %arg2[%get3A_35, %get3A_36, %get3A_37] : memref<256x40x128xf32, #tpu.memory_space<vmem>>, vector<256x1x128xf32>
    %get3A_39 = vector.shape_cast %get3A_38 : vector<256x1x128xf32> to vector<256x128xf32>
    %concatenate3A_40 = tpu.concatenate %get3A_34, %get3A_39 in 1 : vector<256x128xf32>, vector<256x128xf32> -> vector<256x256xf32>
    %convert_element_type3A_41 = arith.truncf %concatenate3A_40 : vector<256x256xf32> to vector<256x256xbf16>
    %get3A_42 = arith.constant 512 : index
    %get3A_43 = arith.constant 0 : index
    %get3A_44 = vector.load %arg3[%get3A_42, %get3A_43] : memref<5120x512xbf16, #tpu.memory_space<vmem>>, vector<256x512xbf16>
    %dot_general3A_45 = arith.constant dense<0.000000e+00> : vector<256x512xf32>
    %dot_general3A_46 = tpu.matmul %convert_element_type3A_41, %get3A_44, %dot_general3A_45 {dimension_numbers = #tpu.dot_dimension_numbers<[1], [0], [0], [1], [0, 0, 1, 1], [], []>, transpose_lhs_hint = false} : vector<256x256xbf16>, vector<256x512xbf16>, vector<256x512xf32> -> vector<256x512xf32>
    %add3A_47 = arith.addf %add3A, %dot_general3A_46 : vector<256x512xf32>
    %get3A_48 = arith.constant 0 : index
    %get3A_49 = arith.constant 6 : index
    %get3A_50 = arith.constant 0 : index
    %get3A_51 = vector.load %arg2[%get3A_48, %get3A_49, %get3A_50] : memref<256x40x128xf32, #tpu.memory_space<vmem>>, vector<256x1x128xf32>
    %get3A_52 = vector.shape_cast %get3A_51 : vector<256x1x128xf32> to vector<256x128xf32>
    %get3A_53 = arith.constant 0 : index
    %get3A_54 = arith.constant 7 : index
    %get3A_55 = arith.constant 0 : index
    %get3A_56 = vector.load %arg2[%get3A_53, %get3A_54, %get3A_55] : memref<256x40x128xf32, #tpu.memory_space<vmem>>, vector<256x1x128xf32>
    %get3A_57 = vector.shape_cast %get3A_56 : vector<256x1x128xf32> to vector<256x128xf32>
    %concatenate3A_58 = tpu.concatenate %get3A_52, %get3A_57 in 1 : vector<256x128xf32>, vector<256x128xf32> -> vector<256x256xf32>
    %convert_element_type3A_59 = arith.truncf %concatenate3A_58 : vector<256x256xf32> to vector<256x256xbf16>
    %get3A_60 = arith.constant 768 : index
    %get3A_61 = arith.constant 0 : index
    %get3A_62 = vector.load %arg3[%get3A_60, %get3A_61] : memref<5120x512xbf16, #tpu.memory_space<vmem>>, vector<256x512xbf16>
    %dot_general3A_63 = arith.constant dense<0.000000e+00> : vector<256x512xf32>
    %dot_general3A_64 = tpu.matmul %convert_element_type3A_59, %get3A_62, %dot_general3A_63 {dimension_numbers = #tpu.dot_dimension_numbers<[1], [0], [0], [1], [0, 0, 1, 1], [], []>, transpose_lhs_hint = false} : vector<256x256xbf16>, vector<256x512xbf16>, vector<256x512xf32> -> vector<256x512xf32>
    %add3A_65 = arith.addf %add3A_47, %dot_general3A_64 : vector<256x512xf32>
    %get3A_66 = arith.constant 0 : index
    %get3A_67 = arith.constant 8 : index
    %get3A_68 = arith.constant 0 : index
    %get3A_69 = vector.load %arg2[%get3A_66, %get3A_67, %get3A_68] : memref<256x40x128xf32, #tpu.memory_space<vmem>>, vector<256x1x128xf32>
    %get3A_70 = vector.shape_cast %get3A_69 : vector<256x1x128xf32> to vector<256x128xf32>
    %get3A_71 = arith.constant 0 : index
    %get3A_72 = arith.constant 9 : index
    %get3A_73 = arith.constant 0 : index
    %get3A_74 = vector.load %arg2[%get3A_71, %get3A_72, %get3A_73] : memref<256x40x128xf32, #tpu.memory_space<vmem>>, vector<256x1x128xf32>
    %get3A_75 = vector.shape_cast %get3A_74 : vector<256x1x128xf32> to vector<256x128xf32>
    %concatenate3A_76 = tpu.concatenate %get3A_70, %get3A_75 in 1 : vector<256x128xf32>, vector<256x128xf32> -> vector<256x256xf32>
    %convert_element_type3A_77 = arith.truncf %concatenate3A_76 : vector<256x256xf32> to vector<256x256xbf16>
    %get3A_78 = arith.constant 1024 : index
    %get3A_79 = arith.constant 0 : index
    %get3A_80 = vector.load %arg3[%get3A_78, %get3A_79] : memref<5120x512xbf16, #tpu.memory_space<vmem>>, vector<256x512xbf16>
    %dot_general3A_81 = arith.constant dense<0.000000e+00> : vector<256x512xf32>
    %dot_general3A_82 = tpu.matmul %convert_element_type3A_77, %get3A_80, %dot_general3A_81 {dimension_numbers = #tpu.dot_dimension_numbers<[1], [0], [0], [1], [0, 0, 1, 1], [], []>, transpose_lhs_hint = false} : vector<256x256xbf16>, vector<256x512xbf16>, vector<256x512xf32> -> vector<256x512xf32>
    %add3A_83 = arith.addf %add3A_65, %dot_general3A_82 : vector<256x512xf32>
    %get3A_84 = arith.constant 0 : index
    %get3A_85 = arith.constant 10 : index
    %get3A_86 = arith.constant 0 : index
    %get3A_87 = vector.load %arg2[%get3A_84, %get3A_85, %get3A_86] : memref<256x40x128xf32, #tpu.memory_space<vmem>>, vector<256x1x128xf32>
    %get3A_88 = vector.shape_cast %get3A_87 : vector<256x1x128xf32> to vector<256x128xf32>
    %get3A_89 = arith.constant 0 : index
    %get3A_90 = arith.constant 11 : index
    %get3A_91 = arith.constant 0 : index
    %get3A_92 = vector.load %arg2[%get3A_89, %get3A_90, %get3A_91] : memref<256x40x128xf32, #tpu.memory_space<vmem>>, vector<256x1x128xf32>
    %get3A_93 = vector.shape_cast %get3A_92 : vector<256x1x128xf32> to vector<256x128xf32>
    %concatenate3A_94 = tpu.concatenate %get3A_88, %get3A_93 in 1 : vector<256x128xf32>, vector<256x128xf32> -> vector<256x256xf32>
    %convert_element_type3A_95 = arith.truncf %concatenate3A_94 : vector<256x256xf32> to vector<256x256xbf16>
    %get3A_96 = arith.constant 1280 : index
    %get3A_97 = arith.constant 0 : index
    %get3A_98 = vector.load %arg3[%get3A_96, %get3A_97] : memref<5120x512xbf16, #tpu.memory_space<vmem>>, vector<256x512xbf16>
    %dot_general3A_99 = arith.constant dense<0.000000e+00> : vector<256x512xf32>
    %dot_general3A_100 = tpu.matmul %convert_element_type3A_95, %get3A_98, %dot_general3A_99 {dimension_numbers = #tpu.dot_dimension_numbers<[1], [0], [0], [1], [0, 0, 1, 1], [], []>, transpose_lhs_hint = false} : vector<256x256xbf16>, vector<256x512xbf16>, vector<256x512xf32> -> vector<256x512xf32>
    %add3A_101 = arith.addf %add3A_83, %dot_general3A_100 : vector<256x512xf32>
    %get3A_102 = arith.constant 0 : index
    %get3A_103 = arith.constant 12 : index
    %get3A_104 = arith.constant 0 : index
    %get3A_105 = vector.load %arg2[%get3A_102, %get3A_103, %get3A_104] : memref<256x40x128xf32, #tpu.memory_space<vmem>>, vector<256x1x128xf32>
    %get3A_106 = vector.shape_cast %get3A_105 : vector<256x1x128xf32> to vector<256x128xf32>
    %get3A_107 = arith.constant 0 : index
    %get3A_108 = arith.constant 13 : index
    %get3A_109 = arith.constant 0 : index
    %get3A_110 = vector.load %arg2[%get3A_107, %get3A_108, %get3A_109] : memref<256x40x128xf32, #tpu.memory_space<vmem>>, vector<256x1x128xf32>
    %get3A_111 = vector.shape_cast %get3A_110 : vector<256x1x128xf32> to vector<256x128xf32>
    %concatenate3A_112 = tpu.concatenate %get3A_106, %get3A_111 in 1 : vector<256x128xf32>, vector<256x128xf32> -> vector<256x256xf32>
    %convert_element_type3A_113 = arith.truncf %concatenate3A_112 : vector<256x256xf32> to vector<256x256xbf16>
    %get3A_114 = arith.constant 1536 : index
    %get3A_115 = arith.constant 0 : index
    %get3A_116 = vector.load %arg3[%get3A_114, %get3A_115] : memref<5120x512xbf16, #tpu.memory_space<vmem>>, vector<256x512xbf16>
    %dot_general3A_117 = arith.constant dense<0.000000e+00> : vector<256x512xf32>
    %dot_general3A_118 = tpu.matmul %convert_element_type3A_113, %get3A_116, %dot_general3A_117 {dimension_numbers = #tpu.dot_dimension_numbers<[1], [0], [0], [1], [0, 0, 1, 1], [], []>, transpose_lhs_hint = false} : vector<256x256xbf16>, vector<256x512xbf16>, vector<256x512xf32> -> vector<256x512xf32>
    %add3A_119 = arith.addf %add3A_101, %dot_general3A_118 : vector<256x512xf32>
    %get3A_120 = arith.constant 0 : index
    %get3A_121 = arith.constant 14 : index
    %get3A_122 = arith.constant 0 : index
    %get3A_123 = vector.load %arg2[%get3A_120, %get3A_121, %get3A_122] : memref<256x40x128xf32, #tpu.memory_space<vmem>>, vector<256x1x128xf32>
    %get3A_124 = vector.shape_cast %get3A_123 : vector<256x1x128xf32> to vector<256x128xf32>
    %get3A_125 = arith.constant 0 : index
    %get3A_126 = arith.constant 15 : index
    %get3A_127 = arith.constant 0 : index
    %get3A_128 = vector.load %arg2[%get3A_125, %get3A_126, %get3A_127] : memref<256x40x128xf32, #tpu.memory_space<vmem>>, vector<256x1x128xf32>
    %get3A_129 = vector.shape_cast %get3A_128 : vector<256x1x128xf32> to vector<256x128xf32>
    %concatenate3A_130 = tpu.concatenate %get3A_124, %get3A_129 in 1 : vector<256x128xf32>, vector<256x128xf32> -> vector<256x256xf32>
    %convert_element_type3A_131 = arith.truncf %concatenate3A_130 : vector<256x256xf32> to vector<256x256xbf16>
    %get3A_132 = arith.constant 1792 : index
    %get3A_133 = arith.constant 0 : index
    %get3A_134 = vector.load %arg3[%get3A_132, %get3A_133] : memref<5120x512xbf16, #tpu.memory_space<vmem>>, vector<256x512xbf16>
    %dot_general3A_135 = arith.constant dense<0.000000e+00> : vector<256x512xf32>
    %dot_general3A_136 = tpu.matmul %convert_element_type3A_131, %get3A_134, %dot_general3A_135 {dimension_numbers = #tpu.dot_dimension_numbers<[1], [0], [0], [1], [0, 0, 1, 1], [], []>, transpose_lhs_hint = false} : vector<256x256xbf16>, vector<256x512xbf16>, vector<256x512xf32> -> vector<256x512xf32>
    %add3A_137 = arith.addf %add3A_119, %dot_general3A_136 : vector<256x512xf32>
    %get3A_138 = arith.constant 0 : index
    %get3A_139 = arith.constant 16 : index
    %get3A_140 = arith.constant 0 : index
    %get3A_141 = vector.load %arg2[%get3A_138, %get3A_139, %get3A_140] : memref<256x40x128xf32, #tpu.memory_space<vmem>>, vector<256x1x128xf32>
    %get3A_142 = vector.shape_cast %get3A_141 : vector<256x1x128xf32> to vector<256x128xf32>
    %get3A_143 = arith.constant 0 : index
    %get3A_144 = arith.constant 17 : index
    %get3A_145 = arith.constant 0 : index
    %get3A_146 = vector.load %arg2[%get3A_143, %get3A_144, %get3A_145] : memref<256x40x128xf32, #tpu.memory_space<vmem>>, vector<256x1x128xf32>
    %get3A_147 = vector.shape_cast %get3A_146 : vector<256x1x128xf32> to vector<256x128xf32>
    %concatenate3A_148 = tpu.concatenate %get3A_142, %get3A_147 in 1 : vector<256x128xf32>, vector<256x128xf32> -> vector<256x256xf32>
    %convert_element_type3A_149 = arith.truncf %concatenate3A_148 : vector<256x256xf32> to vector<256x256xbf16>
    %get3A_150 = arith.constant 2048 : index
    %get3A_151 = arith.constant 0 : index
    %get3A_152 = vector.load %arg3[%get3A_150, %get3A_151] : memref<5120x512xbf16, #tpu.memory_space<vmem>>, vector<256x512xbf16>
    %dot_general3A_153 = arith.constant dense<0.000000e+00> : vector<256x512xf32>
    %dot_general3A_154 = tpu.matmul %convert_element_type3A_149, %get3A_152, %dot_general3A_153 {dimension_numbers = #tpu.dot_dimension_numbers<[1], [0], [0], [1], [0, 0, 1, 1], [], []>, transpose_lhs_hint = false} : vector<256x256xbf16>, vector<256x512xbf16>, vector<256x512xf32> -> vector<256x512xf32>
    %add3A_155 = arith.addf %add3A_137, %dot_general3A_154 : vector<256x512xf32>
    %get3A_156 = arith.constant 0 : index
    %get3A_157 = arith.constant 18 : index
    %get3A_158 = arith.constant 0 : index
    %get3A_159 = vector.load %arg2[%get3A_156, %get3A_157, %get3A_158] : memref<256x40x128xf32, #tpu.memory_space<vmem>>, vector<256x1x128xf32>
    %get3A_160 = vector.shape_cast %get3A_159 : vector<256x1x128xf32> to vector<256x128xf32>
    %get3A_161 = arith.constant 0 : index
    %get3A_162 = arith.constant 19 : index
    %get3A_163 = arith.constant 0 : index
    %get3A_164 = vector.load %arg2[%get3A_161, %get3A_162, %get3A_163] : memref<256x40x128xf32, #tpu.memory_space<vmem>>, vector<256x1x128xf32>
    %get3A_165 = vector.shape_cast %get3A_164 : vector<256x1x128xf32> to vector<256x128xf32>
    %concatenate3A_166 = tpu.concatenate %get3A_160, %get3A_165 in 1 : vector<256x128xf32>, vector<256x128xf32> -> vector<256x256xf32>
    %convert_element_type3A_167 = arith.truncf %concatenate3A_166 : vector<256x256xf32> to vector<256x256xbf16>
    %get3A_168 = arith.constant 2304 : index
    %get3A_169 = arith.constant 0 : index
    %get3A_170 = vector.load %arg3[%get3A_168, %get3A_169] : memref<5120x512xbf16, #tpu.memory_space<vmem>>, vector<256x512xbf16>
    %dot_general3A_171 = arith.constant dense<0.000000e+00> : vector<256x512xf32>
    %dot_general3A_172 = tpu.matmul %convert_element_type3A_167, %get3A_170, %dot_general3A_171 {dimension_numbers = #tpu.dot_dimension_numbers<[1], [0], [0], [1], [0, 0, 1, 1], [], []>, transpose_lhs_hint = false} : vector<256x256xbf16>, vector<256x512xbf16>, vector<256x512xf32> -> vector<256x512xf32>
    %add3A_173 = arith.addf %add3A_155, %dot_general3A_172 : vector<256x512xf32>
    %get3A_174 = arith.constant 0 : index
    %get3A_175 = arith.constant 20 : index
    %get3A_176 = arith.constant 0 : index
    %get3A_177 = vector.load %arg2[%get3A_174, %get3A_175, %get3A_176] : memref<256x40x128xf32, #tpu.memory_space<vmem>>, vector<256x1x128xf32>
    %get3A_178 = vector.shape_cast %get3A_177 : vector<256x1x128xf32> to vector<256x128xf32>
    %get3A_179 = arith.constant 0 : index
    %get3A_180 = arith.constant 21 : index
    %get3A_181 = arith.constant 0 : index
    %get3A_182 = vector.load %arg2[%get3A_179, %get3A_180, %get3A_181] : memref<256x40x128xf32, #tpu.memory_space<vmem>>, vector<256x1x128xf32>
    %get3A_183 = vector.shape_cast %get3A_182 : vector<256x1x128xf32> to vector<256x128xf32>
    %concatenate3A_184 = tpu.concatenate %get3A_178, %get3A_183 in 1 : vector<256x128xf32>, vector<256x128xf32> -> vector<256x256xf32>
    %convert_element_type3A_185 = arith.truncf %concatenate3A_184 : vector<256x256xf32> to vector<256x256xbf16>
    %get3A_186 = arith.constant 2560 : index
    %get3A_187 = arith.constant 0 : index
    %get3A_188 = vector.load %arg3[%get3A_186, %get3A_187] : memref<5120x512xbf16, #tpu.memory_space<vmem>>, vector<256x512xbf16>
    %dot_general3A_189 = arith.constant dense<0.000000e+00> : vector<256x512xf32>
    %dot_general3A_190 = tpu.matmul %convert_element_type3A_185, %get3A_188, %dot_general3A_189 {dimension_numbers = #tpu.dot_dimension_numbers<[1], [0], [0], [1], [0, 0, 1, 1], [], []>, transpose_lhs_hint = false} : vector<256x256xbf16>, vector<256x512xbf16>, vector<256x512xf32> -> vector<256x512xf32>
    %add3A_191 = arith.addf %add3A_173, %dot_general3A_190 : vector<256x512xf32>
    %get3A_192 = arith.constant 0 : index
    %get3A_193 = arith.constant 22 : index
    %get3A_194 = arith.constant 0 : index
    %get3A_195 = vector.load %arg2[%get3A_192, %get3A_193, %get3A_194] : memref<256x40x128xf32, #tpu.memory_space<vmem>>, vector<256x1x128xf32>
    %get3A_196 = vector.shape_cast %get3A_195 : vector<256x1x128xf32> to vector<256x128xf32>
    %get3A_197 = arith.constant 0 : index
    %get3A_198 = arith.constant 23 : index
    %get3A_199 = arith.constant 0 : index
    %get3A_200 = vector.load %arg2[%get3A_197, %get3A_198, %get3A_199] : memref<256x40x128xf32, #tpu.memory_space<vmem>>, vector<256x1x128xf32>
    %get3A_201 = vector.shape_cast %get3A_200 : vector<256x1x128xf32> to vector<256x128xf32>
    %concatenate3A_202 = tpu.concatenate %get3A_196, %get3A_201 in 1 : vector<256x128xf32>, vector<256x128xf32> -> vector<256x256xf32>
    %convert_element_type3A_203 = arith.truncf %concatenate3A_202 : vector<256x256xf32> to vector<256x256xbf16>
    %get3A_204 = arith.constant 2816 : index
    %get3A_205 = arith.constant 0 : index
    %get3A_206 = vector.load %arg3[%get3A_204, %get3A_205] : memref<5120x512xbf16, #tpu.memory_space<vmem>>, vector<256x512xbf16>
    %dot_general3A_207 = arith.constant dense<0.000000e+00> : vector<256x512xf32>
    %dot_general3A_208 = tpu.matmul %convert_element_type3A_203, %get3A_206, %dot_general3A_207 {dimension_numbers = #tpu.dot_dimension_numbers<[1], [0], [0], [1], [0, 0, 1, 1], [], []>, transpose_lhs_hint = false} : vector<256x256xbf16>, vector<256x512xbf16>, vector<256x512xf32> -> vector<256x512xf32>
    %add3A_209 = arith.addf %add3A_191, %dot_general3A_208 : vector<256x512xf32>
    %get3A_210 = arith.constant 0 : index
    %get3A_211 = arith.constant 24 : index
    %get3A_212 = arith.constant 0 : index
    %get3A_213 = vector.load %arg2[%get3A_210, %get3A_211, %get3A_212] : memref<256x40x128xf32, #tpu.memory_space<vmem>>, vector<256x1x128xf32>
    %get3A_214 = vector.shape_cast %get3A_213 : vector<256x1x128xf32> to vector<256x128xf32>
    %get3A_215 = arith.constant 0 : index
    %get3A_216 = arith.constant 25 : index
    %get3A_217 = arith.constant 0 : index
    %get3A_218 = vector.load %arg2[%get3A_215, %get3A_216, %get3A_217] : memref<256x40x128xf32, #tpu.memory_space<vmem>>, vector<256x1x128xf32>
    %get3A_219 = vector.shape_cast %get3A_218 : vector<256x1x128xf32> to vector<256x128xf32>
    %concatenate3A_220 = tpu.concatenate %get3A_214, %get3A_219 in 1 : vector<256x128xf32>, vector<256x128xf32> -> vector<256x256xf32>
    %convert_element_type3A_221 = arith.truncf %concatenate3A_220 : vector<256x256xf32> to vector<256x256xbf16>
    %get3A_222 = arith.constant 3072 : index
    %get3A_223 = arith.constant 0 : index
    %get3A_224 = vector.load %arg3[%get3A_222, %get3A_223] : memref<5120x512xbf16, #tpu.memory_space<vmem>>, vector<256x512xbf16>
    %dot_general3A_225 = arith.constant dense<0.000000e+00> : vector<256x512xf32>
    %dot_general3A_226 = tpu.matmul %convert_element_type3A_221, %get3A_224, %dot_general3A_225 {dimension_numbers = #tpu.dot_dimension_numbers<[1], [0], [0], [1], [0, 0, 1, 1], [], []>, transpose_lhs_hint = false} : vector<256x256xbf16>, vector<256x512xbf16>, vector<256x512xf32> -> vector<256x512xf32>
    %add3A_227 = arith.addf %add3A_209, %dot_general3A_226 : vector<256x512xf32>
    %get3A_228 = arith.constant 0 : index
    %get3A_229 = arith.constant 26 : index
    %get3A_230 = arith.constant 0 : index
    %get3A_231 = vector.load %arg2[%get3A_228, %get3A_229, %get3A_230] : memref<256x40x128xf32, #tpu.memory_space<vmem>>, vector<256x1x128xf32>
    %get3A_232 = vector.shape_cast %get3A_231 : vector<256x1x128xf32> to vector<256x128xf32>
    %get3A_233 = arith.constant 0 : index
    %get3A_234 = arith.constant 27 : index
    %get3A_235 = arith.constant 0 : index
    %get3A_236 = vector.load %arg2[%get3A_233, %get3A_234, %get3A_235] : memref<256x40x128xf32, #tpu.memory_space<vmem>>, vector<256x1x128xf32>
    %get3A_237 = vector.shape_cast %get3A_236 : vector<256x1x128xf32> to vector<256x128xf32>
    %concatenate3A_238 = tpu.concatenate %get3A_232, %get3A_237 in 1 : vector<256x128xf32>, vector<256x128xf32> -> vector<256x256xf32>
    %convert_element_type3A_239 = arith.truncf %concatenate3A_238 : vector<256x256xf32> to vector<256x256xbf16>
    %get3A_240 = arith.constant 3328 : index
    %get3A_241 = arith.constant 0 : index
    %get3A_242 = vector.load %arg3[%get3A_240, %get3A_241] : memref<5120x512xbf16, #tpu.memory_space<vmem>>, vector<256x512xbf16>
    %dot_general3A_243 = arith.constant dense<0.000000e+00> : vector<256x512xf32>
    %dot_general3A_244 = tpu.matmul %convert_element_type3A_239, %get3A_242, %dot_general3A_243 {dimension_numbers = #tpu.dot_dimension_numbers<[1], [0], [0], [1], [0, 0, 1, 1], [], []>, transpose_lhs_hint = false} : vector<256x256xbf16>, vector<256x512xbf16>, vector<256x512xf32> -> vector<256x512xf32>
    %add3A_245 = arith.addf %add3A_227, %dot_general3A_244 : vector<256x512xf32>
    %get3A_246 = arith.constant 0 : index
    %get3A_247 = arith.constant 28 : index
    %get3A_248 = arith.constant 0 : index
    %get3A_249 = vector.load %arg2[%get3A_246, %get3A_247, %get3A_248] : memref<256x40x128xf32, #tpu.memory_space<vmem>>, vector<256x1x128xf32>
    %get3A_250 = vector.shape_cast %get3A_249 : vector<256x1x128xf32> to vector<256x128xf32>
    %get3A_251 = arith.constant 0 : index
    %get3A_252 = arith.constant 29 : index
    %get3A_253 = arith.constant 0 : index
    %get3A_254 = vector.load %arg2[%get3A_251, %get3A_252, %get3A_253] : memref<256x40x128xf32, #tpu.memory_space<vmem>>, vector<256x1x128xf32>
    %get3A_255 = vector.shape_cast %get3A_254 : vector<256x1x128xf32> to vector<256x128xf32>
    %concatenate3A_256 = tpu.concatenate %get3A_250, %get3A_255 in 1 : vector<256x128xf32>, vector<256x128xf32> -> vector<256x256xf32>
    %convert_element_type3A_257 = arith.truncf %concatenate3A_256 : vector<256x256xf32> to vector<256x256xbf16>
    %get3A_258 = arith.constant 3584 : index
    %get3A_259 = arith.constant 0 : index
    %get3A_260 = vector.load %arg3[%get3A_258, %get3A_259] : memref<5120x512xbf16, #tpu.memory_space<vmem>>, vector<256x512xbf16>
    %dot_general3A_261 = arith.constant dense<0.000000e+00> : vector<256x512xf32>
    %dot_general3A_262 = tpu.matmul %convert_element_type3A_257, %get3A_260, %dot_general3A_261 {dimension_numbers = #tpu.dot_dimension_numbers<[1], [0], [0], [1], [0, 0, 1, 1], [], []>, transpose_lhs_hint = false} : vector<256x256xbf16>, vector<256x512xbf16>, vector<256x512xf32> -> vector<256x512xf32>
    %add3A_263 = arith.addf %add3A_245, %dot_general3A_262 : vector<256x512xf32>
    %get3A_264 = arith.constant 0 : index
    %get3A_265 = arith.constant 30 : index
    %get3A_266 = arith.constant 0 : index
    %get3A_267 = vector.load %arg2[%get3A_264, %get3A_265, %get3A_266] : memref<256x40x128xf32, #tpu.memory_space<vmem>>, vector<256x1x128xf32>
    %get3A_268 = vector.shape_cast %get3A_267 : vector<256x1x128xf32> to vector<256x128xf32>
    %get3A_269 = arith.constant 0 : index
    %get3A_270 = arith.constant 31 : index
    %get3A_271 = arith.constant 0 : index
    %get3A_272 = vector.load %arg2[%get3A_269, %get3A_270, %get3A_271] : memref<256x40x128xf32, #tpu.memory_space<vmem>>, vector<256x1x128xf32>
    %get3A_273 = vector.shape_cast %get3A_272 : vector<256x1x128xf32> to vector<256x128xf32>
    %concatenate3A_274 = tpu.concatenate %get3A_268, %get3A_273 in 1 : vector<256x128xf32>, vector<256x128xf32> -> vector<256x256xf32>
    %convert_element_type3A_275 = arith.truncf %concatenate3A_274 : vector<256x256xf32> to vector<256x256xbf16>
    %get3A_276 = arith.constant 3840 : index
    %get3A_277 = arith.constant 0 : index
    %get3A_278 = vector.load %arg3[%get3A_276, %get3A_277] : memref<5120x512xbf16, #tpu.memory_space<vmem>>, vector<256x512xbf16>
    %dot_general3A_279 = arith.constant dense<0.000000e+00> : vector<256x512xf32>
    %dot_general3A_280 = tpu.matmul %convert_element_type3A_275, %get3A_278, %dot_general3A_279 {dimension_numbers = #tpu.dot_dimension_numbers<[1], [0], [0], [1], [0, 0, 1, 1], [], []>, transpose_lhs_hint = false} : vector<256x256xbf16>, vector<256x512xbf16>, vector<256x512xf32> -> vector<256x512xf32>
    %add3A_281 = arith.addf %add3A_263, %dot_general3A_280 : vector<256x512xf32>
    %get3A_282 = arith.constant 0 : index
    %get3A_283 = arith.constant 32 : index
    %get3A_284 = arith.constant 0 : index
    %get3A_285 = vector.load %arg2[%get3A_282, %get3A_283, %get3A_284] : memref<256x40x128xf32, #tpu.memory_space<vmem>>, vector<256x1x128xf32>
    %get3A_286 = vector.shape_cast %get3A_285 : vector<256x1x128xf32> to vector<256x128xf32>
    %get3A_287 = arith.constant 0 : index
    %get3A_288 = arith.constant 33 : index
    %get3A_289 = arith.constant 0 : index
    %get3A_290 = vector.load %arg2[%get3A_287, %get3A_288, %get3A_289] : memref<256x40x128xf32, #tpu.memory_space<vmem>>, vector<256x1x128xf32>
    %get3A_291 = vector.shape_cast %get3A_290 : vector<256x1x128xf32> to vector<256x128xf32>
    %concatenate3A_292 = tpu.concatenate %get3A_286, %get3A_291 in 1 : vector<256x128xf32>, vector<256x128xf32> -> vector<256x256xf32>
    %convert_element_type3A_293 = arith.truncf %concatenate3A_292 : vector<256x256xf32> to vector<256x256xbf16>
    %get3A_294 = arith.constant 4096 : index
    %get3A_295 = arith.constant 0 : index
    %get3A_296 = vector.load %arg3[%get3A_294, %get3A_295] : memref<5120x512xbf16, #tpu.memory_space<vmem>>, vector<256x512xbf16>
    %dot_general3A_297 = arith.constant dense<0.000000e+00> : vector<256x512xf32>
    %dot_general3A_298 = tpu.matmul %convert_element_type3A_293, %get3A_296, %dot_general3A_297 {dimension_numbers = #tpu.dot_dimension_numbers<[1], [0], [0], [1], [0, 0, 1, 1], [], []>, transpose_lhs_hint = false} : vector<256x256xbf16>, vector<256x512xbf16>, vector<256x512xf32> -> vector<256x512xf32>
    %add3A_299 = arith.addf %add3A_281, %dot_general3A_298 : vector<256x512xf32>
    %get3A_300 = arith.constant 0 : index
    %get3A_301 = arith.constant 34 : index
    %get3A_302 = arith.constant 0 : index
    %get3A_303 = vector.load %arg2[%get3A_300, %get3A_301, %get3A_302] : memref<256x40x128xf32, #tpu.memory_space<vmem>>, vector<256x1x128xf32>
    %get3A_304 = vector.shape_cast %get3A_303 : vector<256x1x128xf32> to vector<256x128xf32>
    %get3A_305 = arith.constant 0 : index
    %get3A_306 = arith.constant 35 : index
    %get3A_307 = arith.constant 0 : index
    %get3A_308 = vector.load %arg2[%get3A_305, %get3A_306, %get3A_307] : memref<256x40x128xf32, #tpu.memory_space<vmem>>, vector<256x1x128xf32>
    %get3A_309 = vector.shape_cast %get3A_308 : vector<256x1x128xf32> to vector<256x128xf32>
    %concatenate3A_310 = tpu.concatenate %get3A_304, %get3A_309 in 1 : vector<256x128xf32>, vector<256x128xf32> -> vector<256x256xf32>
    %convert_element_type3A_311 = arith.truncf %concatenate3A_310 : vector<256x256xf32> to vector<256x256xbf16>
    %get3A_312 = arith.constant 4352 : index
    %get3A_313 = arith.constant 0 : index
    %get3A_314 = vector.load %arg3[%get3A_312, %get3A_313] : memref<5120x512xbf16, #tpu.memory_space<vmem>>, vector<256x512xbf16>
    %dot_general3A_315 = arith.constant dense<0.000000e+00> : vector<256x512xf32>
    %dot_general3A_316 = tpu.matmul %convert_element_type3A_311, %get3A_314, %dot_general3A_315 {dimension_numbers = #tpu.dot_dimension_numbers<[1], [0], [0], [1], [0, 0, 1, 1], [], []>, transpose_lhs_hint = false} : vector<256x256xbf16>, vector<256x512xbf16>, vector<256x512xf32> -> vector<256x512xf32>
    %add3A_317 = arith.addf %add3A_299, %dot_general3A_316 : vector<256x512xf32>
    %get3A_318 = arith.constant 0 : index
    %get3A_319 = arith.constant 36 : index
    %get3A_320 = arith.constant 0 : index
    %get3A_321 = vector.load %arg2[%get3A_318, %get3A_319, %get3A_320] : memref<256x40x128xf32, #tpu.memory_space<vmem>>, vector<256x1x128xf32>
    %get3A_322 = vector.shape_cast %get3A_321 : vector<256x1x128xf32> to vector<256x128xf32>
    %get3A_323 = arith.constant 0 : index
    %get3A_324 = arith.constant 37 : index
    %get3A_325 = arith.constant 0 : index
    %get3A_326 = vector.load %arg2[%get3A_323, %get3A_324, %get3A_325] : memref<256x40x128xf32, #tpu.memory_space<vmem>>, vector<256x1x128xf32>
    %get3A_327 = vector.shape_cast %get3A_326 : vector<256x1x128xf32> to vector<256x128xf32>
    %concatenate3A_328 = tpu.concatenate %get3A_322, %get3A_327 in 1 : vector<256x128xf32>, vector<256x128xf32> -> vector<256x256xf32>
    %convert_element_type3A_329 = arith.truncf %concatenate3A_328 : vector<256x256xf32> to vector<256x256xbf16>
    %get3A_330 = arith.constant 4608 : index
    %get3A_331 = arith.constant 0 : index
    %get3A_332 = vector.load %arg3[%get3A_330, %get3A_331] : memref<5120x512xbf16, #tpu.memory_space<vmem>>, vector<256x512xbf16>
    %dot_general3A_333 = arith.constant dense<0.000000e+00> : vector<256x512xf32>
    %dot_general3A_334 = tpu.matmul %convert_element_type3A_329, %get3A_332, %dot_general3A_333 {dimension_numbers = #tpu.dot_dimension_numbers<[1], [0], [0], [1], [0, 0, 1, 1], [], []>, transpose_lhs_hint = false} : vector<256x256xbf16>, vector<256x512xbf16>, vector<256x512xf32> -> vector<256x512xf32>
    %add3A_335 = arith.addf %add3A_317, %dot_general3A_334 : vector<256x512xf32>
    %get3A_336 = arith.constant 0 : index
    %get3A_337 = arith.constant 38 : index
    %get3A_338 = arith.constant 0 : index
    %get3A_339 = vector.load %arg2[%get3A_336, %get3A_337, %get3A_338] : memref<256x40x128xf32, #tpu.memory_space<vmem>>, vector<256x1x128xf32>
    %get3A_340 = vector.shape_cast %get3A_339 : vector<256x1x128xf32> to vector<256x128xf32>
    %get3A_341 = arith.constant 0 : index
    %get3A_342 = arith.constant 39 : index
    %get3A_343 = arith.constant 0 : index
    %get3A_344 = vector.load %arg2[%get3A_341, %get3A_342, %get3A_343] : memref<256x40x128xf32, #tpu.memory_space<vmem>>, vector<256x1x128xf32>
    %get3A_345 = vector.shape_cast %get3A_344 : vector<256x1x128xf32> to vector<256x128xf32>
    %concatenate3A_346 = tpu.concatenate %get3A_340, %get3A_345 in 1 : vector<256x128xf32>, vector<256x128xf32> -> vector<256x256xf32>
    %convert_element_type3A_347 = arith.truncf %concatenate3A_346 : vector<256x256xf32> to vector<256x256xbf16>
    %get3A_348 = arith.constant 4864 : index
    %get3A_349 = arith.constant 0 : index
    %get3A_350 = vector.load %arg3[%get3A_348, %get3A_349] : memref<5120x512xbf16, #tpu.memory_space<vmem>>, vector<256x512xbf16>
    %dot_general3A_351 = arith.constant dense<0.000000e+00> : vector<256x512xf32>
    %dot_general3A_352 = tpu.matmul %convert_element_type3A_347, %get3A_350, %dot_general3A_351 {dimension_numbers = #tpu.dot_dimension_numbers<[1], [0], [0], [1], [0, 0, 1, 1], [], []>, transpose_lhs_hint = false} : vector<256x256xbf16>, vector<256x512xbf16>, vector<256x512xf32> -> vector<256x512xf32>
    %add3A_353 = arith.addf %add3A_335, %dot_general3A_352 : vector<256x512xf32>
    %eq3A = arith.constant 0 : i32
    %eq3A_354 = arith.cmpi eq, %arg0, %eq3A : i32
    %convert_element_type3A_355 = arith.extui %eq3A_354 : i1 to i32
    %cond3A = arith.constant 0 : i32
    %cond3A_356 = arith.cmpi ne, %convert_element_type3A_355, %cond3A : i32
    scf.if %cond3A_356 {
      %swap3A = arith.index_cast %arg1 : i32 to index
      %swap3A_366 = arith.constant 0 : index
      %swap3A_367 = arith.constant 0 : index
      %swap3A_368 = vector.load %arg10[%swap3A, %swap3A_366, %swap3A_367] : memref<6x256x512xf32, #tpu.memory_space<vmem>>, vector<1x256x512xf32>
      %swap3A_369 = vector.shape_cast %swap3A_368 : vector<1x256x512xf32> to vector<256x512xf32>
      %swap3A_370 = vector.shape_cast %add3A_353 : vector<256x512xf32> to vector<1x256x512xf32>
      tpu.vector_store %arg10[%swap3A, %swap3A_366, %swap3A_367], %swap3A_370 {strides = array<i32>} : memref<6x256x512xf32, #tpu.memory_space<vmem>>, vector<1x256x512xf32>,
    } else {
    }
    %gt3A = arith.constant 0 : i32
    %gt3A_357 = arith.cmpi sgt, %arg0, %gt3A : i32
    %convert_element_type3A_358 = arith.extui %gt3A_357 : i1 to i32
    %cond3A_359 = arith.constant 0 : i32
    %cond3A_360 = arith.cmpi ne, %convert_element_type3A_358, %cond3A_359 : i32
    scf.if %cond3A_360 {
      %get3A_366 = arith.index_cast %arg1 : i32 to index
      %get3A_367 = arith.constant 0 : index
      %get3A_368 = arith.constant 0 : index
      %get3A_369 = vector.load %arg10[%get3A_366, %get3A_367, %get3A_368] : memref<6x256x512xf32, #tpu.memory_space<vmem>>, vector<1x256x512xf32>
      %get3A_370 = vector.shape_cast %get3A_369 : vector<1x256x512xf32> to vector<256x512xf32>
      %add3A_371 = arith.addf %get3A_370, %add3A_353 : vector<256x512xf32>
      %swap3A = arith.index_cast %arg1 : i32 to index
      %swap3A_372 = arith.constant 0 : index
      %swap3A_373 = arith.constant 0 : index
      %swap3A_374 = vector.load %arg10[%swap3A, %swap3A_372, %swap3A_373] : memref<6x256x512xf32, #tpu.memory_space<vmem>>, vector<1x256x512xf32>
      %swap3A_375 = vector.shape_cast %swap3A_374 : vector<1x256x512xf32> to vector<256x512xf32>
      %swap3A_376 = vector.shape_cast %add3A_371 : vector<256x512xf32> to vector<1x256x512xf32>
      tpu.vector_store %arg10[%swap3A, %swap3A_372, %swap3A_373], %swap3A_376 {strides = array<i32>} : memref<6x256x512xf32, #tpu.memory_space<vmem>>, vector<1x256x512xf32>,
    } else {
    }
    %eq3A_361 = arith.constant 4 : i32
    %eq3A_362 = arith.cmpi eq, %arg0, %eq3A_361 : i32
    %convert_element_type3A_363 = arith.extui %eq3A_362 : i1 to i32
    %cond3A_364 = arith.constant 0 : i32
    %cond3A_365 = arith.cmpi ne, %convert_element_type3A_363, %cond3A_364 : i32
    scf.if %cond3A_365 {
      %get3A_366 = arith.index_cast %arg1 : i32 to index
      %get3A_367 = arith.constant 0 : index
      %get3A_368 = arith.constant 0 : index
      %get3A_369 = vector.load %arg10[%get3A_366, %get3A_367, %get3A_368] : memref<6x256x512xf32, #tpu.memory_space<vmem>>, vector<1x256x512xf32>
      %get3A_370 = vector.shape_cast %get3A_369 : vector<1x256x512xf32> to vector<256x512xf32>
      %get3A_371 = arith.constant 0 : index
      %get3A_372 = arith.constant 0 : index
      %get3A_373 = vector.load %arg4[%get3A_371, %get3A_372] : memref<1x512xf32, #tpu.memory_space<vmem>>, vector<1x512xf32>
      %add3A_374 = vector.broadcast %get3A_373 : vector<1x512xf32> to vector<256x512xf32>
      %add3A_375 = arith.addf %get3A_370, %add3A_374 : vector<256x512xf32>
      %swap3A = arith.constant 0 : index
      %swap3A_376 = arith.constant 0 : index
      %swap3A_377 = vector.load %arg9[%swap3A, %swap3A_376] : memref<256x514xf32, #tpu.memory_space<vmem>>, vector<256x512xf32>
      tpu.vector_store %arg9[%swap3A, %swap3A_376], %add3A_375 {strides = array<i32>} : memref<256x514xf32, #tpu.memory_space<vmem>>, vector<256x512xf32>,
      %get3A_378 = arith.constant 0 : index
      %get3A_379 = arith.constant 0 : index
      %get3A_380 = vector.load %arg5[%get3A_378, %get3A_379] : memref<256x2xf32, #tpu.memory_space<vmem>>, vector<256x2xf32>
      %get3A_381 = arith.constant 0 : index
      %get3A_382 = arith.constant 0 : index
      %get3A_383 = vector.load %arg6[%get3A_381, %get3A_382] : memref<2x2xf32, #tpu.memory_space<vmem>>, vector<2x2xf32>
      %dot_general3A_384 = arith.constant dense<0.000000e+00> : vector<256x2xf32>
      %dot_general3A_385 = tpu.matmul %get3A_380, %get3A_383, %dot_general3A_384 {dimension_numbers = #tpu.dot_dimension_numbers<[1], [0], [0], [1], [0, 0, 1, 1], [], []>, transpose_lhs_hint = false} : vector<256x2xf32>, vector<2x2xf32>, vector<256x2xf32> -> vector<256x2xf32>
      %get3A_386 = arith.constant 0 : index
      %get3A_387 = arith.constant 0 : index
      %get3A_388 = vector.load %arg7[%get3A_386, %get3A_387] : memref<1x2xf32, #tpu.memory_space<vmem>>, vector<1x2xf32>
      %add3A_389 = vector.broadcast %get3A_388 : vector<1x2xf32> to vector<256x2xf32>
      %add3A_390 = arith.addf %dot_general3A_385, %add3A_389 : vector<256x2xf32>
      %swap3A_391 = arith.constant 0 : index
      %swap3A_392 = arith.constant 512 : index
      %swap3A_393 = vector.load %arg9[%swap3A_391, %swap3A_392] : memref<256x514xf32, #tpu.memory_space<vmem>>, vector<256x2xf32>
      tpu.vector_store %arg9[%swap3A_391, %swap3A_392], %add3A_390 {strides = array<i32>} : memref<256x514xf32, #tpu.memory_space<vmem>>, vector<256x2xf32>,
    } else {
    }
    return
  }
  func.func @transform_0(%arg0: i32, %arg1: i32) -> (i32, i32, i32) {
    %c0_i32 = arith.constant 0 : i32
    %c0_i32_0 = arith.constant 0 : i32
    return %arg1, %arg0, %c0_i32 : i32, i32, i32
  }
  func.func @transform_1(%arg0: i32, %arg1: i32) -> (i32, i32) {
    %c0_i32 = arith.constant 0 : i32
    %c0_i32_0 = arith.constant 0 : i32
    return %arg0, %c0_i32 : i32, i32
  }
  func.func @transform_2(%arg0: i32, %arg1: i32) -> (i32, i32) {
    %c0_i32 = arith.constant 0 : i32
    %c0_i32_0 = arith.constant 0 : i32
    %c0_i32_1 = arith.constant 0 : i32
    return %c0_i32, %c0_i32_0 : i32, i32
  }
  func.func @transform_3(%arg0: i32, %arg1: i32) -> (i32, i32) {
    %add3A = arith.constant 0 : i32
    %add3A_0 = arith.addi %add3A, %arg1 : i32
    %c0_i32 = arith.constant 0 : i32
    %c0_i32_1 = arith.constant 0 : i32
    return %add3A_0, %c0_i32 : i32, i32
  }
  func.func @transform_4(%arg0: i32, %arg1: i32) -> (i32, i32) {
    %c0_i32 = arith.constant 0 : i32
    %c0_i32_0 = arith.constant 0 : i32
    %c0_i32_1 = arith.constant 0 : i32
    return %c0_i32, %c0_i32_0 : i32, i32
  }
  func.func @transform_5(%arg0: i32, %arg1: i32) -> (i32, i32) {
    %c0_i32 = arith.constant 0 : i32
    %c0_i32_0 = arith.constant 0 : i32
    %c0_i32_1 = arith.constant 0 : i32
    return %c0_i32, %c0_i32_0 : i32, i32
  }
  func.func @transform_6(%arg0: i32, %arg1: i32) -> (i32, i32) {
    %c0_i32 = arith.constant 0 : i32
    %c0_i32_0 = arith.constant 0 : i32
    %c0_i32_1 = arith.constant 0 : i32
    return %c0_i32, %c0_i32_0 : i32, i32
  }
  func.func @transform_7(%arg0: i32, %arg1: i32) -> (i32, i32) {
    %add3A = arith.constant 0 : i32
    %add3A_0 = arith.addi %add3A, %arg1 : i32
    %c0_i32 = arith.constant 0 : i32
    %c0_i32_1 = arith.constant 0 : i32
    return %add3A_0, %c0_i32 : i32, i32
  }
}

module attributes {stable_mosaic.version = 14 : i64} {
  func.func @_tc_body(%arg0: i32, %arg1: i32, %arg2: memref<256x40x128xf32, #tpu.memory_space<vmem>>, %arg3: memref<5120x512xbf16, #tpu.memory_space<vmem>>, %arg4: memref<1x512xf32, #tpu.memory_space<vmem>>, %arg5: memref<256x2xf32, #tpu.memory_space<vmem>>, %arg6: memref<2x2xf32, #tpu.memory_space<vmem>>, %arg7: memref<1x2xf32, #tpu.memory_space<vmem>>, %arg8: memref<8x514xf32, #tpu.memory_space<vmem>>, %arg9: memref<256x514xf32, #tpu.memory_space<vmem>>, %arg10: memref<5x256x512xf32, #tpu.memory_space<vmem>>) attributes {dimension_semantics = [#tpu.dimension_semantics<arbitrary>, #tpu.dimension_semantics<arbitrary>], iteration_bounds = array<i64: 5, 5>, scalar_prefetch = 0 : i64, scratch_operands = 1 : i64, tpu.core_type = #tpu.core_type<tc>, window_params = [{transform_indices = @transform_0, window_bounds = array<i64: 256, 40, 128>}, {transform_indices = @transform_1, window_bounds = array<i64: 5120, 512>}, {pipeline_mode = #tpu.pipeline_mode<synchronous>, transform_indices = @transform_2, window_bounds = array<i64: 1, 512>}, {transform_indices = @transform_3, window_bounds = array<i64: 256, 2>}, {pipeline_mode = #tpu.pipeline_mode<synchronous>, transform_indices = @transform_4, window_bounds = array<i64: 2, 2>}, {pipeline_mode = #tpu.pipeline_mode<synchronous>, transform_indices = @transform_5, window_bounds = array<i64: 1, 2>}, {transform_indices = @transform_6, window_bounds = array<i64: 8, 514>}, {transform_indices = @transform_7, window_bounds = array<i64: 256, 514>}]} {
    %get3A = arith.constant 0 : index
    %get3A_0 = arith.constant 0 : index
    %get3A_1 = arith.constant 0 : index
    %get3A_2 = vector.load %arg2[%get3A, %get3A_0, %get3A_1] : memref<256x40x128xf32, #tpu.memory_space<vmem>>, vector<256x1x128xf32>
    %get3A_3 = vector.shape_cast %get3A_2 : vector<256x1x128xf32> to vector<256x128xf32>
    %get3A_4 = arith.constant 0 : index
    %get3A_5 = arith.constant 1 : index
    %get3A_6 = arith.constant 0 : index
    %get3A_7 = vector.load %arg2[%get3A_4, %get3A_5, %get3A_6] : memref<256x40x128xf32, #tpu.memory_space<vmem>>, vector<256x1x128xf32>
    %get3A_8 = vector.shape_cast %get3A_7 : vector<256x1x128xf32> to vector<256x128xf32>
    %concatenate3A = tpu.concatenate %get3A_3, %get3A_8 in 1 : vector<256x128xf32>, vector<256x128xf32> -> vector<256x256xf32>
    %convert_element_type3A = arith.truncf %concatenate3A : vector<256x256xf32> to vector<256x256xbf16>
    %get3A_9 = arith.constant 0 : index
    %get3A_10 = arith.constant 0 : index
    %get3A_11 = vector.load %arg3[%get3A_9, %get3A_10] : memref<5120x512xbf16, #tpu.memory_space<vmem>>, vector<256x512xbf16>
    %dot_general3A = arith.constant dense<0.000000e+00> : vector<256x512xf32>
    %dot_general3A_12 = tpu.matmul %convert_element_type3A, %get3A_11, %dot_general3A {dimension_numbers = #tpu.dot_dimension_numbers<[1], [0], [0], [1], [0, 0, 1, 1], [], []>, transpose_lhs_hint = false} : vector<256x256xbf16>, vector<256x512xbf16>, vector<256x512xf32> -> vector<256x512xf32>
    %get3A_13 = arith.constant 0 : index
    %get3A_14 = arith.constant 2 : index
    %get3A_15 = arith.constant 0 : index
    %get3A_16 = vector.load %arg2[%get3A_13, %get3A_14, %get3A_15] : memref<256x40x128xf32, #tpu.memory_space<vmem>>, vector<256x1x128xf32>
    %get3A_17 = vector.shape_cast %get3A_16 : vector<256x1x128xf32> to vector<256x128xf32>
    %get3A_18 = arith.constant 0 : index
    %get3A_19 = arith.constant 3 : index
    %get3A_20 = arith.constant 0 : index
    %get3A_21 = vector.load %arg2[%get3A_18, %get3A_19, %get3A_20] : memref<256x40x128xf32, #tpu.memory_space<vmem>>, vector<256x1x128xf32>
    %get3A_22 = vector.shape_cast %get3A_21 : vector<256x1x128xf32> to vector<256x128xf32>
    %concatenate3A_23 = tpu.concatenate %get3A_17, %get3A_22 in 1 : vector<256x128xf32>, vector<256x128xf32> -> vector<256x256xf32>
    %convert_element_type3A_24 = arith.truncf %concatenate3A_23 : vector<256x256xf32> to vector<256x256xbf16>
    %get3A_25 = arith.constant 256 : index
    %get3A_26 = arith.constant 0 : index
    %get3A_27 = vector.load %arg3[%get3A_25, %get3A_26] : memref<5120x512xbf16, #tpu.memory_space<vmem>>, vector<256x512xbf16>
    %dot_general3A_28 = arith.constant dense<0.000000e+00> : vector<256x512xf32>
    %dot_general3A_29 = tpu.matmul %convert_element_type3A_24, %get3A_27, %dot_general3A_28 {dimension_numbers = #tpu.dot_dimension_numbers<[1], [0], [0], [1], [0, 0, 1, 1], [], []>, transpose_lhs_hint = false} : vector<256x256xbf16>, vector<256x512xbf16>, vector<256x512xf32> -> vector<256x512xf32>
    %add3A = arith.addf %dot_general3A_12, %dot_general3A_29 : vector<256x512xf32>
    %get3A_30 = arith.constant 0 : index
    %get3A_31 = arith.constant 4 : index
    %get3A_32 = arith.constant 0 : index
    %get3A_33 = vector.load %arg2[%get3A_30, %get3A_31, %get3A_32] : memref<256x40x128xf32, #tpu.memory_space<vmem>>, vector<256x1x128xf32>
    %get3A_34 = vector.shape_cast %get3A_33 : vector<256x1x128xf32> to vector<256x128xf32>
    %get3A_35 = arith.constant 0 : index
    %get3A_36 = arith.constant 5 : index
    %get3A_37 = arith.constant 0 : index
    %get3A_38 = vector.load %arg2[%get3A_35, %get3A_36, %get3A_37] : memref<256x40x128xf32, #tpu.memory_space<vmem>>, vector<256x1x128xf32>
    %get3A_39 = vector.shape_cast %get3A_38 : vector<256x1x128xf32> to vector<256x128xf32>
    %concatenate3A_40 = tpu.concatenate %get3A_34, %get3A_39 in 1 : vector<256x128xf32>, vector<256x128xf32> -> vector<256x256xf32>
    %convert_element_type3A_41 = arith.truncf %concatenate3A_40 : vector<256x256xf32> to vector<256x256xbf16>
    %get3A_42 = arith.constant 512 : index
    %get3A_43 = arith.constant 0 : index
    %get3A_44 = vector.load %arg3[%get3A_42, %get3A_43] : memref<5120x512xbf16, #tpu.memory_space<vmem>>, vector<256x512xbf16>
    %dot_general3A_45 = arith.constant dense<0.000000e+00> : vector<256x512xf32>
    %dot_general3A_46 = tpu.matmul %convert_element_type3A_41, %get3A_44, %dot_general3A_45 {dimension_numbers = #tpu.dot_dimension_numbers<[1], [0], [0], [1], [0, 0, 1, 1], [], []>, transpose_lhs_hint = false} : vector<256x256xbf16>, vector<256x512xbf16>, vector<256x512xf32> -> vector<256x512xf32>
    %add3A_47 = arith.addf %add3A, %dot_general3A_46 : vector<256x512xf32>
    %get3A_48 = arith.constant 0 : index
    %get3A_49 = arith.constant 6 : index
    %get3A_50 = arith.constant 0 : index
    %get3A_51 = vector.load %arg2[%get3A_48, %get3A_49, %get3A_50] : memref<256x40x128xf32, #tpu.memory_space<vmem>>, vector<256x1x128xf32>
    %get3A_52 = vector.shape_cast %get3A_51 : vector<256x1x128xf32> to vector<256x128xf32>
    %get3A_53 = arith.constant 0 : index
    %get3A_54 = arith.constant 7 : index
    %get3A_55 = arith.constant 0 : index
    %get3A_56 = vector.load %arg2[%get3A_53, %get3A_54, %get3A_55] : memref<256x40x128xf32, #tpu.memory_space<vmem>>, vector<256x1x128xf32>
    %get3A_57 = vector.shape_cast %get3A_56 : vector<256x1x128xf32> to vector<256x128xf32>
    %concatenate3A_58 = tpu.concatenate %get3A_52, %get3A_57 in 1 : vector<256x128xf32>, vector<256x128xf32> -> vector<256x256xf32>
    %convert_element_type3A_59 = arith.truncf %concatenate3A_58 : vector<256x256xf32> to vector<256x256xbf16>
    %get3A_60 = arith.constant 768 : index
    %get3A_61 = arith.constant 0 : index
    %get3A_62 = vector.load %arg3[%get3A_60, %get3A_61] : memref<5120x512xbf16, #tpu.memory_space<vmem>>, vector<256x512xbf16>
    %dot_general3A_63 = arith.constant dense<0.000000e+00> : vector<256x512xf32>
    %dot_general3A_64 = tpu.matmul %convert_element_type3A_59, %get3A_62, %dot_general3A_63 {dimension_numbers = #tpu.dot_dimension_numbers<[1], [0], [0], [1], [0, 0, 1, 1], [], []>, transpose_lhs_hint = false} : vector<256x256xbf16>, vector<256x512xbf16>, vector<256x512xf32> -> vector<256x512xf32>
    %add3A_65 = arith.addf %add3A_47, %dot_general3A_64 : vector<256x512xf32>
    %get3A_66 = arith.constant 0 : index
    %get3A_67 = arith.constant 8 : index
    %get3A_68 = arith.constant 0 : index
    %get3A_69 = vector.load %arg2[%get3A_66, %get3A_67, %get3A_68] : memref<256x40x128xf32, #tpu.memory_space<vmem>>, vector<256x1x128xf32>
    %get3A_70 = vector.shape_cast %get3A_69 : vector<256x1x128xf32> to vector<256x128xf32>
    %get3A_71 = arith.constant 0 : index
    %get3A_72 = arith.constant 9 : index
    %get3A_73 = arith.constant 0 : index
    %get3A_74 = vector.load %arg2[%get3A_71, %get3A_72, %get3A_73] : memref<256x40x128xf32, #tpu.memory_space<vmem>>, vector<256x1x128xf32>
    %get3A_75 = vector.shape_cast %get3A_74 : vector<256x1x128xf32> to vector<256x128xf32>
    %concatenate3A_76 = tpu.concatenate %get3A_70, %get3A_75 in 1 : vector<256x128xf32>, vector<256x128xf32> -> vector<256x256xf32>
    %convert_element_type3A_77 = arith.truncf %concatenate3A_76 : vector<256x256xf32> to vector<256x256xbf16>
    %get3A_78 = arith.constant 1024 : index
    %get3A_79 = arith.constant 0 : index
    %get3A_80 = vector.load %arg3[%get3A_78, %get3A_79] : memref<5120x512xbf16, #tpu.memory_space<vmem>>, vector<256x512xbf16>
    %dot_general3A_81 = arith.constant dense<0.000000e+00> : vector<256x512xf32>
    %dot_general3A_82 = tpu.matmul %convert_element_type3A_77, %get3A_80, %dot_general3A_81 {dimension_numbers = #tpu.dot_dimension_numbers<[1], [0], [0], [1], [0, 0, 1, 1], [], []>, transpose_lhs_hint = false} : vector<256x256xbf16>, vector<256x512xbf16>, vector<256x512xf32> -> vector<256x512xf32>
    %add3A_83 = arith.addf %add3A_65, %dot_general3A_82 : vector<256x512xf32>
    %get3A_84 = arith.constant 0 : index
    %get3A_85 = arith.constant 10 : index
    %get3A_86 = arith.constant 0 : index
    %get3A_87 = vector.load %arg2[%get3A_84, %get3A_85, %get3A_86] : memref<256x40x128xf32, #tpu.memory_space<vmem>>, vector<256x1x128xf32>
    %get3A_88 = vector.shape_cast %get3A_87 : vector<256x1x128xf32> to vector<256x128xf32>
    %get3A_89 = arith.constant 0 : index
    %get3A_90 = arith.constant 11 : index
    %get3A_91 = arith.constant 0 : index
    %get3A_92 = vector.load %arg2[%get3A_89, %get3A_90, %get3A_91] : memref<256x40x128xf32, #tpu.memory_space<vmem>>, vector<256x1x128xf32>
    %get3A_93 = vector.shape_cast %get3A_92 : vector<256x1x128xf32> to vector<256x128xf32>
    %concatenate3A_94 = tpu.concatenate %get3A_88, %get3A_93 in 1 : vector<256x128xf32>, vector<256x128xf32> -> vector<256x256xf32>
    %convert_element_type3A_95 = arith.truncf %concatenate3A_94 : vector<256x256xf32> to vector<256x256xbf16>
    %get3A_96 = arith.constant 1280 : index
    %get3A_97 = arith.constant 0 : index
    %get3A_98 = vector.load %arg3[%get3A_96, %get3A_97] : memref<5120x512xbf16, #tpu.memory_space<vmem>>, vector<256x512xbf16>
    %dot_general3A_99 = arith.constant dense<0.000000e+00> : vector<256x512xf32>
    %dot_general3A_100 = tpu.matmul %convert_element_type3A_95, %get3A_98, %dot_general3A_99 {dimension_numbers = #tpu.dot_dimension_numbers<[1], [0], [0], [1], [0, 0, 1, 1], [], []>, transpose_lhs_hint = false} : vector<256x256xbf16>, vector<256x512xbf16>, vector<256x512xf32> -> vector<256x512xf32>
    %add3A_101 = arith.addf %add3A_83, %dot_general3A_100 : vector<256x512xf32>
    %get3A_102 = arith.constant 0 : index
    %get3A_103 = arith.constant 12 : index
    %get3A_104 = arith.constant 0 : index
    %get3A_105 = vector.load %arg2[%get3A_102, %get3A_103, %get3A_104] : memref<256x40x128xf32, #tpu.memory_space<vmem>>, vector<256x1x128xf32>
    %get3A_106 = vector.shape_cast %get3A_105 : vector<256x1x128xf32> to vector<256x128xf32>
    %get3A_107 = arith.constant 0 : index
    %get3A_108 = arith.constant 13 : index
    %get3A_109 = arith.constant 0 : index
    %get3A_110 = vector.load %arg2[%get3A_107, %get3A_108, %get3A_109] : memref<256x40x128xf32, #tpu.memory_space<vmem>>, vector<256x1x128xf32>
    %get3A_111 = vector.shape_cast %get3A_110 : vector<256x1x128xf32> to vector<256x128xf32>
    %concatenate3A_112 = tpu.concatenate %get3A_106, %get3A_111 in 1 : vector<256x128xf32>, vector<256x128xf32> -> vector<256x256xf32>
    %convert_element_type3A_113 = arith.truncf %concatenate3A_112 : vector<256x256xf32> to vector<256x256xbf16>
    %get3A_114 = arith.constant 1536 : index
    %get3A_115 = arith.constant 0 : index
    %get3A_116 = vector.load %arg3[%get3A_114, %get3A_115] : memref<5120x512xbf16, #tpu.memory_space<vmem>>, vector<256x512xbf16>
    %dot_general3A_117 = arith.constant dense<0.000000e+00> : vector<256x512xf32>
    %dot_general3A_118 = tpu.matmul %convert_element_type3A_113, %get3A_116, %dot_general3A_117 {dimension_numbers = #tpu.dot_dimension_numbers<[1], [0], [0], [1], [0, 0, 1, 1], [], []>, transpose_lhs_hint = false} : vector<256x256xbf16>, vector<256x512xbf16>, vector<256x512xf32> -> vector<256x512xf32>
    %add3A_119 = arith.addf %add3A_101, %dot_general3A_118 : vector<256x512xf32>
    %get3A_120 = arith.constant 0 : index
    %get3A_121 = arith.constant 14 : index
    %get3A_122 = arith.constant 0 : index
    %get3A_123 = vector.load %arg2[%get3A_120, %get3A_121, %get3A_122] : memref<256x40x128xf32, #tpu.memory_space<vmem>>, vector<256x1x128xf32>
    %get3A_124 = vector.shape_cast %get3A_123 : vector<256x1x128xf32> to vector<256x128xf32>
    %get3A_125 = arith.constant 0 : index
    %get3A_126 = arith.constant 15 : index
    %get3A_127 = arith.constant 0 : index
    %get3A_128 = vector.load %arg2[%get3A_125, %get3A_126, %get3A_127] : memref<256x40x128xf32, #tpu.memory_space<vmem>>, vector<256x1x128xf32>
    %get3A_129 = vector.shape_cast %get3A_128 : vector<256x1x128xf32> to vector<256x128xf32>
    %concatenate3A_130 = tpu.concatenate %get3A_124, %get3A_129 in 1 : vector<256x128xf32>, vector<256x128xf32> -> vector<256x256xf32>
    %convert_element_type3A_131 = arith.truncf %concatenate3A_130 : vector<256x256xf32> to vector<256x256xbf16>
    %get3A_132 = arith.constant 1792 : index
    %get3A_133 = arith.constant 0 : index
    %get3A_134 = vector.load %arg3[%get3A_132, %get3A_133] : memref<5120x512xbf16, #tpu.memory_space<vmem>>, vector<256x512xbf16>
    %dot_general3A_135 = arith.constant dense<0.000000e+00> : vector<256x512xf32>
    %dot_general3A_136 = tpu.matmul %convert_element_type3A_131, %get3A_134, %dot_general3A_135 {dimension_numbers = #tpu.dot_dimension_numbers<[1], [0], [0], [1], [0, 0, 1, 1], [], []>, transpose_lhs_hint = false} : vector<256x256xbf16>, vector<256x512xbf16>, vector<256x512xf32> -> vector<256x512xf32>
    %add3A_137 = arith.addf %add3A_119, %dot_general3A_136 : vector<256x512xf32>
    %get3A_138 = arith.constant 0 : index
    %get3A_139 = arith.constant 16 : index
    %get3A_140 = arith.constant 0 : index
    %get3A_141 = vector.load %arg2[%get3A_138, %get3A_139, %get3A_140] : memref<256x40x128xf32, #tpu.memory_space<vmem>>, vector<256x1x128xf32>
    %get3A_142 = vector.shape_cast %get3A_141 : vector<256x1x128xf32> to vector<256x128xf32>
    %get3A_143 = arith.constant 0 : index
    %get3A_144 = arith.constant 17 : index
    %get3A_145 = arith.constant 0 : index
    %get3A_146 = vector.load %arg2[%get3A_143, %get3A_144, %get3A_145] : memref<256x40x128xf32, #tpu.memory_space<vmem>>, vector<256x1x128xf32>
    %get3A_147 = vector.shape_cast %get3A_146 : vector<256x1x128xf32> to vector<256x128xf32>
    %concatenate3A_148 = tpu.concatenate %get3A_142, %get3A_147 in 1 : vector<256x128xf32>, vector<256x128xf32> -> vector<256x256xf32>
    %convert_element_type3A_149 = arith.truncf %concatenate3A_148 : vector<256x256xf32> to vector<256x256xbf16>
    %get3A_150 = arith.constant 2048 : index
    %get3A_151 = arith.constant 0 : index
    %get3A_152 = vector.load %arg3[%get3A_150, %get3A_151] : memref<5120x512xbf16, #tpu.memory_space<vmem>>, vector<256x512xbf16>
    %dot_general3A_153 = arith.constant dense<0.000000e+00> : vector<256x512xf32>
    %dot_general3A_154 = tpu.matmul %convert_element_type3A_149, %get3A_152, %dot_general3A_153 {dimension_numbers = #tpu.dot_dimension_numbers<[1], [0], [0], [1], [0, 0, 1, 1], [], []>, transpose_lhs_hint = false} : vector<256x256xbf16>, vector<256x512xbf16>, vector<256x512xf32> -> vector<256x512xf32>
    %add3A_155 = arith.addf %add3A_137, %dot_general3A_154 : vector<256x512xf32>
    %get3A_156 = arith.constant 0 : index
    %get3A_157 = arith.constant 18 : index
    %get3A_158 = arith.constant 0 : index
    %get3A_159 = vector.load %arg2[%get3A_156, %get3A_157, %get3A_158] : memref<256x40x128xf32, #tpu.memory_space<vmem>>, vector<256x1x128xf32>
    %get3A_160 = vector.shape_cast %get3A_159 : vector<256x1x128xf32> to vector<256x128xf32>
    %get3A_161 = arith.constant 0 : index
    %get3A_162 = arith.constant 19 : index
    %get3A_163 = arith.constant 0 : index
    %get3A_164 = vector.load %arg2[%get3A_161, %get3A_162, %get3A_163] : memref<256x40x128xf32, #tpu.memory_space<vmem>>, vector<256x1x128xf32>
    %get3A_165 = vector.shape_cast %get3A_164 : vector<256x1x128xf32> to vector<256x128xf32>
    %concatenate3A_166 = tpu.concatenate %get3A_160, %get3A_165 in 1 : vector<256x128xf32>, vector<256x128xf32> -> vector<256x256xf32>
    %convert_element_type3A_167 = arith.truncf %concatenate3A_166 : vector<256x256xf32> to vector<256x256xbf16>
    %get3A_168 = arith.constant 2304 : index
    %get3A_169 = arith.constant 0 : index
    %get3A_170 = vector.load %arg3[%get3A_168, %get3A_169] : memref<5120x512xbf16, #tpu.memory_space<vmem>>, vector<256x512xbf16>
    %dot_general3A_171 = arith.constant dense<0.000000e+00> : vector<256x512xf32>
    %dot_general3A_172 = tpu.matmul %convert_element_type3A_167, %get3A_170, %dot_general3A_171 {dimension_numbers = #tpu.dot_dimension_numbers<[1], [0], [0], [1], [0, 0, 1, 1], [], []>, transpose_lhs_hint = false} : vector<256x256xbf16>, vector<256x512xbf16>, vector<256x512xf32> -> vector<256x512xf32>
    %add3A_173 = arith.addf %add3A_155, %dot_general3A_172 : vector<256x512xf32>
    %get3A_174 = arith.constant 0 : index
    %get3A_175 = arith.constant 20 : index
    %get3A_176 = arith.constant 0 : index
    %get3A_177 = vector.load %arg2[%get3A_174, %get3A_175, %get3A_176] : memref<256x40x128xf32, #tpu.memory_space<vmem>>, vector<256x1x128xf32>
    %get3A_178 = vector.shape_cast %get3A_177 : vector<256x1x128xf32> to vector<256x128xf32>
    %get3A_179 = arith.constant 0 : index
    %get3A_180 = arith.constant 21 : index
    %get3A_181 = arith.constant 0 : index
    %get3A_182 = vector.load %arg2[%get3A_179, %get3A_180, %get3A_181] : memref<256x40x128xf32, #tpu.memory_space<vmem>>, vector<256x1x128xf32>
    %get3A_183 = vector.shape_cast %get3A_182 : vector<256x1x128xf32> to vector<256x128xf32>
    %concatenate3A_184 = tpu.concatenate %get3A_178, %get3A_183 in 1 : vector<256x128xf32>, vector<256x128xf32> -> vector<256x256xf32>
    %convert_element_type3A_185 = arith.truncf %concatenate3A_184 : vector<256x256xf32> to vector<256x256xbf16>
    %get3A_186 = arith.constant 2560 : index
    %get3A_187 = arith.constant 0 : index
    %get3A_188 = vector.load %arg3[%get3A_186, %get3A_187] : memref<5120x512xbf16, #tpu.memory_space<vmem>>, vector<256x512xbf16>
    %dot_general3A_189 = arith.constant dense<0.000000e+00> : vector<256x512xf32>
    %dot_general3A_190 = tpu.matmul %convert_element_type3A_185, %get3A_188, %dot_general3A_189 {dimension_numbers = #tpu.dot_dimension_numbers<[1], [0], [0], [1], [0, 0, 1, 1], [], []>, transpose_lhs_hint = false} : vector<256x256xbf16>, vector<256x512xbf16>, vector<256x512xf32> -> vector<256x512xf32>
    %add3A_191 = arith.addf %add3A_173, %dot_general3A_190 : vector<256x512xf32>
    %get3A_192 = arith.constant 0 : index
    %get3A_193 = arith.constant 22 : index
    %get3A_194 = arith.constant 0 : index
    %get3A_195 = vector.load %arg2[%get3A_192, %get3A_193, %get3A_194] : memref<256x40x128xf32, #tpu.memory_space<vmem>>, vector<256x1x128xf32>
    %get3A_196 = vector.shape_cast %get3A_195 : vector<256x1x128xf32> to vector<256x128xf32>
    %get3A_197 = arith.constant 0 : index
    %get3A_198 = arith.constant 23 : index
    %get3A_199 = arith.constant 0 : index
    %get3A_200 = vector.load %arg2[%get3A_197, %get3A_198, %get3A_199] : memref<256x40x128xf32, #tpu.memory_space<vmem>>, vector<256x1x128xf32>
    %get3A_201 = vector.shape_cast %get3A_200 : vector<256x1x128xf32> to vector<256x128xf32>
    %concatenate3A_202 = tpu.concatenate %get3A_196, %get3A_201 in 1 : vector<256x128xf32>, vector<256x128xf32> -> vector<256x256xf32>
    %convert_element_type3A_203 = arith.truncf %concatenate3A_202 : vector<256x256xf32> to vector<256x256xbf16>
    %get3A_204 = arith.constant 2816 : index
    %get3A_205 = arith.constant 0 : index
    %get3A_206 = vector.load %arg3[%get3A_204, %get3A_205] : memref<5120x512xbf16, #tpu.memory_space<vmem>>, vector<256x512xbf16>
    %dot_general3A_207 = arith.constant dense<0.000000e+00> : vector<256x512xf32>
    %dot_general3A_208 = tpu.matmul %convert_element_type3A_203, %get3A_206, %dot_general3A_207 {dimension_numbers = #tpu.dot_dimension_numbers<[1], [0], [0], [1], [0, 0, 1, 1], [], []>, transpose_lhs_hint = false} : vector<256x256xbf16>, vector<256x512xbf16>, vector<256x512xf32> -> vector<256x512xf32>
    %add3A_209 = arith.addf %add3A_191, %dot_general3A_208 : vector<256x512xf32>
    %get3A_210 = arith.constant 0 : index
    %get3A_211 = arith.constant 24 : index
    %get3A_212 = arith.constant 0 : index
    %get3A_213 = vector.load %arg2[%get3A_210, %get3A_211, %get3A_212] : memref<256x40x128xf32, #tpu.memory_space<vmem>>, vector<256x1x128xf32>
    %get3A_214 = vector.shape_cast %get3A_213 : vector<256x1x128xf32> to vector<256x128xf32>
    %get3A_215 = arith.constant 0 : index
    %get3A_216 = arith.constant 25 : index
    %get3A_217 = arith.constant 0 : index
    %get3A_218 = vector.load %arg2[%get3A_215, %get3A_216, %get3A_217] : memref<256x40x128xf32, #tpu.memory_space<vmem>>, vector<256x1x128xf32>
    %get3A_219 = vector.shape_cast %get3A_218 : vector<256x1x128xf32> to vector<256x128xf32>
    %concatenate3A_220 = tpu.concatenate %get3A_214, %get3A_219 in 1 : vector<256x128xf32>, vector<256x128xf32> -> vector<256x256xf32>
    %convert_element_type3A_221 = arith.truncf %concatenate3A_220 : vector<256x256xf32> to vector<256x256xbf16>
    %get3A_222 = arith.constant 3072 : index
    %get3A_223 = arith.constant 0 : index
    %get3A_224 = vector.load %arg3[%get3A_222, %get3A_223] : memref<5120x512xbf16, #tpu.memory_space<vmem>>, vector<256x512xbf16>
    %dot_general3A_225 = arith.constant dense<0.000000e+00> : vector<256x512xf32>
    %dot_general3A_226 = tpu.matmul %convert_element_type3A_221, %get3A_224, %dot_general3A_225 {dimension_numbers = #tpu.dot_dimension_numbers<[1], [0], [0], [1], [0, 0, 1, 1], [], []>, transpose_lhs_hint = false} : vector<256x256xbf16>, vector<256x512xbf16>, vector<256x512xf32> -> vector<256x512xf32>
    %add3A_227 = arith.addf %add3A_209, %dot_general3A_226 : vector<256x512xf32>
    %get3A_228 = arith.constant 0 : index
    %get3A_229 = arith.constant 26 : index
    %get3A_230 = arith.constant 0 : index
    %get3A_231 = vector.load %arg2[%get3A_228, %get3A_229, %get3A_230] : memref<256x40x128xf32, #tpu.memory_space<vmem>>, vector<256x1x128xf32>
    %get3A_232 = vector.shape_cast %get3A_231 : vector<256x1x128xf32> to vector<256x128xf32>
    %get3A_233 = arith.constant 0 : index
    %get3A_234 = arith.constant 27 : index
    %get3A_235 = arith.constant 0 : index
    %get3A_236 = vector.load %arg2[%get3A_233, %get3A_234, %get3A_235] : memref<256x40x128xf32, #tpu.memory_space<vmem>>, vector<256x1x128xf32>
    %get3A_237 = vector.shape_cast %get3A_236 : vector<256x1x128xf32> to vector<256x128xf32>
    %concatenate3A_238 = tpu.concatenate %get3A_232, %get3A_237 in 1 : vector<256x128xf32>, vector<256x128xf32> -> vector<256x256xf32>
    %convert_element_type3A_239 = arith.truncf %concatenate3A_238 : vector<256x256xf32> to vector<256x256xbf16>
    %get3A_240 = arith.constant 3328 : index
    %get3A_241 = arith.constant 0 : index
    %get3A_242 = vector.load %arg3[%get3A_240, %get3A_241] : memref<5120x512xbf16, #tpu.memory_space<vmem>>, vector<256x512xbf16>
    %dot_general3A_243 = arith.constant dense<0.000000e+00> : vector<256x512xf32>
    %dot_general3A_244 = tpu.matmul %convert_element_type3A_239, %get3A_242, %dot_general3A_243 {dimension_numbers = #tpu.dot_dimension_numbers<[1], [0], [0], [1], [0, 0, 1, 1], [], []>, transpose_lhs_hint = false} : vector<256x256xbf16>, vector<256x512xbf16>, vector<256x512xf32> -> vector<256x512xf32>
    %add3A_245 = arith.addf %add3A_227, %dot_general3A_244 : vector<256x512xf32>
    %get3A_246 = arith.constant 0 : index
    %get3A_247 = arith.constant 28 : index
    %get3A_248 = arith.constant 0 : index
    %get3A_249 = vector.load %arg2[%get3A_246, %get3A_247, %get3A_248] : memref<256x40x128xf32, #tpu.memory_space<vmem>>, vector<256x1x128xf32>
    %get3A_250 = vector.shape_cast %get3A_249 : vector<256x1x128xf32> to vector<256x128xf32>
    %get3A_251 = arith.constant 0 : index
    %get3A_252 = arith.constant 29 : index
    %get3A_253 = arith.constant 0 : index
    %get3A_254 = vector.load %arg2[%get3A_251, %get3A_252, %get3A_253] : memref<256x40x128xf32, #tpu.memory_space<vmem>>, vector<256x1x128xf32>
    %get3A_255 = vector.shape_cast %get3A_254 : vector<256x1x128xf32> to vector<256x128xf32>
    %concatenate3A_256 = tpu.concatenate %get3A_250, %get3A_255 in 1 : vector<256x128xf32>, vector<256x128xf32> -> vector<256x256xf32>
    %convert_element_type3A_257 = arith.truncf %concatenate3A_256 : vector<256x256xf32> to vector<256x256xbf16>
    %get3A_258 = arith.constant 3584 : index
    %get3A_259 = arith.constant 0 : index
    %get3A_260 = vector.load %arg3[%get3A_258, %get3A_259] : memref<5120x512xbf16, #tpu.memory_space<vmem>>, vector<256x512xbf16>
    %dot_general3A_261 = arith.constant dense<0.000000e+00> : vector<256x512xf32>
    %dot_general3A_262 = tpu.matmul %convert_element_type3A_257, %get3A_260, %dot_general3A_261 {dimension_numbers = #tpu.dot_dimension_numbers<[1], [0], [0], [1], [0, 0, 1, 1], [], []>, transpose_lhs_hint = false} : vector<256x256xbf16>, vector<256x512xbf16>, vector<256x512xf32> -> vector<256x512xf32>
    %add3A_263 = arith.addf %add3A_245, %dot_general3A_262 : vector<256x512xf32>
    %get3A_264 = arith.constant 0 : index
    %get3A_265 = arith.constant 30 : index
    %get3A_266 = arith.constant 0 : index
    %get3A_267 = vector.load %arg2[%get3A_264, %get3A_265, %get3A_266] : memref<256x40x128xf32, #tpu.memory_space<vmem>>, vector<256x1x128xf32>
    %get3A_268 = vector.shape_cast %get3A_267 : vector<256x1x128xf32> to vector<256x128xf32>
    %get3A_269 = arith.constant 0 : index
    %get3A_270 = arith.constant 31 : index
    %get3A_271 = arith.constant 0 : index
    %get3A_272 = vector.load %arg2[%get3A_269, %get3A_270, %get3A_271] : memref<256x40x128xf32, #tpu.memory_space<vmem>>, vector<256x1x128xf32>
    %get3A_273 = vector.shape_cast %get3A_272 : vector<256x1x128xf32> to vector<256x128xf32>
    %concatenate3A_274 = tpu.concatenate %get3A_268, %get3A_273 in 1 : vector<256x128xf32>, vector<256x128xf32> -> vector<256x256xf32>
    %convert_element_type3A_275 = arith.truncf %concatenate3A_274 : vector<256x256xf32> to vector<256x256xbf16>
    %get3A_276 = arith.constant 3840 : index
    %get3A_277 = arith.constant 0 : index
    %get3A_278 = vector.load %arg3[%get3A_276, %get3A_277] : memref<5120x512xbf16, #tpu.memory_space<vmem>>, vector<256x512xbf16>
    %dot_general3A_279 = arith.constant dense<0.000000e+00> : vector<256x512xf32>
    %dot_general3A_280 = tpu.matmul %convert_element_type3A_275, %get3A_278, %dot_general3A_279 {dimension_numbers = #tpu.dot_dimension_numbers<[1], [0], [0], [1], [0, 0, 1, 1], [], []>, transpose_lhs_hint = false} : vector<256x256xbf16>, vector<256x512xbf16>, vector<256x512xf32> -> vector<256x512xf32>
    %add3A_281 = arith.addf %add3A_263, %dot_general3A_280 : vector<256x512xf32>
    %get3A_282 = arith.constant 0 : index
    %get3A_283 = arith.constant 32 : index
    %get3A_284 = arith.constant 0 : index
    %get3A_285 = vector.load %arg2[%get3A_282, %get3A_283, %get3A_284] : memref<256x40x128xf32, #tpu.memory_space<vmem>>, vector<256x1x128xf32>
    %get3A_286 = vector.shape_cast %get3A_285 : vector<256x1x128xf32> to vector<256x128xf32>
    %get3A_287 = arith.constant 0 : index
    %get3A_288 = arith.constant 33 : index
    %get3A_289 = arith.constant 0 : index
    %get3A_290 = vector.load %arg2[%get3A_287, %get3A_288, %get3A_289] : memref<256x40x128xf32, #tpu.memory_space<vmem>>, vector<256x1x128xf32>
    %get3A_291 = vector.shape_cast %get3A_290 : vector<256x1x128xf32> to vector<256x128xf32>
    %concatenate3A_292 = tpu.concatenate %get3A_286, %get3A_291 in 1 : vector<256x128xf32>, vector<256x128xf32> -> vector<256x256xf32>
    %convert_element_type3A_293 = arith.truncf %concatenate3A_292 : vector<256x256xf32> to vector<256x256xbf16>
    %get3A_294 = arith.constant 4096 : index
    %get3A_295 = arith.constant 0 : index
    %get3A_296 = vector.load %arg3[%get3A_294, %get3A_295] : memref<5120x512xbf16, #tpu.memory_space<vmem>>, vector<256x512xbf16>
    %dot_general3A_297 = arith.constant dense<0.000000e+00> : vector<256x512xf32>
    %dot_general3A_298 = tpu.matmul %convert_element_type3A_293, %get3A_296, %dot_general3A_297 {dimension_numbers = #tpu.dot_dimension_numbers<[1], [0], [0], [1], [0, 0, 1, 1], [], []>, transpose_lhs_hint = false} : vector<256x256xbf16>, vector<256x512xbf16>, vector<256x512xf32> -> vector<256x512xf32>
    %add3A_299 = arith.addf %add3A_281, %dot_general3A_298 : vector<256x512xf32>
    %get3A_300 = arith.constant 0 : index
    %get3A_301 = arith.constant 34 : index
    %get3A_302 = arith.constant 0 : index
    %get3A_303 = vector.load %arg2[%get3A_300, %get3A_301, %get3A_302] : memref<256x40x128xf32, #tpu.memory_space<vmem>>, vector<256x1x128xf32>
    %get3A_304 = vector.shape_cast %get3A_303 : vector<256x1x128xf32> to vector<256x128xf32>
    %get3A_305 = arith.constant 0 : index
    %get3A_306 = arith.constant 35 : index
    %get3A_307 = arith.constant 0 : index
    %get3A_308 = vector.load %arg2[%get3A_305, %get3A_306, %get3A_307] : memref<256x40x128xf32, #tpu.memory_space<vmem>>, vector<256x1x128xf32>
    %get3A_309 = vector.shape_cast %get3A_308 : vector<256x1x128xf32> to vector<256x128xf32>
    %concatenate3A_310 = tpu.concatenate %get3A_304, %get3A_309 in 1 : vector<256x128xf32>, vector<256x128xf32> -> vector<256x256xf32>
    %convert_element_type3A_311 = arith.truncf %concatenate3A_310 : vector<256x256xf32> to vector<256x256xbf16>
    %get3A_312 = arith.constant 4352 : index
    %get3A_313 = arith.constant 0 : index
    %get3A_314 = vector.load %arg3[%get3A_312, %get3A_313] : memref<5120x512xbf16, #tpu.memory_space<vmem>>, vector<256x512xbf16>
    %dot_general3A_315 = arith.constant dense<0.000000e+00> : vector<256x512xf32>
    %dot_general3A_316 = tpu.matmul %convert_element_type3A_311, %get3A_314, %dot_general3A_315 {dimension_numbers = #tpu.dot_dimension_numbers<[1], [0], [0], [1], [0, 0, 1, 1], [], []>, transpose_lhs_hint = false} : vector<256x256xbf16>, vector<256x512xbf16>, vector<256x512xf32> -> vector<256x512xf32>
    %add3A_317 = arith.addf %add3A_299, %dot_general3A_316 : vector<256x512xf32>
    %get3A_318 = arith.constant 0 : index
    %get3A_319 = arith.constant 36 : index
    %get3A_320 = arith.constant 0 : index
    %get3A_321 = vector.load %arg2[%get3A_318, %get3A_319, %get3A_320] : memref<256x40x128xf32, #tpu.memory_space<vmem>>, vector<256x1x128xf32>
    %get3A_322 = vector.shape_cast %get3A_321 : vector<256x1x128xf32> to vector<256x128xf32>
    %get3A_323 = arith.constant 0 : index
    %get3A_324 = arith.constant 37 : index
    %get3A_325 = arith.constant 0 : index
    %get3A_326 = vector.load %arg2[%get3A_323, %get3A_324, %get3A_325] : memref<256x40x128xf32, #tpu.memory_space<vmem>>, vector<256x1x128xf32>
    %get3A_327 = vector.shape_cast %get3A_326 : vector<256x1x128xf32> to vector<256x128xf32>
    %concatenate3A_328 = tpu.concatenate %get3A_322, %get3A_327 in 1 : vector<256x128xf32>, vector<256x128xf32> -> vector<256x256xf32>
    %convert_element_type3A_329 = arith.truncf %concatenate3A_328 : vector<256x256xf32> to vector<256x256xbf16>
    %get3A_330 = arith.constant 4608 : index
    %get3A_331 = arith.constant 0 : index
    %get3A_332 = vector.load %arg3[%get3A_330, %get3A_331] : memref<5120x512xbf16, #tpu.memory_space<vmem>>, vector<256x512xbf16>
    %dot_general3A_333 = arith.constant dense<0.000000e+00> : vector<256x512xf32>
    %dot_general3A_334 = tpu.matmul %convert_element_type3A_329, %get3A_332, %dot_general3A_333 {dimension_numbers = #tpu.dot_dimension_numbers<[1], [0], [0], [1], [0, 0, 1, 1], [], []>, transpose_lhs_hint = false} : vector<256x256xbf16>, vector<256x512xbf16>, vector<256x512xf32> -> vector<256x512xf32>
    %add3A_335 = arith.addf %add3A_317, %dot_general3A_334 : vector<256x512xf32>
    %get3A_336 = arith.constant 0 : index
    %get3A_337 = arith.constant 38 : index
    %get3A_338 = arith.constant 0 : index
    %get3A_339 = vector.load %arg2[%get3A_336, %get3A_337, %get3A_338] : memref<256x40x128xf32, #tpu.memory_space<vmem>>, vector<256x1x128xf32>
    %get3A_340 = vector.shape_cast %get3A_339 : vector<256x1x128xf32> to vector<256x128xf32>
    %get3A_341 = arith.constant 0 : index
    %get3A_342 = arith.constant 39 : index
    %get3A_343 = arith.constant 0 : index
    %get3A_344 = vector.load %arg2[%get3A_341, %get3A_342, %get3A_343] : memref<256x40x128xf32, #tpu.memory_space<vmem>>, vector<256x1x128xf32>
    %get3A_345 = vector.shape_cast %get3A_344 : vector<256x1x128xf32> to vector<256x128xf32>
    %concatenate3A_346 = tpu.concatenate %get3A_340, %get3A_345 in 1 : vector<256x128xf32>, vector<256x128xf32> -> vector<256x256xf32>
    %convert_element_type3A_347 = arith.truncf %concatenate3A_346 : vector<256x256xf32> to vector<256x256xbf16>
    %get3A_348 = arith.constant 4864 : index
    %get3A_349 = arith.constant 0 : index
    %get3A_350 = vector.load %arg3[%get3A_348, %get3A_349] : memref<5120x512xbf16, #tpu.memory_space<vmem>>, vector<256x512xbf16>
    %dot_general3A_351 = arith.constant dense<0.000000e+00> : vector<256x512xf32>
    %dot_general3A_352 = tpu.matmul %convert_element_type3A_347, %get3A_350, %dot_general3A_351 {dimension_numbers = #tpu.dot_dimension_numbers<[1], [0], [0], [1], [0, 0, 1, 1], [], []>, transpose_lhs_hint = false} : vector<256x256xbf16>, vector<256x512xbf16>, vector<256x512xf32> -> vector<256x512xf32>
    %add3A_353 = arith.addf %add3A_335, %dot_general3A_352 : vector<256x512xf32>
    %eq3A = arith.constant 0 : i32
    %eq3A_354 = arith.cmpi eq, %arg0, %eq3A : i32
    %convert_element_type3A_355 = arith.extui %eq3A_354 : i1 to i32
    %cond3A = arith.constant 0 : i32
    %cond3A_356 = arith.cmpi ne, %convert_element_type3A_355, %cond3A : i32
    scf.if %cond3A_356 {
      %swap3A = arith.index_cast %arg1 : i32 to index
      %swap3A_366 = arith.constant 0 : index
      %swap3A_367 = arith.constant 0 : index
      %swap3A_368 = vector.load %arg10[%swap3A, %swap3A_366, %swap3A_367] : memref<5x256x512xf32, #tpu.memory_space<vmem>>, vector<1x256x512xf32>
      %swap3A_369 = vector.shape_cast %swap3A_368 : vector<1x256x512xf32> to vector<256x512xf32>
      %swap3A_370 = vector.shape_cast %add3A_353 : vector<256x512xf32> to vector<1x256x512xf32>
      tpu.vector_store %arg10[%swap3A, %swap3A_366, %swap3A_367], %swap3A_370 {strides = array<i32>} : memref<5x256x512xf32, #tpu.memory_space<vmem>>, vector<1x256x512xf32>,
    } else {
    }
    %gt3A = arith.constant 0 : i32
    %gt3A_357 = arith.cmpi sgt, %arg0, %gt3A : i32
    %convert_element_type3A_358 = arith.extui %gt3A_357 : i1 to i32
    %cond3A_359 = arith.constant 0 : i32
    %cond3A_360 = arith.cmpi ne, %convert_element_type3A_358, %cond3A_359 : i32
    scf.if %cond3A_360 {
      %get3A_366 = arith.index_cast %arg1 : i32 to index
      %get3A_367 = arith.constant 0 : index
      %get3A_368 = arith.constant 0 : index
      %get3A_369 = vector.load %arg10[%get3A_366, %get3A_367, %get3A_368] : memref<5x256x512xf32, #tpu.memory_space<vmem>>, vector<1x256x512xf32>
      %get3A_370 = vector.shape_cast %get3A_369 : vector<1x256x512xf32> to vector<256x512xf32>
      %add3A_371 = arith.addf %get3A_370, %add3A_353 : vector<256x512xf32>
      %swap3A = arith.index_cast %arg1 : i32 to index
      %swap3A_372 = arith.constant 0 : index
      %swap3A_373 = arith.constant 0 : index
      %swap3A_374 = vector.load %arg10[%swap3A, %swap3A_372, %swap3A_373] : memref<5x256x512xf32, #tpu.memory_space<vmem>>, vector<1x256x512xf32>
      %swap3A_375 = vector.shape_cast %swap3A_374 : vector<1x256x512xf32> to vector<256x512xf32>
      %swap3A_376 = vector.shape_cast %add3A_371 : vector<256x512xf32> to vector<1x256x512xf32>
      tpu.vector_store %arg10[%swap3A, %swap3A_372, %swap3A_373], %swap3A_376 {strides = array<i32>} : memref<5x256x512xf32, #tpu.memory_space<vmem>>, vector<1x256x512xf32>,
    } else {
    }
    %eq3A_361 = arith.constant 4 : i32
    %eq3A_362 = arith.cmpi eq, %arg0, %eq3A_361 : i32
    %convert_element_type3A_363 = arith.extui %eq3A_362 : i1 to i32
    %cond3A_364 = arith.constant 0 : i32
    %cond3A_365 = arith.cmpi ne, %convert_element_type3A_363, %cond3A_364 : i32
    scf.if %cond3A_365 {
      %get3A_366 = arith.index_cast %arg1 : i32 to index
      %get3A_367 = arith.constant 0 : index
      %get3A_368 = arith.constant 0 : index
      %get3A_369 = vector.load %arg10[%get3A_366, %get3A_367, %get3A_368] : memref<5x256x512xf32, #tpu.memory_space<vmem>>, vector<1x256x512xf32>
      %get3A_370 = vector.shape_cast %get3A_369 : vector<1x256x512xf32> to vector<256x512xf32>
      %get3A_371 = arith.constant 0 : index
      %get3A_372 = arith.constant 0 : index
      %get3A_373 = vector.load %arg4[%get3A_371, %get3A_372] : memref<1x512xf32, #tpu.memory_space<vmem>>, vector<1x512xf32>
      %add3A_374 = vector.broadcast %get3A_373 : vector<1x512xf32> to vector<256x512xf32>
      %add3A_375 = arith.addf %get3A_370, %add3A_374 : vector<256x512xf32>
      %swap3A = arith.constant 0 : index
      %swap3A_376 = arith.constant 0 : index
      %swap3A_377 = vector.load %arg9[%swap3A, %swap3A_376] : memref<256x514xf32, #tpu.memory_space<vmem>>, vector<256x512xf32>
      tpu.vector_store %arg9[%swap3A, %swap3A_376], %add3A_375 {strides = array<i32>} : memref<256x514xf32, #tpu.memory_space<vmem>>, vector<256x512xf32>,
      %get3A_378 = arith.constant 0 : index
      %get3A_379 = arith.constant 0 : index
      %get3A_380 = vector.load %arg5[%get3A_378, %get3A_379] : memref<256x2xf32, #tpu.memory_space<vmem>>, vector<256x2xf32>
      %get3A_381 = arith.constant 0 : index
      %get3A_382 = arith.constant 0 : index
      %get3A_383 = vector.load %arg6[%get3A_381, %get3A_382] : memref<2x2xf32, #tpu.memory_space<vmem>>, vector<2x2xf32>
      %dot_general3A_384 = arith.constant dense<0.000000e+00> : vector<256x2xf32>
      %dot_general3A_385 = tpu.matmul %get3A_380, %get3A_383, %dot_general3A_384 {dimension_numbers = #tpu.dot_dimension_numbers<[1], [0], [0], [1], [0, 0, 1, 1], [], []>, transpose_lhs_hint = false} : vector<256x2xf32>, vector<2x2xf32>, vector<256x2xf32> -> vector<256x2xf32>
      %get3A_386 = arith.constant 0 : index
      %get3A_387 = arith.constant 0 : index
      %get3A_388 = vector.load %arg7[%get3A_386, %get3A_387] : memref<1x2xf32, #tpu.memory_space<vmem>>, vector<1x2xf32>
      %add3A_389 = vector.broadcast %get3A_388 : vector<1x2xf32> to vector<256x2xf32>
      %add3A_390 = arith.addf %dot_general3A_385, %add3A_389 : vector<256x2xf32>
      %swap3A_391 = arith.constant 0 : index
      %swap3A_392 = arith.constant 512 : index
      %swap3A_393 = vector.load %arg9[%swap3A_391, %swap3A_392] : memref<256x514xf32, #tpu.memory_space<vmem>>, vector<256x2xf32>
      tpu.vector_store %arg9[%swap3A_391, %swap3A_392], %add3A_390 {strides = array<i32>} : memref<256x514xf32, #tpu.memory_space<vmem>>, vector<256x2xf32>,
    } else {
    }
    return
  }
  func.func @transform_0(%arg0: i32, %arg1: i32) -> (i32, i32, i32) {
    %c0_i32 = arith.constant 0 : i32
    %c0_i32_0 = arith.constant 0 : i32
    return %arg1, %arg0, %c0_i32 : i32, i32, i32
  }
  func.func @transform_1(%arg0: i32, %arg1: i32) -> (i32, i32) {
    %c0_i32 = arith.constant 0 : i32
    %c0_i32_0 = arith.constant 0 : i32
    return %arg0, %c0_i32 : i32, i32
  }
  func.func @transform_2(%arg0: i32, %arg1: i32) -> (i32, i32) {
    %c0_i32 = arith.constant 0 : i32
    %c0_i32_0 = arith.constant 0 : i32
    %c0_i32_1 = arith.constant 0 : i32
    return %c0_i32, %c0_i32_0 : i32, i32
  }
  func.func @transform_3(%arg0: i32, %arg1: i32) -> (i32, i32) {
    %add3A = arith.constant 6 : i32
    %add3A_0 = arith.addi %add3A, %arg1 : i32
    %c0_i32 = arith.constant 0 : i32
    %c0_i32_1 = arith.constant 0 : i32
    return %add3A_0, %c0_i32 : i32, i32
  }
  func.func @transform_4(%arg0: i32, %arg1: i32) -> (i32, i32) {
    %c0_i32 = arith.constant 0 : i32
    %c0_i32_0 = arith.constant 0 : i32
    %c0_i32_1 = arith.constant 0 : i32
    return %c0_i32, %c0_i32_0 : i32, i32
  }
  func.func @transform_5(%arg0: i32, %arg1: i32) -> (i32, i32) {
    %c0_i32 = arith.constant 0 : i32
    %c0_i32_0 = arith.constant 0 : i32
    %c0_i32_1 = arith.constant 0 : i32
    return %c0_i32, %c0_i32_0 : i32, i32
  }
  func.func @transform_6(%arg0: i32, %arg1: i32) -> (i32, i32) {
    %c0_i32 = arith.constant 0 : i32
    %c0_i32_0 = arith.constant 0 : i32
    %c0_i32_1 = arith.constant 0 : i32
    return %c0_i32, %c0_i32_0 : i32, i32
  }
  func.func @transform_7(%arg0: i32, %arg1: i32) -> (i32, i32) {
    %add3A = arith.constant 6 : i32
    %add3A_0 = arith.addi %add3A, %arg1 : i32
    %c0_i32 = arith.constant 0 : i32
    %c0_i32_1 = arith.constant 0 : i32
    return %add3A_0, %c0_i32 : i32, i32
  }
}

module attributes {stable_mosaic.version = 14 : i64} {
  func.func @_tc_body(%arg0: i32, %arg1: i32, %arg2: memref<256x40x128xf32, #tpu.memory_space<vmem>>, %arg3: memref<5120x512xbf16, #tpu.memory_space<vmem>>, %arg4: memref<1x512xf32, #tpu.memory_space<vmem>>, %arg5: memref<256x2xf32, #tpu.memory_space<vmem>>, %arg6: memref<2x2xf32, #tpu.memory_space<vmem>>, %arg7: memref<1x2xf32, #tpu.memory_space<vmem>>, %arg8: memref<8x514xf32, #tpu.memory_space<vmem>>, %arg9: memref<256x514xf32, #tpu.memory_space<vmem>>, %arg10: memref<3x256x512xf32, #tpu.memory_space<vmem>>) attributes {dimension_semantics = [#tpu.dimension_semantics<arbitrary>, #tpu.dimension_semantics<arbitrary>], iteration_bounds = array<i64: 5, 3>, scalar_prefetch = 0 : i64, scratch_operands = 1 : i64, tpu.core_type = #tpu.core_type<tc>, window_params = [{transform_indices = @transform_0, window_bounds = array<i64: 256, 40, 128>}, {transform_indices = @transform_1, window_bounds = array<i64: 5120, 512>}, {pipeline_mode = #tpu.pipeline_mode<synchronous>, transform_indices = @transform_2, window_bounds = array<i64: 1, 512>}, {transform_indices = @transform_3, window_bounds = array<i64: 256, 2>}, {pipeline_mode = #tpu.pipeline_mode<synchronous>, transform_indices = @transform_4, window_bounds = array<i64: 2, 2>}, {pipeline_mode = #tpu.pipeline_mode<synchronous>, transform_indices = @transform_5, window_bounds = array<i64: 1, 2>}, {transform_indices = @transform_6, window_bounds = array<i64: 8, 514>}, {transform_indices = @transform_7, window_bounds = array<i64: 256, 514>}]} {
    %get3A = arith.constant 0 : index
    %get3A_0 = arith.constant 0 : index
    %get3A_1 = arith.constant 0 : index
    %get3A_2 = vector.load %arg2[%get3A, %get3A_0, %get3A_1] : memref<256x40x128xf32, #tpu.memory_space<vmem>>, vector<256x1x128xf32>
    %get3A_3 = vector.shape_cast %get3A_2 : vector<256x1x128xf32> to vector<256x128xf32>
    %get3A_4 = arith.constant 0 : index
    %get3A_5 = arith.constant 1 : index
    %get3A_6 = arith.constant 0 : index
    %get3A_7 = vector.load %arg2[%get3A_4, %get3A_5, %get3A_6] : memref<256x40x128xf32, #tpu.memory_space<vmem>>, vector<256x1x128xf32>
    %get3A_8 = vector.shape_cast %get3A_7 : vector<256x1x128xf32> to vector<256x128xf32>
    %concatenate3A = tpu.concatenate %get3A_3, %get3A_8 in 1 : vector<256x128xf32>, vector<256x128xf32> -> vector<256x256xf32>
    %convert_element_type3A = arith.truncf %concatenate3A : vector<256x256xf32> to vector<256x256xbf16>
    %get3A_9 = arith.constant 0 : index
    %get3A_10 = arith.constant 0 : index
    %get3A_11 = vector.load %arg3[%get3A_9, %get3A_10] : memref<5120x512xbf16, #tpu.memory_space<vmem>>, vector<256x512xbf16>
    %dot_general3A = arith.constant dense<0.000000e+00> : vector<256x512xf32>
    %dot_general3A_12 = tpu.matmul %convert_element_type3A, %get3A_11, %dot_general3A {dimension_numbers = #tpu.dot_dimension_numbers<[1], [0], [0], [1], [0, 0, 1, 1], [], []>, transpose_lhs_hint = false} : vector<256x256xbf16>, vector<256x512xbf16>, vector<256x512xf32> -> vector<256x512xf32>
    %get3A_13 = arith.constant 0 : index
    %get3A_14 = arith.constant 2 : index
    %get3A_15 = arith.constant 0 : index
    %get3A_16 = vector.load %arg2[%get3A_13, %get3A_14, %get3A_15] : memref<256x40x128xf32, #tpu.memory_space<vmem>>, vector<256x1x128xf32>
    %get3A_17 = vector.shape_cast %get3A_16 : vector<256x1x128xf32> to vector<256x128xf32>
    %get3A_18 = arith.constant 0 : index
    %get3A_19 = arith.constant 3 : index
    %get3A_20 = arith.constant 0 : index
    %get3A_21 = vector.load %arg2[%get3A_18, %get3A_19, %get3A_20] : memref<256x40x128xf32, #tpu.memory_space<vmem>>, vector<256x1x128xf32>
    %get3A_22 = vector.shape_cast %get3A_21 : vector<256x1x128xf32> to vector<256x128xf32>
    %concatenate3A_23 = tpu.concatenate %get3A_17, %get3A_22 in 1 : vector<256x128xf32>, vector<256x128xf32> -> vector<256x256xf32>
    %convert_element_type3A_24 = arith.truncf %concatenate3A_23 : vector<256x256xf32> to vector<256x256xbf16>
    %get3A_25 = arith.constant 256 : index
    %get3A_26 = arith.constant 0 : index
    %get3A_27 = vector.load %arg3[%get3A_25, %get3A_26] : memref<5120x512xbf16, #tpu.memory_space<vmem>>, vector<256x512xbf16>
    %dot_general3A_28 = arith.constant dense<0.000000e+00> : vector<256x512xf32>
    %dot_general3A_29 = tpu.matmul %convert_element_type3A_24, %get3A_27, %dot_general3A_28 {dimension_numbers = #tpu.dot_dimension_numbers<[1], [0], [0], [1], [0, 0, 1, 1], [], []>, transpose_lhs_hint = false} : vector<256x256xbf16>, vector<256x512xbf16>, vector<256x512xf32> -> vector<256x512xf32>
    %add3A = arith.addf %dot_general3A_12, %dot_general3A_29 : vector<256x512xf32>
    %get3A_30 = arith.constant 0 : index
    %get3A_31 = arith.constant 4 : index
    %get3A_32 = arith.constant 0 : index
    %get3A_33 = vector.load %arg2[%get3A_30, %get3A_31, %get3A_32] : memref<256x40x128xf32, #tpu.memory_space<vmem>>, vector<256x1x128xf32>
    %get3A_34 = vector.shape_cast %get3A_33 : vector<256x1x128xf32> to vector<256x128xf32>
    %get3A_35 = arith.constant 0 : index
    %get3A_36 = arith.constant 5 : index
    %get3A_37 = arith.constant 0 : index
    %get3A_38 = vector.load %arg2[%get3A_35, %get3A_36, %get3A_37] : memref<256x40x128xf32, #tpu.memory_space<vmem>>, vector<256x1x128xf32>
    %get3A_39 = vector.shape_cast %get3A_38 : vector<256x1x128xf32> to vector<256x128xf32>
    %concatenate3A_40 = tpu.concatenate %get3A_34, %get3A_39 in 1 : vector<256x128xf32>, vector<256x128xf32> -> vector<256x256xf32>
    %convert_element_type3A_41 = arith.truncf %concatenate3A_40 : vector<256x256xf32> to vector<256x256xbf16>
    %get3A_42 = arith.constant 512 : index
    %get3A_43 = arith.constant 0 : index
    %get3A_44 = vector.load %arg3[%get3A_42, %get3A_43] : memref<5120x512xbf16, #tpu.memory_space<vmem>>, vector<256x512xbf16>
    %dot_general3A_45 = arith.constant dense<0.000000e+00> : vector<256x512xf32>
    %dot_general3A_46 = tpu.matmul %convert_element_type3A_41, %get3A_44, %dot_general3A_45 {dimension_numbers = #tpu.dot_dimension_numbers<[1], [0], [0], [1], [0, 0, 1, 1], [], []>, transpose_lhs_hint = false} : vector<256x256xbf16>, vector<256x512xbf16>, vector<256x512xf32> -> vector<256x512xf32>
    %add3A_47 = arith.addf %add3A, %dot_general3A_46 : vector<256x512xf32>
    %get3A_48 = arith.constant 0 : index
    %get3A_49 = arith.constant 6 : index
    %get3A_50 = arith.constant 0 : index
    %get3A_51 = vector.load %arg2[%get3A_48, %get3A_49, %get3A_50] : memref<256x40x128xf32, #tpu.memory_space<vmem>>, vector<256x1x128xf32>
    %get3A_52 = vector.shape_cast %get3A_51 : vector<256x1x128xf32> to vector<256x128xf32>
    %get3A_53 = arith.constant 0 : index
    %get3A_54 = arith.constant 7 : index
    %get3A_55 = arith.constant 0 : index
    %get3A_56 = vector.load %arg2[%get3A_53, %get3A_54, %get3A_55] : memref<256x40x128xf32, #tpu.memory_space<vmem>>, vector<256x1x128xf32>
    %get3A_57 = vector.shape_cast %get3A_56 : vector<256x1x128xf32> to vector<256x128xf32>
    %concatenate3A_58 = tpu.concatenate %get3A_52, %get3A_57 in 1 : vector<256x128xf32>, vector<256x128xf32> -> vector<256x256xf32>
    %convert_element_type3A_59 = arith.truncf %concatenate3A_58 : vector<256x256xf32> to vector<256x256xbf16>
    %get3A_60 = arith.constant 768 : index
    %get3A_61 = arith.constant 0 : index
    %get3A_62 = vector.load %arg3[%get3A_60, %get3A_61] : memref<5120x512xbf16, #tpu.memory_space<vmem>>, vector<256x512xbf16>
    %dot_general3A_63 = arith.constant dense<0.000000e+00> : vector<256x512xf32>
    %dot_general3A_64 = tpu.matmul %convert_element_type3A_59, %get3A_62, %dot_general3A_63 {dimension_numbers = #tpu.dot_dimension_numbers<[1], [0], [0], [1], [0, 0, 1, 1], [], []>, transpose_lhs_hint = false} : vector<256x256xbf16>, vector<256x512xbf16>, vector<256x512xf32> -> vector<256x512xf32>
    %add3A_65 = arith.addf %add3A_47, %dot_general3A_64 : vector<256x512xf32>
    %get3A_66 = arith.constant 0 : index
    %get3A_67 = arith.constant 8 : index
    %get3A_68 = arith.constant 0 : index
    %get3A_69 = vector.load %arg2[%get3A_66, %get3A_67, %get3A_68] : memref<256x40x128xf32, #tpu.memory_space<vmem>>, vector<256x1x128xf32>
    %get3A_70 = vector.shape_cast %get3A_69 : vector<256x1x128xf32> to vector<256x128xf32>
    %get3A_71 = arith.constant 0 : index
    %get3A_72 = arith.constant 9 : index
    %get3A_73 = arith.constant 0 : index
    %get3A_74 = vector.load %arg2[%get3A_71, %get3A_72, %get3A_73] : memref<256x40x128xf32, #tpu.memory_space<vmem>>, vector<256x1x128xf32>
    %get3A_75 = vector.shape_cast %get3A_74 : vector<256x1x128xf32> to vector<256x128xf32>
    %concatenate3A_76 = tpu.concatenate %get3A_70, %get3A_75 in 1 : vector<256x128xf32>, vector<256x128xf32> -> vector<256x256xf32>
    %convert_element_type3A_77 = arith.truncf %concatenate3A_76 : vector<256x256xf32> to vector<256x256xbf16>
    %get3A_78 = arith.constant 1024 : index
    %get3A_79 = arith.constant 0 : index
    %get3A_80 = vector.load %arg3[%get3A_78, %get3A_79] : memref<5120x512xbf16, #tpu.memory_space<vmem>>, vector<256x512xbf16>
    %dot_general3A_81 = arith.constant dense<0.000000e+00> : vector<256x512xf32>
    %dot_general3A_82 = tpu.matmul %convert_element_type3A_77, %get3A_80, %dot_general3A_81 {dimension_numbers = #tpu.dot_dimension_numbers<[1], [0], [0], [1], [0, 0, 1, 1], [], []>, transpose_lhs_hint = false} : vector<256x256xbf16>, vector<256x512xbf16>, vector<256x512xf32> -> vector<256x512xf32>
    %add3A_83 = arith.addf %add3A_65, %dot_general3A_82 : vector<256x512xf32>
    %get3A_84 = arith.constant 0 : index
    %get3A_85 = arith.constant 10 : index
    %get3A_86 = arith.constant 0 : index
    %get3A_87 = vector.load %arg2[%get3A_84, %get3A_85, %get3A_86] : memref<256x40x128xf32, #tpu.memory_space<vmem>>, vector<256x1x128xf32>
    %get3A_88 = vector.shape_cast %get3A_87 : vector<256x1x128xf32> to vector<256x128xf32>
    %get3A_89 = arith.constant 0 : index
    %get3A_90 = arith.constant 11 : index
    %get3A_91 = arith.constant 0 : index
    %get3A_92 = vector.load %arg2[%get3A_89, %get3A_90, %get3A_91] : memref<256x40x128xf32, #tpu.memory_space<vmem>>, vector<256x1x128xf32>
    %get3A_93 = vector.shape_cast %get3A_92 : vector<256x1x128xf32> to vector<256x128xf32>
    %concatenate3A_94 = tpu.concatenate %get3A_88, %get3A_93 in 1 : vector<256x128xf32>, vector<256x128xf32> -> vector<256x256xf32>
    %convert_element_type3A_95 = arith.truncf %concatenate3A_94 : vector<256x256xf32> to vector<256x256xbf16>
    %get3A_96 = arith.constant 1280 : index
    %get3A_97 = arith.constant 0 : index
    %get3A_98 = vector.load %arg3[%get3A_96, %get3A_97] : memref<5120x512xbf16, #tpu.memory_space<vmem>>, vector<256x512xbf16>
    %dot_general3A_99 = arith.constant dense<0.000000e+00> : vector<256x512xf32>
    %dot_general3A_100 = tpu.matmul %convert_element_type3A_95, %get3A_98, %dot_general3A_99 {dimension_numbers = #tpu.dot_dimension_numbers<[1], [0], [0], [1], [0, 0, 1, 1], [], []>, transpose_lhs_hint = false} : vector<256x256xbf16>, vector<256x512xbf16>, vector<256x512xf32> -> vector<256x512xf32>
    %add3A_101 = arith.addf %add3A_83, %dot_general3A_100 : vector<256x512xf32>
    %get3A_102 = arith.constant 0 : index
    %get3A_103 = arith.constant 12 : index
    %get3A_104 = arith.constant 0 : index
    %get3A_105 = vector.load %arg2[%get3A_102, %get3A_103, %get3A_104] : memref<256x40x128xf32, #tpu.memory_space<vmem>>, vector<256x1x128xf32>
    %get3A_106 = vector.shape_cast %get3A_105 : vector<256x1x128xf32> to vector<256x128xf32>
    %get3A_107 = arith.constant 0 : index
    %get3A_108 = arith.constant 13 : index
    %get3A_109 = arith.constant 0 : index
    %get3A_110 = vector.load %arg2[%get3A_107, %get3A_108, %get3A_109] : memref<256x40x128xf32, #tpu.memory_space<vmem>>, vector<256x1x128xf32>
    %get3A_111 = vector.shape_cast %get3A_110 : vector<256x1x128xf32> to vector<256x128xf32>
    %concatenate3A_112 = tpu.concatenate %get3A_106, %get3A_111 in 1 : vector<256x128xf32>, vector<256x128xf32> -> vector<256x256xf32>
    %convert_element_type3A_113 = arith.truncf %concatenate3A_112 : vector<256x256xf32> to vector<256x256xbf16>
    %get3A_114 = arith.constant 1536 : index
    %get3A_115 = arith.constant 0 : index
    %get3A_116 = vector.load %arg3[%get3A_114, %get3A_115] : memref<5120x512xbf16, #tpu.memory_space<vmem>>, vector<256x512xbf16>
    %dot_general3A_117 = arith.constant dense<0.000000e+00> : vector<256x512xf32>
    %dot_general3A_118 = tpu.matmul %convert_element_type3A_113, %get3A_116, %dot_general3A_117 {dimension_numbers = #tpu.dot_dimension_numbers<[1], [0], [0], [1], [0, 0, 1, 1], [], []>, transpose_lhs_hint = false} : vector<256x256xbf16>, vector<256x512xbf16>, vector<256x512xf32> -> vector<256x512xf32>
    %add3A_119 = arith.addf %add3A_101, %dot_general3A_118 : vector<256x512xf32>
    %get3A_120 = arith.constant 0 : index
    %get3A_121 = arith.constant 14 : index
    %get3A_122 = arith.constant 0 : index
    %get3A_123 = vector.load %arg2[%get3A_120, %get3A_121, %get3A_122] : memref<256x40x128xf32, #tpu.memory_space<vmem>>, vector<256x1x128xf32>
    %get3A_124 = vector.shape_cast %get3A_123 : vector<256x1x128xf32> to vector<256x128xf32>
    %get3A_125 = arith.constant 0 : index
    %get3A_126 = arith.constant 15 : index
    %get3A_127 = arith.constant 0 : index
    %get3A_128 = vector.load %arg2[%get3A_125, %get3A_126, %get3A_127] : memref<256x40x128xf32, #tpu.memory_space<vmem>>, vector<256x1x128xf32>
    %get3A_129 = vector.shape_cast %get3A_128 : vector<256x1x128xf32> to vector<256x128xf32>
    %concatenate3A_130 = tpu.concatenate %get3A_124, %get3A_129 in 1 : vector<256x128xf32>, vector<256x128xf32> -> vector<256x256xf32>
    %convert_element_type3A_131 = arith.truncf %concatenate3A_130 : vector<256x256xf32> to vector<256x256xbf16>
    %get3A_132 = arith.constant 1792 : index
    %get3A_133 = arith.constant 0 : index
    %get3A_134 = vector.load %arg3[%get3A_132, %get3A_133] : memref<5120x512xbf16, #tpu.memory_space<vmem>>, vector<256x512xbf16>
    %dot_general3A_135 = arith.constant dense<0.000000e+00> : vector<256x512xf32>
    %dot_general3A_136 = tpu.matmul %convert_element_type3A_131, %get3A_134, %dot_general3A_135 {dimension_numbers = #tpu.dot_dimension_numbers<[1], [0], [0], [1], [0, 0, 1, 1], [], []>, transpose_lhs_hint = false} : vector<256x256xbf16>, vector<256x512xbf16>, vector<256x512xf32> -> vector<256x512xf32>
    %add3A_137 = arith.addf %add3A_119, %dot_general3A_136 : vector<256x512xf32>
    %get3A_138 = arith.constant 0 : index
    %get3A_139 = arith.constant 16 : index
    %get3A_140 = arith.constant 0 : index
    %get3A_141 = vector.load %arg2[%get3A_138, %get3A_139, %get3A_140] : memref<256x40x128xf32, #tpu.memory_space<vmem>>, vector<256x1x128xf32>
    %get3A_142 = vector.shape_cast %get3A_141 : vector<256x1x128xf32> to vector<256x128xf32>
    %get3A_143 = arith.constant 0 : index
    %get3A_144 = arith.constant 17 : index
    %get3A_145 = arith.constant 0 : index
    %get3A_146 = vector.load %arg2[%get3A_143, %get3A_144, %get3A_145] : memref<256x40x128xf32, #tpu.memory_space<vmem>>, vector<256x1x128xf32>
    %get3A_147 = vector.shape_cast %get3A_146 : vector<256x1x128xf32> to vector<256x128xf32>
    %concatenate3A_148 = tpu.concatenate %get3A_142, %get3A_147 in 1 : vector<256x128xf32>, vector<256x128xf32> -> vector<256x256xf32>
    %convert_element_type3A_149 = arith.truncf %concatenate3A_148 : vector<256x256xf32> to vector<256x256xbf16>
    %get3A_150 = arith.constant 2048 : index
    %get3A_151 = arith.constant 0 : index
    %get3A_152 = vector.load %arg3[%get3A_150, %get3A_151] : memref<5120x512xbf16, #tpu.memory_space<vmem>>, vector<256x512xbf16>
    %dot_general3A_153 = arith.constant dense<0.000000e+00> : vector<256x512xf32>
    %dot_general3A_154 = tpu.matmul %convert_element_type3A_149, %get3A_152, %dot_general3A_153 {dimension_numbers = #tpu.dot_dimension_numbers<[1], [0], [0], [1], [0, 0, 1, 1], [], []>, transpose_lhs_hint = false} : vector<256x256xbf16>, vector<256x512xbf16>, vector<256x512xf32> -> vector<256x512xf32>
    %add3A_155 = arith.addf %add3A_137, %dot_general3A_154 : vector<256x512xf32>
    %get3A_156 = arith.constant 0 : index
    %get3A_157 = arith.constant 18 : index
    %get3A_158 = arith.constant 0 : index
    %get3A_159 = vector.load %arg2[%get3A_156, %get3A_157, %get3A_158] : memref<256x40x128xf32, #tpu.memory_space<vmem>>, vector<256x1x128xf32>
    %get3A_160 = vector.shape_cast %get3A_159 : vector<256x1x128xf32> to vector<256x128xf32>
    %get3A_161 = arith.constant 0 : index
    %get3A_162 = arith.constant 19 : index
    %get3A_163 = arith.constant 0 : index
    %get3A_164 = vector.load %arg2[%get3A_161, %get3A_162, %get3A_163] : memref<256x40x128xf32, #tpu.memory_space<vmem>>, vector<256x1x128xf32>
    %get3A_165 = vector.shape_cast %get3A_164 : vector<256x1x128xf32> to vector<256x128xf32>
    %concatenate3A_166 = tpu.concatenate %get3A_160, %get3A_165 in 1 : vector<256x128xf32>, vector<256x128xf32> -> vector<256x256xf32>
    %convert_element_type3A_167 = arith.truncf %concatenate3A_166 : vector<256x256xf32> to vector<256x256xbf16>
    %get3A_168 = arith.constant 2304 : index
    %get3A_169 = arith.constant 0 : index
    %get3A_170 = vector.load %arg3[%get3A_168, %get3A_169] : memref<5120x512xbf16, #tpu.memory_space<vmem>>, vector<256x512xbf16>
    %dot_general3A_171 = arith.constant dense<0.000000e+00> : vector<256x512xf32>
    %dot_general3A_172 = tpu.matmul %convert_element_type3A_167, %get3A_170, %dot_general3A_171 {dimension_numbers = #tpu.dot_dimension_numbers<[1], [0], [0], [1], [0, 0, 1, 1], [], []>, transpose_lhs_hint = false} : vector<256x256xbf16>, vector<256x512xbf16>, vector<256x512xf32> -> vector<256x512xf32>
    %add3A_173 = arith.addf %add3A_155, %dot_general3A_172 : vector<256x512xf32>
    %get3A_174 = arith.constant 0 : index
    %get3A_175 = arith.constant 20 : index
    %get3A_176 = arith.constant 0 : index
    %get3A_177 = vector.load %arg2[%get3A_174, %get3A_175, %get3A_176] : memref<256x40x128xf32, #tpu.memory_space<vmem>>, vector<256x1x128xf32>
    %get3A_178 = vector.shape_cast %get3A_177 : vector<256x1x128xf32> to vector<256x128xf32>
    %get3A_179 = arith.constant 0 : index
    %get3A_180 = arith.constant 21 : index
    %get3A_181 = arith.constant 0 : index
    %get3A_182 = vector.load %arg2[%get3A_179, %get3A_180, %get3A_181] : memref<256x40x128xf32, #tpu.memory_space<vmem>>, vector<256x1x128xf32>
    %get3A_183 = vector.shape_cast %get3A_182 : vector<256x1x128xf32> to vector<256x128xf32>
    %concatenate3A_184 = tpu.concatenate %get3A_178, %get3A_183 in 1 : vector<256x128xf32>, vector<256x128xf32> -> vector<256x256xf32>
    %convert_element_type3A_185 = arith.truncf %concatenate3A_184 : vector<256x256xf32> to vector<256x256xbf16>
    %get3A_186 = arith.constant 2560 : index
    %get3A_187 = arith.constant 0 : index
    %get3A_188 = vector.load %arg3[%get3A_186, %get3A_187] : memref<5120x512xbf16, #tpu.memory_space<vmem>>, vector<256x512xbf16>
    %dot_general3A_189 = arith.constant dense<0.000000e+00> : vector<256x512xf32>
    %dot_general3A_190 = tpu.matmul %convert_element_type3A_185, %get3A_188, %dot_general3A_189 {dimension_numbers = #tpu.dot_dimension_numbers<[1], [0], [0], [1], [0, 0, 1, 1], [], []>, transpose_lhs_hint = false} : vector<256x256xbf16>, vector<256x512xbf16>, vector<256x512xf32> -> vector<256x512xf32>
    %add3A_191 = arith.addf %add3A_173, %dot_general3A_190 : vector<256x512xf32>
    %get3A_192 = arith.constant 0 : index
    %get3A_193 = arith.constant 22 : index
    %get3A_194 = arith.constant 0 : index
    %get3A_195 = vector.load %arg2[%get3A_192, %get3A_193, %get3A_194] : memref<256x40x128xf32, #tpu.memory_space<vmem>>, vector<256x1x128xf32>
    %get3A_196 = vector.shape_cast %get3A_195 : vector<256x1x128xf32> to vector<256x128xf32>
    %get3A_197 = arith.constant 0 : index
    %get3A_198 = arith.constant 23 : index
    %get3A_199 = arith.constant 0 : index
    %get3A_200 = vector.load %arg2[%get3A_197, %get3A_198, %get3A_199] : memref<256x40x128xf32, #tpu.memory_space<vmem>>, vector<256x1x128xf32>
    %get3A_201 = vector.shape_cast %get3A_200 : vector<256x1x128xf32> to vector<256x128xf32>
    %concatenate3A_202 = tpu.concatenate %get3A_196, %get3A_201 in 1 : vector<256x128xf32>, vector<256x128xf32> -> vector<256x256xf32>
    %convert_element_type3A_203 = arith.truncf %concatenate3A_202 : vector<256x256xf32> to vector<256x256xbf16>
    %get3A_204 = arith.constant 2816 : index
    %get3A_205 = arith.constant 0 : index
    %get3A_206 = vector.load %arg3[%get3A_204, %get3A_205] : memref<5120x512xbf16, #tpu.memory_space<vmem>>, vector<256x512xbf16>
    %dot_general3A_207 = arith.constant dense<0.000000e+00> : vector<256x512xf32>
    %dot_general3A_208 = tpu.matmul %convert_element_type3A_203, %get3A_206, %dot_general3A_207 {dimension_numbers = #tpu.dot_dimension_numbers<[1], [0], [0], [1], [0, 0, 1, 1], [], []>, transpose_lhs_hint = false} : vector<256x256xbf16>, vector<256x512xbf16>, vector<256x512xf32> -> vector<256x512xf32>
    %add3A_209 = arith.addf %add3A_191, %dot_general3A_208 : vector<256x512xf32>
    %get3A_210 = arith.constant 0 : index
    %get3A_211 = arith.constant 24 : index
    %get3A_212 = arith.constant 0 : index
    %get3A_213 = vector.load %arg2[%get3A_210, %get3A_211, %get3A_212] : memref<256x40x128xf32, #tpu.memory_space<vmem>>, vector<256x1x128xf32>
    %get3A_214 = vector.shape_cast %get3A_213 : vector<256x1x128xf32> to vector<256x128xf32>
    %get3A_215 = arith.constant 0 : index
    %get3A_216 = arith.constant 25 : index
    %get3A_217 = arith.constant 0 : index
    %get3A_218 = vector.load %arg2[%get3A_215, %get3A_216, %get3A_217] : memref<256x40x128xf32, #tpu.memory_space<vmem>>, vector<256x1x128xf32>
    %get3A_219 = vector.shape_cast %get3A_218 : vector<256x1x128xf32> to vector<256x128xf32>
    %concatenate3A_220 = tpu.concatenate %get3A_214, %get3A_219 in 1 : vector<256x128xf32>, vector<256x128xf32> -> vector<256x256xf32>
    %convert_element_type3A_221 = arith.truncf %concatenate3A_220 : vector<256x256xf32> to vector<256x256xbf16>
    %get3A_222 = arith.constant 3072 : index
    %get3A_223 = arith.constant 0 : index
    %get3A_224 = vector.load %arg3[%get3A_222, %get3A_223] : memref<5120x512xbf16, #tpu.memory_space<vmem>>, vector<256x512xbf16>
    %dot_general3A_225 = arith.constant dense<0.000000e+00> : vector<256x512xf32>
    %dot_general3A_226 = tpu.matmul %convert_element_type3A_221, %get3A_224, %dot_general3A_225 {dimension_numbers = #tpu.dot_dimension_numbers<[1], [0], [0], [1], [0, 0, 1, 1], [], []>, transpose_lhs_hint = false} : vector<256x256xbf16>, vector<256x512xbf16>, vector<256x512xf32> -> vector<256x512xf32>
    %add3A_227 = arith.addf %add3A_209, %dot_general3A_226 : vector<256x512xf32>
    %get3A_228 = arith.constant 0 : index
    %get3A_229 = arith.constant 26 : index
    %get3A_230 = arith.constant 0 : index
    %get3A_231 = vector.load %arg2[%get3A_228, %get3A_229, %get3A_230] : memref<256x40x128xf32, #tpu.memory_space<vmem>>, vector<256x1x128xf32>
    %get3A_232 = vector.shape_cast %get3A_231 : vector<256x1x128xf32> to vector<256x128xf32>
    %get3A_233 = arith.constant 0 : index
    %get3A_234 = arith.constant 27 : index
    %get3A_235 = arith.constant 0 : index
    %get3A_236 = vector.load %arg2[%get3A_233, %get3A_234, %get3A_235] : memref<256x40x128xf32, #tpu.memory_space<vmem>>, vector<256x1x128xf32>
    %get3A_237 = vector.shape_cast %get3A_236 : vector<256x1x128xf32> to vector<256x128xf32>
    %concatenate3A_238 = tpu.concatenate %get3A_232, %get3A_237 in 1 : vector<256x128xf32>, vector<256x128xf32> -> vector<256x256xf32>
    %convert_element_type3A_239 = arith.truncf %concatenate3A_238 : vector<256x256xf32> to vector<256x256xbf16>
    %get3A_240 = arith.constant 3328 : index
    %get3A_241 = arith.constant 0 : index
    %get3A_242 = vector.load %arg3[%get3A_240, %get3A_241] : memref<5120x512xbf16, #tpu.memory_space<vmem>>, vector<256x512xbf16>
    %dot_general3A_243 = arith.constant dense<0.000000e+00> : vector<256x512xf32>
    %dot_general3A_244 = tpu.matmul %convert_element_type3A_239, %get3A_242, %dot_general3A_243 {dimension_numbers = #tpu.dot_dimension_numbers<[1], [0], [0], [1], [0, 0, 1, 1], [], []>, transpose_lhs_hint = false} : vector<256x256xbf16>, vector<256x512xbf16>, vector<256x512xf32> -> vector<256x512xf32>
    %add3A_245 = arith.addf %add3A_227, %dot_general3A_244 : vector<256x512xf32>
    %get3A_246 = arith.constant 0 : index
    %get3A_247 = arith.constant 28 : index
    %get3A_248 = arith.constant 0 : index
    %get3A_249 = vector.load %arg2[%get3A_246, %get3A_247, %get3A_248] : memref<256x40x128xf32, #tpu.memory_space<vmem>>, vector<256x1x128xf32>
    %get3A_250 = vector.shape_cast %get3A_249 : vector<256x1x128xf32> to vector<256x128xf32>
    %get3A_251 = arith.constant 0 : index
    %get3A_252 = arith.constant 29 : index
    %get3A_253 = arith.constant 0 : index
    %get3A_254 = vector.load %arg2[%get3A_251, %get3A_252, %get3A_253] : memref<256x40x128xf32, #tpu.memory_space<vmem>>, vector<256x1x128xf32>
    %get3A_255 = vector.shape_cast %get3A_254 : vector<256x1x128xf32> to vector<256x128xf32>
    %concatenate3A_256 = tpu.concatenate %get3A_250, %get3A_255 in 1 : vector<256x128xf32>, vector<256x128xf32> -> vector<256x256xf32>
    %convert_element_type3A_257 = arith.truncf %concatenate3A_256 : vector<256x256xf32> to vector<256x256xbf16>
    %get3A_258 = arith.constant 3584 : index
    %get3A_259 = arith.constant 0 : index
    %get3A_260 = vector.load %arg3[%get3A_258, %get3A_259] : memref<5120x512xbf16, #tpu.memory_space<vmem>>, vector<256x512xbf16>
    %dot_general3A_261 = arith.constant dense<0.000000e+00> : vector<256x512xf32>
    %dot_general3A_262 = tpu.matmul %convert_element_type3A_257, %get3A_260, %dot_general3A_261 {dimension_numbers = #tpu.dot_dimension_numbers<[1], [0], [0], [1], [0, 0, 1, 1], [], []>, transpose_lhs_hint = false} : vector<256x256xbf16>, vector<256x512xbf16>, vector<256x512xf32> -> vector<256x512xf32>
    %add3A_263 = arith.addf %add3A_245, %dot_general3A_262 : vector<256x512xf32>
    %get3A_264 = arith.constant 0 : index
    %get3A_265 = arith.constant 30 : index
    %get3A_266 = arith.constant 0 : index
    %get3A_267 = vector.load %arg2[%get3A_264, %get3A_265, %get3A_266] : memref<256x40x128xf32, #tpu.memory_space<vmem>>, vector<256x1x128xf32>
    %get3A_268 = vector.shape_cast %get3A_267 : vector<256x1x128xf32> to vector<256x128xf32>
    %get3A_269 = arith.constant 0 : index
    %get3A_270 = arith.constant 31 : index
    %get3A_271 = arith.constant 0 : index
    %get3A_272 = vector.load %arg2[%get3A_269, %get3A_270, %get3A_271] : memref<256x40x128xf32, #tpu.memory_space<vmem>>, vector<256x1x128xf32>
    %get3A_273 = vector.shape_cast %get3A_272 : vector<256x1x128xf32> to vector<256x128xf32>
    %concatenate3A_274 = tpu.concatenate %get3A_268, %get3A_273 in 1 : vector<256x128xf32>, vector<256x128xf32> -> vector<256x256xf32>
    %convert_element_type3A_275 = arith.truncf %concatenate3A_274 : vector<256x256xf32> to vector<256x256xbf16>
    %get3A_276 = arith.constant 3840 : index
    %get3A_277 = arith.constant 0 : index
    %get3A_278 = vector.load %arg3[%get3A_276, %get3A_277] : memref<5120x512xbf16, #tpu.memory_space<vmem>>, vector<256x512xbf16>
    %dot_general3A_279 = arith.constant dense<0.000000e+00> : vector<256x512xf32>
    %dot_general3A_280 = tpu.matmul %convert_element_type3A_275, %get3A_278, %dot_general3A_279 {dimension_numbers = #tpu.dot_dimension_numbers<[1], [0], [0], [1], [0, 0, 1, 1], [], []>, transpose_lhs_hint = false} : vector<256x256xbf16>, vector<256x512xbf16>, vector<256x512xf32> -> vector<256x512xf32>
    %add3A_281 = arith.addf %add3A_263, %dot_general3A_280 : vector<256x512xf32>
    %get3A_282 = arith.constant 0 : index
    %get3A_283 = arith.constant 32 : index
    %get3A_284 = arith.constant 0 : index
    %get3A_285 = vector.load %arg2[%get3A_282, %get3A_283, %get3A_284] : memref<256x40x128xf32, #tpu.memory_space<vmem>>, vector<256x1x128xf32>
    %get3A_286 = vector.shape_cast %get3A_285 : vector<256x1x128xf32> to vector<256x128xf32>
    %get3A_287 = arith.constant 0 : index
    %get3A_288 = arith.constant 33 : index
    %get3A_289 = arith.constant 0 : index
    %get3A_290 = vector.load %arg2[%get3A_287, %get3A_288, %get3A_289] : memref<256x40x128xf32, #tpu.memory_space<vmem>>, vector<256x1x128xf32>
    %get3A_291 = vector.shape_cast %get3A_290 : vector<256x1x128xf32> to vector<256x128xf32>
    %concatenate3A_292 = tpu.concatenate %get3A_286, %get3A_291 in 1 : vector<256x128xf32>, vector<256x128xf32> -> vector<256x256xf32>
    %convert_element_type3A_293 = arith.truncf %concatenate3A_292 : vector<256x256xf32> to vector<256x256xbf16>
    %get3A_294 = arith.constant 4096 : index
    %get3A_295 = arith.constant 0 : index
    %get3A_296 = vector.load %arg3[%get3A_294, %get3A_295] : memref<5120x512xbf16, #tpu.memory_space<vmem>>, vector<256x512xbf16>
    %dot_general3A_297 = arith.constant dense<0.000000e+00> : vector<256x512xf32>
    %dot_general3A_298 = tpu.matmul %convert_element_type3A_293, %get3A_296, %dot_general3A_297 {dimension_numbers = #tpu.dot_dimension_numbers<[1], [0], [0], [1], [0, 0, 1, 1], [], []>, transpose_lhs_hint = false} : vector<256x256xbf16>, vector<256x512xbf16>, vector<256x512xf32> -> vector<256x512xf32>
    %add3A_299 = arith.addf %add3A_281, %dot_general3A_298 : vector<256x512xf32>
    %get3A_300 = arith.constant 0 : index
    %get3A_301 = arith.constant 34 : index
    %get3A_302 = arith.constant 0 : index
    %get3A_303 = vector.load %arg2[%get3A_300, %get3A_301, %get3A_302] : memref<256x40x128xf32, #tpu.memory_space<vmem>>, vector<256x1x128xf32>
    %get3A_304 = vector.shape_cast %get3A_303 : vector<256x1x128xf32> to vector<256x128xf32>
    %get3A_305 = arith.constant 0 : index
    %get3A_306 = arith.constant 35 : index
    %get3A_307 = arith.constant 0 : index
    %get3A_308 = vector.load %arg2[%get3A_305, %get3A_306, %get3A_307] : memref<256x40x128xf32, #tpu.memory_space<vmem>>, vector<256x1x128xf32>
    %get3A_309 = vector.shape_cast %get3A_308 : vector<256x1x128xf32> to vector<256x128xf32>
    %concatenate3A_310 = tpu.concatenate %get3A_304, %get3A_309 in 1 : vector<256x128xf32>, vector<256x128xf32> -> vector<256x256xf32>
    %convert_element_type3A_311 = arith.truncf %concatenate3A_310 : vector<256x256xf32> to vector<256x256xbf16>
    %get3A_312 = arith.constant 4352 : index
    %get3A_313 = arith.constant 0 : index
    %get3A_314 = vector.load %arg3[%get3A_312, %get3A_313] : memref<5120x512xbf16, #tpu.memory_space<vmem>>, vector<256x512xbf16>
    %dot_general3A_315 = arith.constant dense<0.000000e+00> : vector<256x512xf32>
    %dot_general3A_316 = tpu.matmul %convert_element_type3A_311, %get3A_314, %dot_general3A_315 {dimension_numbers = #tpu.dot_dimension_numbers<[1], [0], [0], [1], [0, 0, 1, 1], [], []>, transpose_lhs_hint = false} : vector<256x256xbf16>, vector<256x512xbf16>, vector<256x512xf32> -> vector<256x512xf32>
    %add3A_317 = arith.addf %add3A_299, %dot_general3A_316 : vector<256x512xf32>
    %get3A_318 = arith.constant 0 : index
    %get3A_319 = arith.constant 36 : index
    %get3A_320 = arith.constant 0 : index
    %get3A_321 = vector.load %arg2[%get3A_318, %get3A_319, %get3A_320] : memref<256x40x128xf32, #tpu.memory_space<vmem>>, vector<256x1x128xf32>
    %get3A_322 = vector.shape_cast %get3A_321 : vector<256x1x128xf32> to vector<256x128xf32>
    %get3A_323 = arith.constant 0 : index
    %get3A_324 = arith.constant 37 : index
    %get3A_325 = arith.constant 0 : index
    %get3A_326 = vector.load %arg2[%get3A_323, %get3A_324, %get3A_325] : memref<256x40x128xf32, #tpu.memory_space<vmem>>, vector<256x1x128xf32>
    %get3A_327 = vector.shape_cast %get3A_326 : vector<256x1x128xf32> to vector<256x128xf32>
    %concatenate3A_328 = tpu.concatenate %get3A_322, %get3A_327 in 1 : vector<256x128xf32>, vector<256x128xf32> -> vector<256x256xf32>
    %convert_element_type3A_329 = arith.truncf %concatenate3A_328 : vector<256x256xf32> to vector<256x256xbf16>
    %get3A_330 = arith.constant 4608 : index
    %get3A_331 = arith.constant 0 : index
    %get3A_332 = vector.load %arg3[%get3A_330, %get3A_331] : memref<5120x512xbf16, #tpu.memory_space<vmem>>, vector<256x512xbf16>
    %dot_general3A_333 = arith.constant dense<0.000000e+00> : vector<256x512xf32>
    %dot_general3A_334 = tpu.matmul %convert_element_type3A_329, %get3A_332, %dot_general3A_333 {dimension_numbers = #tpu.dot_dimension_numbers<[1], [0], [0], [1], [0, 0, 1, 1], [], []>, transpose_lhs_hint = false} : vector<256x256xbf16>, vector<256x512xbf16>, vector<256x512xf32> -> vector<256x512xf32>
    %add3A_335 = arith.addf %add3A_317, %dot_general3A_334 : vector<256x512xf32>
    %get3A_336 = arith.constant 0 : index
    %get3A_337 = arith.constant 38 : index
    %get3A_338 = arith.constant 0 : index
    %get3A_339 = vector.load %arg2[%get3A_336, %get3A_337, %get3A_338] : memref<256x40x128xf32, #tpu.memory_space<vmem>>, vector<256x1x128xf32>
    %get3A_340 = vector.shape_cast %get3A_339 : vector<256x1x128xf32> to vector<256x128xf32>
    %get3A_341 = arith.constant 0 : index
    %get3A_342 = arith.constant 39 : index
    %get3A_343 = arith.constant 0 : index
    %get3A_344 = vector.load %arg2[%get3A_341, %get3A_342, %get3A_343] : memref<256x40x128xf32, #tpu.memory_space<vmem>>, vector<256x1x128xf32>
    %get3A_345 = vector.shape_cast %get3A_344 : vector<256x1x128xf32> to vector<256x128xf32>
    %concatenate3A_346 = tpu.concatenate %get3A_340, %get3A_345 in 1 : vector<256x128xf32>, vector<256x128xf32> -> vector<256x256xf32>
    %convert_element_type3A_347 = arith.truncf %concatenate3A_346 : vector<256x256xf32> to vector<256x256xbf16>
    %get3A_348 = arith.constant 4864 : index
    %get3A_349 = arith.constant 0 : index
    %get3A_350 = vector.load %arg3[%get3A_348, %get3A_349] : memref<5120x512xbf16, #tpu.memory_space<vmem>>, vector<256x512xbf16>
    %dot_general3A_351 = arith.constant dense<0.000000e+00> : vector<256x512xf32>
    %dot_general3A_352 = tpu.matmul %convert_element_type3A_347, %get3A_350, %dot_general3A_351 {dimension_numbers = #tpu.dot_dimension_numbers<[1], [0], [0], [1], [0, 0, 1, 1], [], []>, transpose_lhs_hint = false} : vector<256x256xbf16>, vector<256x512xbf16>, vector<256x512xf32> -> vector<256x512xf32>
    %add3A_353 = arith.addf %add3A_335, %dot_general3A_352 : vector<256x512xf32>
    %eq3A = arith.constant 0 : i32
    %eq3A_354 = arith.cmpi eq, %arg0, %eq3A : i32
    %convert_element_type3A_355 = arith.extui %eq3A_354 : i1 to i32
    %cond3A = arith.constant 0 : i32
    %cond3A_356 = arith.cmpi ne, %convert_element_type3A_355, %cond3A : i32
    scf.if %cond3A_356 {
      %swap3A = arith.index_cast %arg1 : i32 to index
      %swap3A_366 = arith.constant 0 : index
      %swap3A_367 = arith.constant 0 : index
      %swap3A_368 = vector.load %arg10[%swap3A, %swap3A_366, %swap3A_367] : memref<3x256x512xf32, #tpu.memory_space<vmem>>, vector<1x256x512xf32>
      %swap3A_369 = vector.shape_cast %swap3A_368 : vector<1x256x512xf32> to vector<256x512xf32>
      %swap3A_370 = vector.shape_cast %add3A_353 : vector<256x512xf32> to vector<1x256x512xf32>
      tpu.vector_store %arg10[%swap3A, %swap3A_366, %swap3A_367], %swap3A_370 {strides = array<i32>} : memref<3x256x512xf32, #tpu.memory_space<vmem>>, vector<1x256x512xf32>,
    } else {
    }
    %gt3A = arith.constant 0 : i32
    %gt3A_357 = arith.cmpi sgt, %arg0, %gt3A : i32
    %convert_element_type3A_358 = arith.extui %gt3A_357 : i1 to i32
    %cond3A_359 = arith.constant 0 : i32
    %cond3A_360 = arith.cmpi ne, %convert_element_type3A_358, %cond3A_359 : i32
    scf.if %cond3A_360 {
      %get3A_366 = arith.index_cast %arg1 : i32 to index
      %get3A_367 = arith.constant 0 : index
      %get3A_368 = arith.constant 0 : index
      %get3A_369 = vector.load %arg10[%get3A_366, %get3A_367, %get3A_368] : memref<3x256x512xf32, #tpu.memory_space<vmem>>, vector<1x256x512xf32>
      %get3A_370 = vector.shape_cast %get3A_369 : vector<1x256x512xf32> to vector<256x512xf32>
      %add3A_371 = arith.addf %get3A_370, %add3A_353 : vector<256x512xf32>
      %swap3A = arith.index_cast %arg1 : i32 to index
      %swap3A_372 = arith.constant 0 : index
      %swap3A_373 = arith.constant 0 : index
      %swap3A_374 = vector.load %arg10[%swap3A, %swap3A_372, %swap3A_373] : memref<3x256x512xf32, #tpu.memory_space<vmem>>, vector<1x256x512xf32>
      %swap3A_375 = vector.shape_cast %swap3A_374 : vector<1x256x512xf32> to vector<256x512xf32>
      %swap3A_376 = vector.shape_cast %add3A_371 : vector<256x512xf32> to vector<1x256x512xf32>
      tpu.vector_store %arg10[%swap3A, %swap3A_372, %swap3A_373], %swap3A_376 {strides = array<i32>} : memref<3x256x512xf32, #tpu.memory_space<vmem>>, vector<1x256x512xf32>,
    } else {
    }
    %eq3A_361 = arith.constant 4 : i32
    %eq3A_362 = arith.cmpi eq, %arg0, %eq3A_361 : i32
    %convert_element_type3A_363 = arith.extui %eq3A_362 : i1 to i32
    %cond3A_364 = arith.constant 0 : i32
    %cond3A_365 = arith.cmpi ne, %convert_element_type3A_363, %cond3A_364 : i32
    scf.if %cond3A_365 {
      %get3A_366 = arith.index_cast %arg1 : i32 to index
      %get3A_367 = arith.constant 0 : index
      %get3A_368 = arith.constant 0 : index
      %get3A_369 = vector.load %arg10[%get3A_366, %get3A_367, %get3A_368] : memref<3x256x512xf32, #tpu.memory_space<vmem>>, vector<1x256x512xf32>
      %get3A_370 = vector.shape_cast %get3A_369 : vector<1x256x512xf32> to vector<256x512xf32>
      %get3A_371 = arith.constant 0 : index
      %get3A_372 = arith.constant 0 : index
      %get3A_373 = vector.load %arg4[%get3A_371, %get3A_372] : memref<1x512xf32, #tpu.memory_space<vmem>>, vector<1x512xf32>
      %add3A_374 = vector.broadcast %get3A_373 : vector<1x512xf32> to vector<256x512xf32>
      %add3A_375 = arith.addf %get3A_370, %add3A_374 : vector<256x512xf32>
      %swap3A = arith.constant 0 : index
      %swap3A_376 = arith.constant 0 : index
      %swap3A_377 = vector.load %arg9[%swap3A, %swap3A_376] : memref<256x514xf32, #tpu.memory_space<vmem>>, vector<256x512xf32>
      tpu.vector_store %arg9[%swap3A, %swap3A_376], %add3A_375 {strides = array<i32>} : memref<256x514xf32, #tpu.memory_space<vmem>>, vector<256x512xf32>,
      %get3A_378 = arith.constant 0 : index
      %get3A_379 = arith.constant 0 : index
      %get3A_380 = vector.load %arg5[%get3A_378, %get3A_379] : memref<256x2xf32, #tpu.memory_space<vmem>>, vector<256x2xf32>
      %get3A_381 = arith.constant 0 : index
      %get3A_382 = arith.constant 0 : index
      %get3A_383 = vector.load %arg6[%get3A_381, %get3A_382] : memref<2x2xf32, #tpu.memory_space<vmem>>, vector<2x2xf32>
      %dot_general3A_384 = arith.constant dense<0.000000e+00> : vector<256x2xf32>
      %dot_general3A_385 = tpu.matmul %get3A_380, %get3A_383, %dot_general3A_384 {dimension_numbers = #tpu.dot_dimension_numbers<[1], [0], [0], [1], [0, 0, 1, 1], [], []>, transpose_lhs_hint = false} : vector<256x2xf32>, vector<2x2xf32>, vector<256x2xf32> -> vector<256x2xf32>
      %get3A_386 = arith.constant 0 : index
      %get3A_387 = arith.constant 0 : index
      %get3A_388 = vector.load %arg7[%get3A_386, %get3A_387] : memref<1x2xf32, #tpu.memory_space<vmem>>, vector<1x2xf32>
      %add3A_389 = vector.broadcast %get3A_388 : vector<1x2xf32> to vector<256x2xf32>
      %add3A_390 = arith.addf %dot_general3A_385, %add3A_389 : vector<256x2xf32>
      %swap3A_391 = arith.constant 0 : index
      %swap3A_392 = arith.constant 512 : index
      %swap3A_393 = vector.load %arg9[%swap3A_391, %swap3A_392] : memref<256x514xf32, #tpu.memory_space<vmem>>, vector<256x2xf32>
      tpu.vector_store %arg9[%swap3A_391, %swap3A_392], %add3A_390 {strides = array<i32>} : memref<256x514xf32, #tpu.memory_space<vmem>>, vector<256x2xf32>,
    } else {
    }
    return
  }
  func.func @transform_0(%arg0: i32, %arg1: i32) -> (i32, i32, i32) {
    %c0_i32 = arith.constant 0 : i32
    %c0_i32_0 = arith.constant 0 : i32
    return %arg1, %arg0, %c0_i32 : i32, i32, i32
  }
  func.func @transform_1(%arg0: i32, %arg1: i32) -> (i32, i32) {
    %c0_i32 = arith.constant 0 : i32
    %c0_i32_0 = arith.constant 0 : i32
    return %arg0, %c0_i32 : i32, i32
  }
  func.func @transform_2(%arg0: i32, %arg1: i32) -> (i32, i32) {
    %c0_i32 = arith.constant 0 : i32
    %c0_i32_0 = arith.constant 0 : i32
    %c0_i32_1 = arith.constant 0 : i32
    return %c0_i32, %c0_i32_0 : i32, i32
  }
  func.func @transform_3(%arg0: i32, %arg1: i32) -> (i32, i32) {
    %add3A = arith.constant 11 : i32
    %add3A_0 = arith.addi %add3A, %arg1 : i32
    %c0_i32 = arith.constant 0 : i32
    %c0_i32_1 = arith.constant 0 : i32
    return %add3A_0, %c0_i32 : i32, i32
  }
  func.func @transform_4(%arg0: i32, %arg1: i32) -> (i32, i32) {
    %c0_i32 = arith.constant 0 : i32
    %c0_i32_0 = arith.constant 0 : i32
    %c0_i32_1 = arith.constant 0 : i32
    return %c0_i32, %c0_i32_0 : i32, i32
  }
  func.func @transform_5(%arg0: i32, %arg1: i32) -> (i32, i32) {
    %c0_i32 = arith.constant 0 : i32
    %c0_i32_0 = arith.constant 0 : i32
    %c0_i32_1 = arith.constant 0 : i32
    return %c0_i32, %c0_i32_0 : i32, i32
  }
  func.func @transform_6(%arg0: i32, %arg1: i32) -> (i32, i32) {
    %c0_i32 = arith.constant 0 : i32
    %c0_i32_0 = arith.constant 0 : i32
    %c0_i32_1 = arith.constant 0 : i32
    return %c0_i32, %c0_i32_0 : i32, i32
  }
  func.func @transform_7(%arg0: i32, %arg1: i32) -> (i32, i32) {
    %add3A = arith.constant 11 : i32
    %add3A_0 = arith.addi %add3A, %arg1 : i32
    %c0_i32 = arith.constant 0 : i32
    %c0_i32_1 = arith.constant 0 : i32
    return %add3A_0, %c0_i32 : i32, i32
  }
}

module attributes {stable_mosaic.version = 14 : i64} {
  func.func @_tc_body(%arg0: i32, %arg1: i32, %arg2: memref<256x40x128xf32, #tpu.memory_space<vmem>>, %arg3: memref<5120x512xbf16, #tpu.memory_space<vmem>>, %arg4: memref<1x512xf32, #tpu.memory_space<vmem>>, %arg5: memref<256x2xf32, #tpu.memory_space<vmem>>, %arg6: memref<2x2xf32, #tpu.memory_space<vmem>>, %arg7: memref<1x2xf32, #tpu.memory_space<vmem>>, %arg8: memref<8x514xf32, #tpu.memory_space<vmem>>, %arg9: memref<256x514xf32, #tpu.memory_space<vmem>>, %arg10: memref<2x256x512xf32, #tpu.memory_space<vmem>>) attributes {dimension_semantics = [#tpu.dimension_semantics<arbitrary>, #tpu.dimension_semantics<arbitrary>], iteration_bounds = array<i64: 5, 2>, scalar_prefetch = 0 : i64, scratch_operands = 1 : i64, tpu.core_type = #tpu.core_type<tc>, window_params = [{transform_indices = @transform_0, window_bounds = array<i64: 256, 40, 128>}, {transform_indices = @transform_1, window_bounds = array<i64: 5120, 512>}, {pipeline_mode = #tpu.pipeline_mode<synchronous>, transform_indices = @transform_2, window_bounds = array<i64: 1, 512>}, {transform_indices = @transform_3, window_bounds = array<i64: 256, 2>}, {pipeline_mode = #tpu.pipeline_mode<synchronous>, transform_indices = @transform_4, window_bounds = array<i64: 2, 2>}, {pipeline_mode = #tpu.pipeline_mode<synchronous>, transform_indices = @transform_5, window_bounds = array<i64: 1, 2>}, {transform_indices = @transform_6, window_bounds = array<i64: 8, 514>}, {transform_indices = @transform_7, window_bounds = array<i64: 256, 514>}]} {
    %get3A = arith.constant 0 : index
    %get3A_0 = arith.constant 0 : index
    %get3A_1 = arith.constant 0 : index
    %get3A_2 = vector.load %arg2[%get3A, %get3A_0, %get3A_1] : memref<256x40x128xf32, #tpu.memory_space<vmem>>, vector<256x1x128xf32>
    %get3A_3 = vector.shape_cast %get3A_2 : vector<256x1x128xf32> to vector<256x128xf32>
    %get3A_4 = arith.constant 0 : index
    %get3A_5 = arith.constant 1 : index
    %get3A_6 = arith.constant 0 : index
    %get3A_7 = vector.load %arg2[%get3A_4, %get3A_5, %get3A_6] : memref<256x40x128xf32, #tpu.memory_space<vmem>>, vector<256x1x128xf32>
    %get3A_8 = vector.shape_cast %get3A_7 : vector<256x1x128xf32> to vector<256x128xf32>
    %concatenate3A = tpu.concatenate %get3A_3, %get3A_8 in 1 : vector<256x128xf32>, vector<256x128xf32> -> vector<256x256xf32>
    %convert_element_type3A = arith.truncf %concatenate3A : vector<256x256xf32> to vector<256x256xbf16>
    %get3A_9 = arith.constant 0 : index
    %get3A_10 = arith.constant 0 : index
    %get3A_11 = vector.load %arg3[%get3A_9, %get3A_10] : memref<5120x512xbf16, #tpu.memory_space<vmem>>, vector<256x512xbf16>
    %dot_general3A = arith.constant dense<0.000000e+00> : vector<256x512xf32>
    %dot_general3A_12 = tpu.matmul %convert_element_type3A, %get3A_11, %dot_general3A {dimension_numbers = #tpu.dot_dimension_numbers<[1], [0], [0], [1], [0, 0, 1, 1], [], []>, transpose_lhs_hint = false} : vector<256x256xbf16>, vector<256x512xbf16>, vector<256x512xf32> -> vector<256x512xf32>
    %get3A_13 = arith.constant 0 : index
    %get3A_14 = arith.constant 2 : index
    %get3A_15 = arith.constant 0 : index
    %get3A_16 = vector.load %arg2[%get3A_13, %get3A_14, %get3A_15] : memref<256x40x128xf32, #tpu.memory_space<vmem>>, vector<256x1x128xf32>
    %get3A_17 = vector.shape_cast %get3A_16 : vector<256x1x128xf32> to vector<256x128xf32>
    %get3A_18 = arith.constant 0 : index
    %get3A_19 = arith.constant 3 : index
    %get3A_20 = arith.constant 0 : index
    %get3A_21 = vector.load %arg2[%get3A_18, %get3A_19, %get3A_20] : memref<256x40x128xf32, #tpu.memory_space<vmem>>, vector<256x1x128xf32>
    %get3A_22 = vector.shape_cast %get3A_21 : vector<256x1x128xf32> to vector<256x128xf32>
    %concatenate3A_23 = tpu.concatenate %get3A_17, %get3A_22 in 1 : vector<256x128xf32>, vector<256x128xf32> -> vector<256x256xf32>
    %convert_element_type3A_24 = arith.truncf %concatenate3A_23 : vector<256x256xf32> to vector<256x256xbf16>
    %get3A_25 = arith.constant 256 : index
    %get3A_26 = arith.constant 0 : index
    %get3A_27 = vector.load %arg3[%get3A_25, %get3A_26] : memref<5120x512xbf16, #tpu.memory_space<vmem>>, vector<256x512xbf16>
    %dot_general3A_28 = arith.constant dense<0.000000e+00> : vector<256x512xf32>
    %dot_general3A_29 = tpu.matmul %convert_element_type3A_24, %get3A_27, %dot_general3A_28 {dimension_numbers = #tpu.dot_dimension_numbers<[1], [0], [0], [1], [0, 0, 1, 1], [], []>, transpose_lhs_hint = false} : vector<256x256xbf16>, vector<256x512xbf16>, vector<256x512xf32> -> vector<256x512xf32>
    %add3A = arith.addf %dot_general3A_12, %dot_general3A_29 : vector<256x512xf32>
    %get3A_30 = arith.constant 0 : index
    %get3A_31 = arith.constant 4 : index
    %get3A_32 = arith.constant 0 : index
    %get3A_33 = vector.load %arg2[%get3A_30, %get3A_31, %get3A_32] : memref<256x40x128xf32, #tpu.memory_space<vmem>>, vector<256x1x128xf32>
    %get3A_34 = vector.shape_cast %get3A_33 : vector<256x1x128xf32> to vector<256x128xf32>
    %get3A_35 = arith.constant 0 : index
    %get3A_36 = arith.constant 5 : index
    %get3A_37 = arith.constant 0 : index
    %get3A_38 = vector.load %arg2[%get3A_35, %get3A_36, %get3A_37] : memref<256x40x128xf32, #tpu.memory_space<vmem>>, vector<256x1x128xf32>
    %get3A_39 = vector.shape_cast %get3A_38 : vector<256x1x128xf32> to vector<256x128xf32>
    %concatenate3A_40 = tpu.concatenate %get3A_34, %get3A_39 in 1 : vector<256x128xf32>, vector<256x128xf32> -> vector<256x256xf32>
    %convert_element_type3A_41 = arith.truncf %concatenate3A_40 : vector<256x256xf32> to vector<256x256xbf16>
    %get3A_42 = arith.constant 512 : index
    %get3A_43 = arith.constant 0 : index
    %get3A_44 = vector.load %arg3[%get3A_42, %get3A_43] : memref<5120x512xbf16, #tpu.memory_space<vmem>>, vector<256x512xbf16>
    %dot_general3A_45 = arith.constant dense<0.000000e+00> : vector<256x512xf32>
    %dot_general3A_46 = tpu.matmul %convert_element_type3A_41, %get3A_44, %dot_general3A_45 {dimension_numbers = #tpu.dot_dimension_numbers<[1], [0], [0], [1], [0, 0, 1, 1], [], []>, transpose_lhs_hint = false} : vector<256x256xbf16>, vector<256x512xbf16>, vector<256x512xf32> -> vector<256x512xf32>
    %add3A_47 = arith.addf %add3A, %dot_general3A_46 : vector<256x512xf32>
    %get3A_48 = arith.constant 0 : index
    %get3A_49 = arith.constant 6 : index
    %get3A_50 = arith.constant 0 : index
    %get3A_51 = vector.load %arg2[%get3A_48, %get3A_49, %get3A_50] : memref<256x40x128xf32, #tpu.memory_space<vmem>>, vector<256x1x128xf32>
    %get3A_52 = vector.shape_cast %get3A_51 : vector<256x1x128xf32> to vector<256x128xf32>
    %get3A_53 = arith.constant 0 : index
    %get3A_54 = arith.constant 7 : index
    %get3A_55 = arith.constant 0 : index
    %get3A_56 = vector.load %arg2[%get3A_53, %get3A_54, %get3A_55] : memref<256x40x128xf32, #tpu.memory_space<vmem>>, vector<256x1x128xf32>
    %get3A_57 = vector.shape_cast %get3A_56 : vector<256x1x128xf32> to vector<256x128xf32>
    %concatenate3A_58 = tpu.concatenate %get3A_52, %get3A_57 in 1 : vector<256x128xf32>, vector<256x128xf32> -> vector<256x256xf32>
    %convert_element_type3A_59 = arith.truncf %concatenate3A_58 : vector<256x256xf32> to vector<256x256xbf16>
    %get3A_60 = arith.constant 768 : index
    %get3A_61 = arith.constant 0 : index
    %get3A_62 = vector.load %arg3[%get3A_60, %get3A_61] : memref<5120x512xbf16, #tpu.memory_space<vmem>>, vector<256x512xbf16>
    %dot_general3A_63 = arith.constant dense<0.000000e+00> : vector<256x512xf32>
    %dot_general3A_64 = tpu.matmul %convert_element_type3A_59, %get3A_62, %dot_general3A_63 {dimension_numbers = #tpu.dot_dimension_numbers<[1], [0], [0], [1], [0, 0, 1, 1], [], []>, transpose_lhs_hint = false} : vector<256x256xbf16>, vector<256x512xbf16>, vector<256x512xf32> -> vector<256x512xf32>
    %add3A_65 = arith.addf %add3A_47, %dot_general3A_64 : vector<256x512xf32>
    %get3A_66 = arith.constant 0 : index
    %get3A_67 = arith.constant 8 : index
    %get3A_68 = arith.constant 0 : index
    %get3A_69 = vector.load %arg2[%get3A_66, %get3A_67, %get3A_68] : memref<256x40x128xf32, #tpu.memory_space<vmem>>, vector<256x1x128xf32>
    %get3A_70 = vector.shape_cast %get3A_69 : vector<256x1x128xf32> to vector<256x128xf32>
    %get3A_71 = arith.constant 0 : index
    %get3A_72 = arith.constant 9 : index
    %get3A_73 = arith.constant 0 : index
    %get3A_74 = vector.load %arg2[%get3A_71, %get3A_72, %get3A_73] : memref<256x40x128xf32, #tpu.memory_space<vmem>>, vector<256x1x128xf32>
    %get3A_75 = vector.shape_cast %get3A_74 : vector<256x1x128xf32> to vector<256x128xf32>
    %concatenate3A_76 = tpu.concatenate %get3A_70, %get3A_75 in 1 : vector<256x128xf32>, vector<256x128xf32> -> vector<256x256xf32>
    %convert_element_type3A_77 = arith.truncf %concatenate3A_76 : vector<256x256xf32> to vector<256x256xbf16>
    %get3A_78 = arith.constant 1024 : index
    %get3A_79 = arith.constant 0 : index
    %get3A_80 = vector.load %arg3[%get3A_78, %get3A_79] : memref<5120x512xbf16, #tpu.memory_space<vmem>>, vector<256x512xbf16>
    %dot_general3A_81 = arith.constant dense<0.000000e+00> : vector<256x512xf32>
    %dot_general3A_82 = tpu.matmul %convert_element_type3A_77, %get3A_80, %dot_general3A_81 {dimension_numbers = #tpu.dot_dimension_numbers<[1], [0], [0], [1], [0, 0, 1, 1], [], []>, transpose_lhs_hint = false} : vector<256x256xbf16>, vector<256x512xbf16>, vector<256x512xf32> -> vector<256x512xf32>
    %add3A_83 = arith.addf %add3A_65, %dot_general3A_82 : vector<256x512xf32>
    %get3A_84 = arith.constant 0 : index
    %get3A_85 = arith.constant 10 : index
    %get3A_86 = arith.constant 0 : index
    %get3A_87 = vector.load %arg2[%get3A_84, %get3A_85, %get3A_86] : memref<256x40x128xf32, #tpu.memory_space<vmem>>, vector<256x1x128xf32>
    %get3A_88 = vector.shape_cast %get3A_87 : vector<256x1x128xf32> to vector<256x128xf32>
    %get3A_89 = arith.constant 0 : index
    %get3A_90 = arith.constant 11 : index
    %get3A_91 = arith.constant 0 : index
    %get3A_92 = vector.load %arg2[%get3A_89, %get3A_90, %get3A_91] : memref<256x40x128xf32, #tpu.memory_space<vmem>>, vector<256x1x128xf32>
    %get3A_93 = vector.shape_cast %get3A_92 : vector<256x1x128xf32> to vector<256x128xf32>
    %concatenate3A_94 = tpu.concatenate %get3A_88, %get3A_93 in 1 : vector<256x128xf32>, vector<256x128xf32> -> vector<256x256xf32>
    %convert_element_type3A_95 = arith.truncf %concatenate3A_94 : vector<256x256xf32> to vector<256x256xbf16>
    %get3A_96 = arith.constant 1280 : index
    %get3A_97 = arith.constant 0 : index
    %get3A_98 = vector.load %arg3[%get3A_96, %get3A_97] : memref<5120x512xbf16, #tpu.memory_space<vmem>>, vector<256x512xbf16>
    %dot_general3A_99 = arith.constant dense<0.000000e+00> : vector<256x512xf32>
    %dot_general3A_100 = tpu.matmul %convert_element_type3A_95, %get3A_98, %dot_general3A_99 {dimension_numbers = #tpu.dot_dimension_numbers<[1], [0], [0], [1], [0, 0, 1, 1], [], []>, transpose_lhs_hint = false} : vector<256x256xbf16>, vector<256x512xbf16>, vector<256x512xf32> -> vector<256x512xf32>
    %add3A_101 = arith.addf %add3A_83, %dot_general3A_100 : vector<256x512xf32>
    %get3A_102 = arith.constant 0 : index
    %get3A_103 = arith.constant 12 : index
    %get3A_104 = arith.constant 0 : index
    %get3A_105 = vector.load %arg2[%get3A_102, %get3A_103, %get3A_104] : memref<256x40x128xf32, #tpu.memory_space<vmem>>, vector<256x1x128xf32>
    %get3A_106 = vector.shape_cast %get3A_105 : vector<256x1x128xf32> to vector<256x128xf32>
    %get3A_107 = arith.constant 0 : index
    %get3A_108 = arith.constant 13 : index
    %get3A_109 = arith.constant 0 : index
    %get3A_110 = vector.load %arg2[%get3A_107, %get3A_108, %get3A_109] : memref<256x40x128xf32, #tpu.memory_space<vmem>>, vector<256x1x128xf32>
    %get3A_111 = vector.shape_cast %get3A_110 : vector<256x1x128xf32> to vector<256x128xf32>
    %concatenate3A_112 = tpu.concatenate %get3A_106, %get3A_111 in 1 : vector<256x128xf32>, vector<256x128xf32> -> vector<256x256xf32>
    %convert_element_type3A_113 = arith.truncf %concatenate3A_112 : vector<256x256xf32> to vector<256x256xbf16>
    %get3A_114 = arith.constant 1536 : index
    %get3A_115 = arith.constant 0 : index
    %get3A_116 = vector.load %arg3[%get3A_114, %get3A_115] : memref<5120x512xbf16, #tpu.memory_space<vmem>>, vector<256x512xbf16>
    %dot_general3A_117 = arith.constant dense<0.000000e+00> : vector<256x512xf32>
    %dot_general3A_118 = tpu.matmul %convert_element_type3A_113, %get3A_116, %dot_general3A_117 {dimension_numbers = #tpu.dot_dimension_numbers<[1], [0], [0], [1], [0, 0, 1, 1], [], []>, transpose_lhs_hint = false} : vector<256x256xbf16>, vector<256x512xbf16>, vector<256x512xf32> -> vector<256x512xf32>
    %add3A_119 = arith.addf %add3A_101, %dot_general3A_118 : vector<256x512xf32>
    %get3A_120 = arith.constant 0 : index
    %get3A_121 = arith.constant 14 : index
    %get3A_122 = arith.constant 0 : index
    %get3A_123 = vector.load %arg2[%get3A_120, %get3A_121, %get3A_122] : memref<256x40x128xf32, #tpu.memory_space<vmem>>, vector<256x1x128xf32>
    %get3A_124 = vector.shape_cast %get3A_123 : vector<256x1x128xf32> to vector<256x128xf32>
    %get3A_125 = arith.constant 0 : index
    %get3A_126 = arith.constant 15 : index
    %get3A_127 = arith.constant 0 : index
    %get3A_128 = vector.load %arg2[%get3A_125, %get3A_126, %get3A_127] : memref<256x40x128xf32, #tpu.memory_space<vmem>>, vector<256x1x128xf32>
    %get3A_129 = vector.shape_cast %get3A_128 : vector<256x1x128xf32> to vector<256x128xf32>
    %concatenate3A_130 = tpu.concatenate %get3A_124, %get3A_129 in 1 : vector<256x128xf32>, vector<256x128xf32> -> vector<256x256xf32>
    %convert_element_type3A_131 = arith.truncf %concatenate3A_130 : vector<256x256xf32> to vector<256x256xbf16>
    %get3A_132 = arith.constant 1792 : index
    %get3A_133 = arith.constant 0 : index
    %get3A_134 = vector.load %arg3[%get3A_132, %get3A_133] : memref<5120x512xbf16, #tpu.memory_space<vmem>>, vector<256x512xbf16>
    %dot_general3A_135 = arith.constant dense<0.000000e+00> : vector<256x512xf32>
    %dot_general3A_136 = tpu.matmul %convert_element_type3A_131, %get3A_134, %dot_general3A_135 {dimension_numbers = #tpu.dot_dimension_numbers<[1], [0], [0], [1], [0, 0, 1, 1], [], []>, transpose_lhs_hint = false} : vector<256x256xbf16>, vector<256x512xbf16>, vector<256x512xf32> -> vector<256x512xf32>
    %add3A_137 = arith.addf %add3A_119, %dot_general3A_136 : vector<256x512xf32>
    %get3A_138 = arith.constant 0 : index
    %get3A_139 = arith.constant 16 : index
    %get3A_140 = arith.constant 0 : index
    %get3A_141 = vector.load %arg2[%get3A_138, %get3A_139, %get3A_140] : memref<256x40x128xf32, #tpu.memory_space<vmem>>, vector<256x1x128xf32>
    %get3A_142 = vector.shape_cast %get3A_141 : vector<256x1x128xf32> to vector<256x128xf32>
    %get3A_143 = arith.constant 0 : index
    %get3A_144 = arith.constant 17 : index
    %get3A_145 = arith.constant 0 : index
    %get3A_146 = vector.load %arg2[%get3A_143, %get3A_144, %get3A_145] : memref<256x40x128xf32, #tpu.memory_space<vmem>>, vector<256x1x128xf32>
    %get3A_147 = vector.shape_cast %get3A_146 : vector<256x1x128xf32> to vector<256x128xf32>
    %concatenate3A_148 = tpu.concatenate %get3A_142, %get3A_147 in 1 : vector<256x128xf32>, vector<256x128xf32> -> vector<256x256xf32>
    %convert_element_type3A_149 = arith.truncf %concatenate3A_148 : vector<256x256xf32> to vector<256x256xbf16>
    %get3A_150 = arith.constant 2048 : index
    %get3A_151 = arith.constant 0 : index
    %get3A_152 = vector.load %arg3[%get3A_150, %get3A_151] : memref<5120x512xbf16, #tpu.memory_space<vmem>>, vector<256x512xbf16>
    %dot_general3A_153 = arith.constant dense<0.000000e+00> : vector<256x512xf32>
    %dot_general3A_154 = tpu.matmul %convert_element_type3A_149, %get3A_152, %dot_general3A_153 {dimension_numbers = #tpu.dot_dimension_numbers<[1], [0], [0], [1], [0, 0, 1, 1], [], []>, transpose_lhs_hint = false} : vector<256x256xbf16>, vector<256x512xbf16>, vector<256x512xf32> -> vector<256x512xf32>
    %add3A_155 = arith.addf %add3A_137, %dot_general3A_154 : vector<256x512xf32>
    %get3A_156 = arith.constant 0 : index
    %get3A_157 = arith.constant 18 : index
    %get3A_158 = arith.constant 0 : index
    %get3A_159 = vector.load %arg2[%get3A_156, %get3A_157, %get3A_158] : memref<256x40x128xf32, #tpu.memory_space<vmem>>, vector<256x1x128xf32>
    %get3A_160 = vector.shape_cast %get3A_159 : vector<256x1x128xf32> to vector<256x128xf32>
    %get3A_161 = arith.constant 0 : index
    %get3A_162 = arith.constant 19 : index
    %get3A_163 = arith.constant 0 : index
    %get3A_164 = vector.load %arg2[%get3A_161, %get3A_162, %get3A_163] : memref<256x40x128xf32, #tpu.memory_space<vmem>>, vector<256x1x128xf32>
    %get3A_165 = vector.shape_cast %get3A_164 : vector<256x1x128xf32> to vector<256x128xf32>
    %concatenate3A_166 = tpu.concatenate %get3A_160, %get3A_165 in 1 : vector<256x128xf32>, vector<256x128xf32> -> vector<256x256xf32>
    %convert_element_type3A_167 = arith.truncf %concatenate3A_166 : vector<256x256xf32> to vector<256x256xbf16>
    %get3A_168 = arith.constant 2304 : index
    %get3A_169 = arith.constant 0 : index
    %get3A_170 = vector.load %arg3[%get3A_168, %get3A_169] : memref<5120x512xbf16, #tpu.memory_space<vmem>>, vector<256x512xbf16>
    %dot_general3A_171 = arith.constant dense<0.000000e+00> : vector<256x512xf32>
    %dot_general3A_172 = tpu.matmul %convert_element_type3A_167, %get3A_170, %dot_general3A_171 {dimension_numbers = #tpu.dot_dimension_numbers<[1], [0], [0], [1], [0, 0, 1, 1], [], []>, transpose_lhs_hint = false} : vector<256x256xbf16>, vector<256x512xbf16>, vector<256x512xf32> -> vector<256x512xf32>
    %add3A_173 = arith.addf %add3A_155, %dot_general3A_172 : vector<256x512xf32>
    %get3A_174 = arith.constant 0 : index
    %get3A_175 = arith.constant 20 : index
    %get3A_176 = arith.constant 0 : index
    %get3A_177 = vector.load %arg2[%get3A_174, %get3A_175, %get3A_176] : memref<256x40x128xf32, #tpu.memory_space<vmem>>, vector<256x1x128xf32>
    %get3A_178 = vector.shape_cast %get3A_177 : vector<256x1x128xf32> to vector<256x128xf32>
    %get3A_179 = arith.constant 0 : index
    %get3A_180 = arith.constant 21 : index
    %get3A_181 = arith.constant 0 : index
    %get3A_182 = vector.load %arg2[%get3A_179, %get3A_180, %get3A_181] : memref<256x40x128xf32, #tpu.memory_space<vmem>>, vector<256x1x128xf32>
    %get3A_183 = vector.shape_cast %get3A_182 : vector<256x1x128xf32> to vector<256x128xf32>
    %concatenate3A_184 = tpu.concatenate %get3A_178, %get3A_183 in 1 : vector<256x128xf32>, vector<256x128xf32> -> vector<256x256xf32>
    %convert_element_type3A_185 = arith.truncf %concatenate3A_184 : vector<256x256xf32> to vector<256x256xbf16>
    %get3A_186 = arith.constant 2560 : index
    %get3A_187 = arith.constant 0 : index
    %get3A_188 = vector.load %arg3[%get3A_186, %get3A_187] : memref<5120x512xbf16, #tpu.memory_space<vmem>>, vector<256x512xbf16>
    %dot_general3A_189 = arith.constant dense<0.000000e+00> : vector<256x512xf32>
    %dot_general3A_190 = tpu.matmul %convert_element_type3A_185, %get3A_188, %dot_general3A_189 {dimension_numbers = #tpu.dot_dimension_numbers<[1], [0], [0], [1], [0, 0, 1, 1], [], []>, transpose_lhs_hint = false} : vector<256x256xbf16>, vector<256x512xbf16>, vector<256x512xf32> -> vector<256x512xf32>
    %add3A_191 = arith.addf %add3A_173, %dot_general3A_190 : vector<256x512xf32>
    %get3A_192 = arith.constant 0 : index
    %get3A_193 = arith.constant 22 : index
    %get3A_194 = arith.constant 0 : index
    %get3A_195 = vector.load %arg2[%get3A_192, %get3A_193, %get3A_194] : memref<256x40x128xf32, #tpu.memory_space<vmem>>, vector<256x1x128xf32>
    %get3A_196 = vector.shape_cast %get3A_195 : vector<256x1x128xf32> to vector<256x128xf32>
    %get3A_197 = arith.constant 0 : index
    %get3A_198 = arith.constant 23 : index
    %get3A_199 = arith.constant 0 : index
    %get3A_200 = vector.load %arg2[%get3A_197, %get3A_198, %get3A_199] : memref<256x40x128xf32, #tpu.memory_space<vmem>>, vector<256x1x128xf32>
    %get3A_201 = vector.shape_cast %get3A_200 : vector<256x1x128xf32> to vector<256x128xf32>
    %concatenate3A_202 = tpu.concatenate %get3A_196, %get3A_201 in 1 : vector<256x128xf32>, vector<256x128xf32> -> vector<256x256xf32>
    %convert_element_type3A_203 = arith.truncf %concatenate3A_202 : vector<256x256xf32> to vector<256x256xbf16>
    %get3A_204 = arith.constant 2816 : index
    %get3A_205 = arith.constant 0 : index
    %get3A_206 = vector.load %arg3[%get3A_204, %get3A_205] : memref<5120x512xbf16, #tpu.memory_space<vmem>>, vector<256x512xbf16>
    %dot_general3A_207 = arith.constant dense<0.000000e+00> : vector<256x512xf32>
    %dot_general3A_208 = tpu.matmul %convert_element_type3A_203, %get3A_206, %dot_general3A_207 {dimension_numbers = #tpu.dot_dimension_numbers<[1], [0], [0], [1], [0, 0, 1, 1], [], []>, transpose_lhs_hint = false} : vector<256x256xbf16>, vector<256x512xbf16>, vector<256x512xf32> -> vector<256x512xf32>
    %add3A_209 = arith.addf %add3A_191, %dot_general3A_208 : vector<256x512xf32>
    %get3A_210 = arith.constant 0 : index
    %get3A_211 = arith.constant 24 : index
    %get3A_212 = arith.constant 0 : index
    %get3A_213 = vector.load %arg2[%get3A_210, %get3A_211, %get3A_212] : memref<256x40x128xf32, #tpu.memory_space<vmem>>, vector<256x1x128xf32>
    %get3A_214 = vector.shape_cast %get3A_213 : vector<256x1x128xf32> to vector<256x128xf32>
    %get3A_215 = arith.constant 0 : index
    %get3A_216 = arith.constant 25 : index
    %get3A_217 = arith.constant 0 : index
    %get3A_218 = vector.load %arg2[%get3A_215, %get3A_216, %get3A_217] : memref<256x40x128xf32, #tpu.memory_space<vmem>>, vector<256x1x128xf32>
    %get3A_219 = vector.shape_cast %get3A_218 : vector<256x1x128xf32> to vector<256x128xf32>
    %concatenate3A_220 = tpu.concatenate %get3A_214, %get3A_219 in 1 : vector<256x128xf32>, vector<256x128xf32> -> vector<256x256xf32>
    %convert_element_type3A_221 = arith.truncf %concatenate3A_220 : vector<256x256xf32> to vector<256x256xbf16>
    %get3A_222 = arith.constant 3072 : index
    %get3A_223 = arith.constant 0 : index
    %get3A_224 = vector.load %arg3[%get3A_222, %get3A_223] : memref<5120x512xbf16, #tpu.memory_space<vmem>>, vector<256x512xbf16>
    %dot_general3A_225 = arith.constant dense<0.000000e+00> : vector<256x512xf32>
    %dot_general3A_226 = tpu.matmul %convert_element_type3A_221, %get3A_224, %dot_general3A_225 {dimension_numbers = #tpu.dot_dimension_numbers<[1], [0], [0], [1], [0, 0, 1, 1], [], []>, transpose_lhs_hint = false} : vector<256x256xbf16>, vector<256x512xbf16>, vector<256x512xf32> -> vector<256x512xf32>
    %add3A_227 = arith.addf %add3A_209, %dot_general3A_226 : vector<256x512xf32>
    %get3A_228 = arith.constant 0 : index
    %get3A_229 = arith.constant 26 : index
    %get3A_230 = arith.constant 0 : index
    %get3A_231 = vector.load %arg2[%get3A_228, %get3A_229, %get3A_230] : memref<256x40x128xf32, #tpu.memory_space<vmem>>, vector<256x1x128xf32>
    %get3A_232 = vector.shape_cast %get3A_231 : vector<256x1x128xf32> to vector<256x128xf32>
    %get3A_233 = arith.constant 0 : index
    %get3A_234 = arith.constant 27 : index
    %get3A_235 = arith.constant 0 : index
    %get3A_236 = vector.load %arg2[%get3A_233, %get3A_234, %get3A_235] : memref<256x40x128xf32, #tpu.memory_space<vmem>>, vector<256x1x128xf32>
    %get3A_237 = vector.shape_cast %get3A_236 : vector<256x1x128xf32> to vector<256x128xf32>
    %concatenate3A_238 = tpu.concatenate %get3A_232, %get3A_237 in 1 : vector<256x128xf32>, vector<256x128xf32> -> vector<256x256xf32>
    %convert_element_type3A_239 = arith.truncf %concatenate3A_238 : vector<256x256xf32> to vector<256x256xbf16>
    %get3A_240 = arith.constant 3328 : index
    %get3A_241 = arith.constant 0 : index
    %get3A_242 = vector.load %arg3[%get3A_240, %get3A_241] : memref<5120x512xbf16, #tpu.memory_space<vmem>>, vector<256x512xbf16>
    %dot_general3A_243 = arith.constant dense<0.000000e+00> : vector<256x512xf32>
    %dot_general3A_244 = tpu.matmul %convert_element_type3A_239, %get3A_242, %dot_general3A_243 {dimension_numbers = #tpu.dot_dimension_numbers<[1], [0], [0], [1], [0, 0, 1, 1], [], []>, transpose_lhs_hint = false} : vector<256x256xbf16>, vector<256x512xbf16>, vector<256x512xf32> -> vector<256x512xf32>
    %add3A_245 = arith.addf %add3A_227, %dot_general3A_244 : vector<256x512xf32>
    %get3A_246 = arith.constant 0 : index
    %get3A_247 = arith.constant 28 : index
    %get3A_248 = arith.constant 0 : index
    %get3A_249 = vector.load %arg2[%get3A_246, %get3A_247, %get3A_248] : memref<256x40x128xf32, #tpu.memory_space<vmem>>, vector<256x1x128xf32>
    %get3A_250 = vector.shape_cast %get3A_249 : vector<256x1x128xf32> to vector<256x128xf32>
    %get3A_251 = arith.constant 0 : index
    %get3A_252 = arith.constant 29 : index
    %get3A_253 = arith.constant 0 : index
    %get3A_254 = vector.load %arg2[%get3A_251, %get3A_252, %get3A_253] : memref<256x40x128xf32, #tpu.memory_space<vmem>>, vector<256x1x128xf32>
    %get3A_255 = vector.shape_cast %get3A_254 : vector<256x1x128xf32> to vector<256x128xf32>
    %concatenate3A_256 = tpu.concatenate %get3A_250, %get3A_255 in 1 : vector<256x128xf32>, vector<256x128xf32> -> vector<256x256xf32>
    %convert_element_type3A_257 = arith.truncf %concatenate3A_256 : vector<256x256xf32> to vector<256x256xbf16>
    %get3A_258 = arith.constant 3584 : index
    %get3A_259 = arith.constant 0 : index
    %get3A_260 = vector.load %arg3[%get3A_258, %get3A_259] : memref<5120x512xbf16, #tpu.memory_space<vmem>>, vector<256x512xbf16>
    %dot_general3A_261 = arith.constant dense<0.000000e+00> : vector<256x512xf32>
    %dot_general3A_262 = tpu.matmul %convert_element_type3A_257, %get3A_260, %dot_general3A_261 {dimension_numbers = #tpu.dot_dimension_numbers<[1], [0], [0], [1], [0, 0, 1, 1], [], []>, transpose_lhs_hint = false} : vector<256x256xbf16>, vector<256x512xbf16>, vector<256x512xf32> -> vector<256x512xf32>
    %add3A_263 = arith.addf %add3A_245, %dot_general3A_262 : vector<256x512xf32>
    %get3A_264 = arith.constant 0 : index
    %get3A_265 = arith.constant 30 : index
    %get3A_266 = arith.constant 0 : index
    %get3A_267 = vector.load %arg2[%get3A_264, %get3A_265, %get3A_266] : memref<256x40x128xf32, #tpu.memory_space<vmem>>, vector<256x1x128xf32>
    %get3A_268 = vector.shape_cast %get3A_267 : vector<256x1x128xf32> to vector<256x128xf32>
    %get3A_269 = arith.constant 0 : index
    %get3A_270 = arith.constant 31 : index
    %get3A_271 = arith.constant 0 : index
    %get3A_272 = vector.load %arg2[%get3A_269, %get3A_270, %get3A_271] : memref<256x40x128xf32, #tpu.memory_space<vmem>>, vector<256x1x128xf32>
    %get3A_273 = vector.shape_cast %get3A_272 : vector<256x1x128xf32> to vector<256x128xf32>
    %concatenate3A_274 = tpu.concatenate %get3A_268, %get3A_273 in 1 : vector<256x128xf32>, vector<256x128xf32> -> vector<256x256xf32>
    %convert_element_type3A_275 = arith.truncf %concatenate3A_274 : vector<256x256xf32> to vector<256x256xbf16>
    %get3A_276 = arith.constant 3840 : index
    %get3A_277 = arith.constant 0 : index
    %get3A_278 = vector.load %arg3[%get3A_276, %get3A_277] : memref<5120x512xbf16, #tpu.memory_space<vmem>>, vector<256x512xbf16>
    %dot_general3A_279 = arith.constant dense<0.000000e+00> : vector<256x512xf32>
    %dot_general3A_280 = tpu.matmul %convert_element_type3A_275, %get3A_278, %dot_general3A_279 {dimension_numbers = #tpu.dot_dimension_numbers<[1], [0], [0], [1], [0, 0, 1, 1], [], []>, transpose_lhs_hint = false} : vector<256x256xbf16>, vector<256x512xbf16>, vector<256x512xf32> -> vector<256x512xf32>
    %add3A_281 = arith.addf %add3A_263, %dot_general3A_280 : vector<256x512xf32>
    %get3A_282 = arith.constant 0 : index
    %get3A_283 = arith.constant 32 : index
    %get3A_284 = arith.constant 0 : index
    %get3A_285 = vector.load %arg2[%get3A_282, %get3A_283, %get3A_284] : memref<256x40x128xf32, #tpu.memory_space<vmem>>, vector<256x1x128xf32>
    %get3A_286 = vector.shape_cast %get3A_285 : vector<256x1x128xf32> to vector<256x128xf32>
    %get3A_287 = arith.constant 0 : index
    %get3A_288 = arith.constant 33 : index
    %get3A_289 = arith.constant 0 : index
    %get3A_290 = vector.load %arg2[%get3A_287, %get3A_288, %get3A_289] : memref<256x40x128xf32, #tpu.memory_space<vmem>>, vector<256x1x128xf32>
    %get3A_291 = vector.shape_cast %get3A_290 : vector<256x1x128xf32> to vector<256x128xf32>
    %concatenate3A_292 = tpu.concatenate %get3A_286, %get3A_291 in 1 : vector<256x128xf32>, vector<256x128xf32> -> vector<256x256xf32>
    %convert_element_type3A_293 = arith.truncf %concatenate3A_292 : vector<256x256xf32> to vector<256x256xbf16>
    %get3A_294 = arith.constant 4096 : index
    %get3A_295 = arith.constant 0 : index
    %get3A_296 = vector.load %arg3[%get3A_294, %get3A_295] : memref<5120x512xbf16, #tpu.memory_space<vmem>>, vector<256x512xbf16>
    %dot_general3A_297 = arith.constant dense<0.000000e+00> : vector<256x512xf32>
    %dot_general3A_298 = tpu.matmul %convert_element_type3A_293, %get3A_296, %dot_general3A_297 {dimension_numbers = #tpu.dot_dimension_numbers<[1], [0], [0], [1], [0, 0, 1, 1], [], []>, transpose_lhs_hint = false} : vector<256x256xbf16>, vector<256x512xbf16>, vector<256x512xf32> -> vector<256x512xf32>
    %add3A_299 = arith.addf %add3A_281, %dot_general3A_298 : vector<256x512xf32>
    %get3A_300 = arith.constant 0 : index
    %get3A_301 = arith.constant 34 : index
    %get3A_302 = arith.constant 0 : index
    %get3A_303 = vector.load %arg2[%get3A_300, %get3A_301, %get3A_302] : memref<256x40x128xf32, #tpu.memory_space<vmem>>, vector<256x1x128xf32>
    %get3A_304 = vector.shape_cast %get3A_303 : vector<256x1x128xf32> to vector<256x128xf32>
    %get3A_305 = arith.constant 0 : index
    %get3A_306 = arith.constant 35 : index
    %get3A_307 = arith.constant 0 : index
    %get3A_308 = vector.load %arg2[%get3A_305, %get3A_306, %get3A_307] : memref<256x40x128xf32, #tpu.memory_space<vmem>>, vector<256x1x128xf32>
    %get3A_309 = vector.shape_cast %get3A_308 : vector<256x1x128xf32> to vector<256x128xf32>
    %concatenate3A_310 = tpu.concatenate %get3A_304, %get3A_309 in 1 : vector<256x128xf32>, vector<256x128xf32> -> vector<256x256xf32>
    %convert_element_type3A_311 = arith.truncf %concatenate3A_310 : vector<256x256xf32> to vector<256x256xbf16>
    %get3A_312 = arith.constant 4352 : index
    %get3A_313 = arith.constant 0 : index
    %get3A_314 = vector.load %arg3[%get3A_312, %get3A_313] : memref<5120x512xbf16, #tpu.memory_space<vmem>>, vector<256x512xbf16>
    %dot_general3A_315 = arith.constant dense<0.000000e+00> : vector<256x512xf32>
    %dot_general3A_316 = tpu.matmul %convert_element_type3A_311, %get3A_314, %dot_general3A_315 {dimension_numbers = #tpu.dot_dimension_numbers<[1], [0], [0], [1], [0, 0, 1, 1], [], []>, transpose_lhs_hint = false} : vector<256x256xbf16>, vector<256x512xbf16>, vector<256x512xf32> -> vector<256x512xf32>
    %add3A_317 = arith.addf %add3A_299, %dot_general3A_316 : vector<256x512xf32>
    %get3A_318 = arith.constant 0 : index
    %get3A_319 = arith.constant 36 : index
    %get3A_320 = arith.constant 0 : index
    %get3A_321 = vector.load %arg2[%get3A_318, %get3A_319, %get3A_320] : memref<256x40x128xf32, #tpu.memory_space<vmem>>, vector<256x1x128xf32>
    %get3A_322 = vector.shape_cast %get3A_321 : vector<256x1x128xf32> to vector<256x128xf32>
    %get3A_323 = arith.constant 0 : index
    %get3A_324 = arith.constant 37 : index
    %get3A_325 = arith.constant 0 : index
    %get3A_326 = vector.load %arg2[%get3A_323, %get3A_324, %get3A_325] : memref<256x40x128xf32, #tpu.memory_space<vmem>>, vector<256x1x128xf32>
    %get3A_327 = vector.shape_cast %get3A_326 : vector<256x1x128xf32> to vector<256x128xf32>
    %concatenate3A_328 = tpu.concatenate %get3A_322, %get3A_327 in 1 : vector<256x128xf32>, vector<256x128xf32> -> vector<256x256xf32>
    %convert_element_type3A_329 = arith.truncf %concatenate3A_328 : vector<256x256xf32> to vector<256x256xbf16>
    %get3A_330 = arith.constant 4608 : index
    %get3A_331 = arith.constant 0 : index
    %get3A_332 = vector.load %arg3[%get3A_330, %get3A_331] : memref<5120x512xbf16, #tpu.memory_space<vmem>>, vector<256x512xbf16>
    %dot_general3A_333 = arith.constant dense<0.000000e+00> : vector<256x512xf32>
    %dot_general3A_334 = tpu.matmul %convert_element_type3A_329, %get3A_332, %dot_general3A_333 {dimension_numbers = #tpu.dot_dimension_numbers<[1], [0], [0], [1], [0, 0, 1, 1], [], []>, transpose_lhs_hint = false} : vector<256x256xbf16>, vector<256x512xbf16>, vector<256x512xf32> -> vector<256x512xf32>
    %add3A_335 = arith.addf %add3A_317, %dot_general3A_334 : vector<256x512xf32>
    %get3A_336 = arith.constant 0 : index
    %get3A_337 = arith.constant 38 : index
    %get3A_338 = arith.constant 0 : index
    %get3A_339 = vector.load %arg2[%get3A_336, %get3A_337, %get3A_338] : memref<256x40x128xf32, #tpu.memory_space<vmem>>, vector<256x1x128xf32>
    %get3A_340 = vector.shape_cast %get3A_339 : vector<256x1x128xf32> to vector<256x128xf32>
    %get3A_341 = arith.constant 0 : index
    %get3A_342 = arith.constant 39 : index
    %get3A_343 = arith.constant 0 : index
    %get3A_344 = vector.load %arg2[%get3A_341, %get3A_342, %get3A_343] : memref<256x40x128xf32, #tpu.memory_space<vmem>>, vector<256x1x128xf32>
    %get3A_345 = vector.shape_cast %get3A_344 : vector<256x1x128xf32> to vector<256x128xf32>
    %concatenate3A_346 = tpu.concatenate %get3A_340, %get3A_345 in 1 : vector<256x128xf32>, vector<256x128xf32> -> vector<256x256xf32>
    %convert_element_type3A_347 = arith.truncf %concatenate3A_346 : vector<256x256xf32> to vector<256x256xbf16>
    %get3A_348 = arith.constant 4864 : index
    %get3A_349 = arith.constant 0 : index
    %get3A_350 = vector.load %arg3[%get3A_348, %get3A_349] : memref<5120x512xbf16, #tpu.memory_space<vmem>>, vector<256x512xbf16>
    %dot_general3A_351 = arith.constant dense<0.000000e+00> : vector<256x512xf32>
    %dot_general3A_352 = tpu.matmul %convert_element_type3A_347, %get3A_350, %dot_general3A_351 {dimension_numbers = #tpu.dot_dimension_numbers<[1], [0], [0], [1], [0, 0, 1, 1], [], []>, transpose_lhs_hint = false} : vector<256x256xbf16>, vector<256x512xbf16>, vector<256x512xf32> -> vector<256x512xf32>
    %add3A_353 = arith.addf %add3A_335, %dot_general3A_352 : vector<256x512xf32>
    %eq3A = arith.constant 0 : i32
    %eq3A_354 = arith.cmpi eq, %arg0, %eq3A : i32
    %convert_element_type3A_355 = arith.extui %eq3A_354 : i1 to i32
    %cond3A = arith.constant 0 : i32
    %cond3A_356 = arith.cmpi ne, %convert_element_type3A_355, %cond3A : i32
    scf.if %cond3A_356 {
      %swap3A = arith.index_cast %arg1 : i32 to index
      %swap3A_366 = arith.constant 0 : index
      %swap3A_367 = arith.constant 0 : index
      %swap3A_368 = vector.load %arg10[%swap3A, %swap3A_366, %swap3A_367] : memref<2x256x512xf32, #tpu.memory_space<vmem>>, vector<1x256x512xf32>
      %swap3A_369 = vector.shape_cast %swap3A_368 : vector<1x256x512xf32> to vector<256x512xf32>
      %swap3A_370 = vector.shape_cast %add3A_353 : vector<256x512xf32> to vector<1x256x512xf32>
      tpu.vector_store %arg10[%swap3A, %swap3A_366, %swap3A_367], %swap3A_370 {strides = array<i32>} : memref<2x256x512xf32, #tpu.memory_space<vmem>>, vector<1x256x512xf32>,
    } else {
    }
    %gt3A = arith.constant 0 : i32
    %gt3A_357 = arith.cmpi sgt, %arg0, %gt3A : i32
    %convert_element_type3A_358 = arith.extui %gt3A_357 : i1 to i32
    %cond3A_359 = arith.constant 0 : i32
    %cond3A_360 = arith.cmpi ne, %convert_element_type3A_358, %cond3A_359 : i32
    scf.if %cond3A_360 {
      %get3A_366 = arith.index_cast %arg1 : i32 to index
      %get3A_367 = arith.constant 0 : index
      %get3A_368 = arith.constant 0 : index
      %get3A_369 = vector.load %arg10[%get3A_366, %get3A_367, %get3A_368] : memref<2x256x512xf32, #tpu.memory_space<vmem>>, vector<1x256x512xf32>
      %get3A_370 = vector.shape_cast %get3A_369 : vector<1x256x512xf32> to vector<256x512xf32>
      %add3A_371 = arith.addf %get3A_370, %add3A_353 : vector<256x512xf32>
      %swap3A = arith.index_cast %arg1 : i32 to index
      %swap3A_372 = arith.constant 0 : index
      %swap3A_373 = arith.constant 0 : index
      %swap3A_374 = vector.load %arg10[%swap3A, %swap3A_372, %swap3A_373] : memref<2x256x512xf32, #tpu.memory_space<vmem>>, vector<1x256x512xf32>
      %swap3A_375 = vector.shape_cast %swap3A_374 : vector<1x256x512xf32> to vector<256x512xf32>
      %swap3A_376 = vector.shape_cast %add3A_371 : vector<256x512xf32> to vector<1x256x512xf32>
      tpu.vector_store %arg10[%swap3A, %swap3A_372, %swap3A_373], %swap3A_376 {strides = array<i32>} : memref<2x256x512xf32, #tpu.memory_space<vmem>>, vector<1x256x512xf32>,
    } else {
    }
    %eq3A_361 = arith.constant 4 : i32
    %eq3A_362 = arith.cmpi eq, %arg0, %eq3A_361 : i32
    %convert_element_type3A_363 = arith.extui %eq3A_362 : i1 to i32
    %cond3A_364 = arith.constant 0 : i32
    %cond3A_365 = arith.cmpi ne, %convert_element_type3A_363, %cond3A_364 : i32
    scf.if %cond3A_365 {
      %get3A_366 = arith.index_cast %arg1 : i32 to index
      %get3A_367 = arith.constant 0 : index
      %get3A_368 = arith.constant 0 : index
      %get3A_369 = vector.load %arg10[%get3A_366, %get3A_367, %get3A_368] : memref<2x256x512xf32, #tpu.memory_space<vmem>>, vector<1x256x512xf32>
      %get3A_370 = vector.shape_cast %get3A_369 : vector<1x256x512xf32> to vector<256x512xf32>
      %get3A_371 = arith.constant 0 : index
      %get3A_372 = arith.constant 0 : index
      %get3A_373 = vector.load %arg4[%get3A_371, %get3A_372] : memref<1x512xf32, #tpu.memory_space<vmem>>, vector<1x512xf32>
      %add3A_374 = vector.broadcast %get3A_373 : vector<1x512xf32> to vector<256x512xf32>
      %add3A_375 = arith.addf %get3A_370, %add3A_374 : vector<256x512xf32>
      %swap3A = arith.constant 0 : index
      %swap3A_376 = arith.constant 0 : index
      %swap3A_377 = vector.load %arg9[%swap3A, %swap3A_376] : memref<256x514xf32, #tpu.memory_space<vmem>>, vector<256x512xf32>
      tpu.vector_store %arg9[%swap3A, %swap3A_376], %add3A_375 {strides = array<i32>} : memref<256x514xf32, #tpu.memory_space<vmem>>, vector<256x512xf32>,
      %get3A_378 = arith.constant 0 : index
      %get3A_379 = arith.constant 0 : index
      %get3A_380 = vector.load %arg5[%get3A_378, %get3A_379] : memref<256x2xf32, #tpu.memory_space<vmem>>, vector<256x2xf32>
      %get3A_381 = arith.constant 0 : index
      %get3A_382 = arith.constant 0 : index
      %get3A_383 = vector.load %arg6[%get3A_381, %get3A_382] : memref<2x2xf32, #tpu.memory_space<vmem>>, vector<2x2xf32>
      %dot_general3A_384 = arith.constant dense<0.000000e+00> : vector<256x2xf32>
      %dot_general3A_385 = tpu.matmul %get3A_380, %get3A_383, %dot_general3A_384 {dimension_numbers = #tpu.dot_dimension_numbers<[1], [0], [0], [1], [0, 0, 1, 1], [], []>, transpose_lhs_hint = false} : vector<256x2xf32>, vector<2x2xf32>, vector<256x2xf32> -> vector<256x2xf32>
      %get3A_386 = arith.constant 0 : index
      %get3A_387 = arith.constant 0 : index
      %get3A_388 = vector.load %arg7[%get3A_386, %get3A_387] : memref<1x2xf32, #tpu.memory_space<vmem>>, vector<1x2xf32>
      %add3A_389 = vector.broadcast %get3A_388 : vector<1x2xf32> to vector<256x2xf32>
      %add3A_390 = arith.addf %dot_general3A_385, %add3A_389 : vector<256x2xf32>
      %swap3A_391 = arith.constant 0 : index
      %swap3A_392 = arith.constant 512 : index
      %swap3A_393 = vector.load %arg9[%swap3A_391, %swap3A_392] : memref<256x514xf32, #tpu.memory_space<vmem>>, vector<256x2xf32>
      tpu.vector_store %arg9[%swap3A_391, %swap3A_392], %add3A_390 {strides = array<i32>} : memref<256x514xf32, #tpu.memory_space<vmem>>, vector<256x2xf32>,
    } else {
    }
    return
  }
  func.func @transform_0(%arg0: i32, %arg1: i32) -> (i32, i32, i32) {
    %c0_i32 = arith.constant 0 : i32
    %c0_i32_0 = arith.constant 0 : i32
    return %arg1, %arg0, %c0_i32 : i32, i32, i32
  }
  func.func @transform_1(%arg0: i32, %arg1: i32) -> (i32, i32) {
    %c0_i32 = arith.constant 0 : i32
    %c0_i32_0 = arith.constant 0 : i32
    return %arg0, %c0_i32 : i32, i32
  }
  func.func @transform_2(%arg0: i32, %arg1: i32) -> (i32, i32) {
    %c0_i32 = arith.constant 0 : i32
    %c0_i32_0 = arith.constant 0 : i32
    %c0_i32_1 = arith.constant 0 : i32
    return %c0_i32, %c0_i32_0 : i32, i32
  }
  func.func @transform_3(%arg0: i32, %arg1: i32) -> (i32, i32) {
    %add3A = arith.constant 14 : i32
    %add3A_0 = arith.addi %add3A, %arg1 : i32
    %c0_i32 = arith.constant 0 : i32
    %c0_i32_1 = arith.constant 0 : i32
    return %add3A_0, %c0_i32 : i32, i32
  }
  func.func @transform_4(%arg0: i32, %arg1: i32) -> (i32, i32) {
    %c0_i32 = arith.constant 0 : i32
    %c0_i32_0 = arith.constant 0 : i32
    %c0_i32_1 = arith.constant 0 : i32
    return %c0_i32, %c0_i32_0 : i32, i32
  }
  func.func @transform_5(%arg0: i32, %arg1: i32) -> (i32, i32) {
    %c0_i32 = arith.constant 0 : i32
    %c0_i32_0 = arith.constant 0 : i32
    %c0_i32_1 = arith.constant 0 : i32
    return %c0_i32, %c0_i32_0 : i32, i32
  }
  func.func @transform_6(%arg0: i32, %arg1: i32) -> (i32, i32) {
    %c0_i32 = arith.constant 0 : i32
    %c0_i32_0 = arith.constant 0 : i32
    %c0_i32_1 = arith.constant 0 : i32
    return %c0_i32, %c0_i32_0 : i32, i32
  }
  func.func @transform_7(%arg0: i32, %arg1: i32) -> (i32, i32) {
    %add3A = arith.constant 14 : i32
    %add3A_0 = arith.addi %add3A, %arg1 : i32
    %c0_i32 = arith.constant 0 : i32
    %c0_i32_1 = arith.constant 0 : i32
    return %add3A_0, %c0_i32 : i32, i32
  }
}

</mosaic_0001>

<sc_bundles>
// kernel: kernel.10.cloned.1.call-start
scs
__scs_entry_jumppad:
0x0: {  	(pc) =	sbr.rel $0x88, $3  }
0x1: {  	(tag) =	ssettag $0x0;
	lr =	simm.s32 $0x1  }
0x2: {  	[smem:$0x3F9A] =	sst lr;
	_ =	strace $0xD0000000  }
0x3: {  	_ = 	snop  }
0x4: {  	_ = 	snop  }
0x5: {  	_ = 	snop  }
0x6: {  	_ = 	snop  }
0x7: {  	_ = 	snop  }
__scs_overlays_trampoline_lowered:
0x8: {  	[smem:$0x3FA9] =	sst s0  }
0x9: {  	[smem:$0x3FAA] =	sst s1  }
0xa: {  	[smem:$0x3FAB] =	sst s2  }
0xb: {  	[smem:$0x3FAC] =	sst s3  }
0xc: {  	[smem:$0x3FAD] =	sst s4  }
0xd: {  	[smem:$0x3FAE] =	sst s5  }
0xe: {  	[smem:$0x3FAF] =	sst s6  }
0xf: {  	[smem:$0x3FB0] =	sst s7  }
0x10: {  	[smem:$0x3FB1] =	sst s8  }
0x11: {  	[smem:$0x3FB2] =	sst s9;
	s0 =	simm.s32 @!p0 $0x0  }
0x12: {  	s1 =	sld [smem:$0x3F98];
	s0 =	simm.s32 @p0 $0x1  }
0x13: {  	[smem:$0x3FB3] =	sst s0;
	s0 =	simm.s32 @!p1 $0x0  }
0x14: {  	s2 =	sld [smem:$0x3F97];
	s0 =	simm.s32 @p1 $0x1  }
0x15: {  	[smem:$0x3FB4] =	sst s0;
	s0 =	simm.s32 @!p2 $0x0  }
0x16: {  	s3 =	sld [smem:$0x3FDB];
	s0 =	simm.s32 @p2 $0x1  }
0x17: {  	s4 =	simm.s32 $0x1BF5;
	[smem:$0x3FB6] =	sst s0  }
0x18: {  	s0 =	sld [smem:$0x3F99];
	_ =	swait.ge [sflag:s4], $0x0  }
0x19: {  	s7 =	sld [smem:$0x3F9A]  }
0x1a: {  	s8 =	sadd.s32 $0xFFFFE003, lr  }
0x1b: {  	s9 =	sadd.s32 $0xFFFFFEF7, lr;
	s5 =	simm.s32 $0xFFFFFFFF;
	p2 =	slt.u32 s8, $0xFFFFF086  }
0x1c: {  	p1 =	slt.u32 s9, $0xF7A;
	s5 =	simm.s32 @!p2 $0x0  }
0x1d: {  	s5 =	simm.s32 @p1 $0x1;
	p0 =	seq.s32 s7, s2  }
0x1e: {  	s7 =	smul.u32 @!p0 $0xF7A, s2;
	p2 =	seq.s32 @!p0 s5, $0x0  }
0x1f: {  	s9 =	smul.u32 $0xF7A, s1;
	s8 =	simm.s32 @!p0 $0x1BF5;
	p2 =	por !p2, p0  }
0x20: {  	[sflag:s8] =	ssyncset.s32 @!p0 $0xFFFFF086;
	s6 =	sadd.s32 @!p0 s3, s7;
	s7 =	simm.s32 @!p0 $0x108  }
0x21: {  	s3 =	sadd.s32 s3, s9;
	s6 =	sadd.s32 @!p0 $0x88, s6;
	s7 =	simm.s32 @p2 $0x1082  }
0x22: {  	[simem:s7], [sflag:s8] =	dma.local @!p0 [hbm:s6], $0xF7A  }
0x23: {  	s9 =	sor.u32 $0xD0000000, s2;
	s6 =	simm.s32 $0x108;
	_ =	swait.ge @!p0 [sflag:s8], $0x0  }
0x24: {  	s3 =	sadd.s32 $0x88, s3;
	s6 =	simm.s32 @!p1 $0x1082;
	[sflag:s4] =	ssyncset.s32 $0xFFFFF086  }
0x25: {  	[simem:s6], [sflag:s4] =	dma.local [hbm:s3], $0xF7A  }
0x26: {  	[smem:$0x3F9A] =	sst s1;
	(tag) =	ssettag s2;
	_ =	strace s9  }
0x27: {  	s1 =	sld [smem:$0x3FAA]  }
0x28: {  	s2 =	sld [smem:$0x3FAB]  }
0x29: {  	s4 =	sld [smem:$0x3FAD]  }
0x2a: {  	p0 =	seq.s32 s5, $0x0;
	s5 =	sld [smem:$0x3FAE]  }
0x2b: {  	s6 =	sld [smem:$0x3FAF]  }
0x2c: {  	s7 =	sld [smem:$0x3FB0]  }
0x2d: {  	s3 =	simm.s32 $0x108;
	s8 =	sld [smem:$0x3FB1]  }
0x2e: {  	s3 =	simm.s32 @!p0 $0x1082;
	s9 =	sld [smem:$0x3FB2]  }
0x2f: {  	lr =	sadd.s32 s0, s3;
	s0 =	sld [smem:$0x3FA9]  }
0x30: {  	s3 =	sld [smem:$0x3FAC]  }
0x31: {  	[smem:$0x3FB5] =	sst s10  }
0x32: {  	s10 =	sld [smem:$0x3FB3];
	_ =	sdelay $0x3  }
0x33: {  	p0 =	seq.s32 s10, $0x1;
	s10 =	sld [smem:$0x3FB5];
	_ =	sdelay $0x3  }
0x34: {  	[smem:$0x3FB5] =	sst s10  }
0x35: {  	s10 =	sld [smem:$0x3FB4];
	_ =	sdelay $0x3  }
0x36: {  	p1 =	seq.s32 s10, $0x1;
	s10 =	sld [smem:$0x3FB5];
	_ =	sdelay $0x3  }
0x37: {  	[smem:$0x3FB5] =	sst s10  }
0x38: {  	s10 =	sld [smem:$0x3FB6]  }
0x39: {  	_ = 	snop;
	(pc) =	sbr.ind lr, $3  }
0x3a: {  	_ = 	snop  }
0x3b: {  	_ = 	snop  }
0x3c: {  	p2 =	seq.s32 s10, $0x1;
	s10 =	sld [smem:$0x3FB5]  }
0x3d: {  	_ =	shalt  }
0x3e: {  	_ =	shalt  }
0x3f: {  	_ =	shalt  }
0x40: {  	_ =	shalt  }
0x41: {  	_ =	shalt  }
0x42: {  	_ =	shalt  }
0x43: {  	_ =	shalt  }
0x44: {  	_ =	shalt  }
0x45: {  	_ =	shalt  }
0x46: {  	_ =	shalt  }
0x47: {  	_ =	shalt  }
0x48: {  	_ =	shalt  }
0x49: {  	_ =	shalt  }
0x4a: {  	_ =	shalt  }
0x4b: {  	_ =	shalt  }
0x4c: {  	_ =	shalt  }
0x4d: {  	_ =	shalt  }
0x4e: {  	_ =	shalt  }
0x4f: {  	_ =	shalt  }
0x50: {  	_ =	shalt  }
0x51: {  	_ =	shalt  }
0x52: {  	_ =	shalt  }
0x53: {  	_ =	shalt  }
0x54: {  	_ =	shalt  }
0x55: {  	_ =	shalt  }
0x56: {  	_ =	shalt  }
0x57: {  	_ =	shalt  }
0x58: {  	_ =	shalt  }
0x59: {  	_ =	shalt  }
0x5a: {  	_ =	shalt  }
0x5b: {  	_ =	shalt  }
0x5c: {  	_ =	shalt  }
0x5d: {  	_ =	shalt  }
0x5e: {  	_ =	shalt  }
0x5f: {  	_ =	shalt  }
0x60: {  	_ =	shalt  }
0x61: {  	_ =	shalt  }
0x62: {  	_ =	shalt  }
0x63: {  	_ =	shalt  }
0x64: {  	_ =	shalt  }
0x65: {  	_ =	shalt  }
0x66: {  	_ =	shalt  }
0x67: {  	_ =	shalt  }
0x68: {  	_ =	shalt  }
0x69: {  	_ =	shalt  }
0x6a: {  	_ =	shalt  }
0x6b: {  	_ =	shalt  }
0x6c: {  	_ =	shalt  }
0x6d: {  	_ =	shalt  }
0x6e: {  	_ =	shalt  }
0x6f: {  	_ =	shalt  }
0x70: {  	_ =	shalt  }
0x71: {  	_ =	shalt  }
0x72: {  	_ =	shalt  }
0x73: {  	_ =	shalt  }
0x74: {  	_ =	shalt  }
0x75: {  	_ =	shalt  }
0x76: {  	_ =	shalt  }
0x77: {  	_ =	shalt  }
0x78: {  	_ =	shalt  }
0x79: {  	_ =	shalt  }
0x7a: {  	_ =	shalt  }
0x7b: {  	_ =	shalt  }
0x7c: {  	_ =	shalt  }
0x7d: {  	_ =	shalt  }
0x7e: {  	_ =	shalt  }
0x7f: {  	_ =	shalt  }
0x80: {  	_ =	shalt  }
0x81: {  	_ =	shalt  }
0x82: {  	_ =	shalt  }
0x83: {  	_ =	shalt  }
0x84: {  	_ =	shalt  }
0x85: {  	_ =	shalt  }
0x86: {  	_ =	shalt  }
0x87: {  	_ =	shalt  }
.Lfunc_end0:
.L_simem_size_0:
called_computation_lowered:
.L_overlay_start_0:
0x88: {  	s2 =	sld [smem:$0x3FD9]  }
0x89: {  	s3 =	sld [smem:$0x3FFE];
	_ =	sdelay $0x1  }
0x8a: {  	s1 =	srdreg.scid  }
0x8b: {  	s0 =	sand.u32 $0x1, s1  }
0x8c: {  	s17 =	sshll.u32 s0, $0xA;
	s2 =	sadd.s32 s3, s2  }
0x8d: {  	s2 =	sadd.s32 s2, s17  }
0x8e: {  	[smem:$0x3FC1] =	sst s2  }
0x8f: {  	_ = 	snop  }
0x90: {  	s2 =	sld [smem:$0x3FC7]  }
0x91: {  	s18 =	sld [smem:$0x3FD0];
	(tm) =	ssettm $0x1  }
0x92: {  	s4 =	sld [smem:$0x3FFB];
	_ =	sdelay $0x3  }
0x93: {  	_ =	strace s4  }
0x94: {  	s4 =	sld [smem:$0x3FFC];
	_ =	sdelay $0x3  }
0x95: {  	_ =	strace s4  }
0x96: {  	s4 =	sld [smem:$0x3FFD];
	_ =	sdelay $0x3  }
0x97: {  	_ =	strace s4  }
0x98: {  	_ =	strace $0x8FFFFFFF  }
0x99: {  	s19 =	sld [smem:$0x3FDB];
	_ =	sdelay $0x1  }
0x9a: {  	s5 =	simm.s32 $_scs_section_size  }
0x9b: {  	s6 =	simm.s32 $_size__tile_overlayer_lowered;
	s7 =	simm.s32 $_tile_overlayer_lowered  }
0x9c: {  	s22 =	simm.s32 $0x1BFF;
	s21 =	sshll.u32 s7, $0x1;
	s4 =	sadd.s32 s5, s19  }
0x9d: {  	s8 =	simm.s32 $0x0;
	s20 =	sshll.u32 s6, $0x1;
	s6 =	sadd.s32 s21, s4  }
0x9e: {  	[timem:s8], [sflag:s22] =	dma.local [hbm:s6], s20  }
0x9f: {  	_ =	swait.ge [sflag:s22], s20  }
0xa0: {  	s5 =	ssub.s32 $0x0, s20;
	[sflag:s22] =	ssyncset.done $0x0  }
0xa1: {  	[sflag:s22] =	ssyncadd.s32 s5;
	_ =	sdelay $0x1  }
0xa2: {  	s23 =	simm.s32 $0x1B8B  }
0xa3: {  	_ =	swait.ge [sflag:s23], $0x1  }
0xa4: {  	[sflag:s23] =	ssyncset.done $0x0  }
0xa5: {  	s25 =	simm.s32 $0x1B8E;
	s24 =	sld [smem:$0x3FFE];
	[sflag:s23] =	ssyncadd.s32 $0xFFFFFFFF  }
0xa6: {  	s26 =	simm.s32 $execute0_lowered;
	[smem:$0x3FD2] =	sst s25  }
0xa7: {  	s6 =	sshll.u32 s26, $0x1;
	_ =	strace $0x80000046;
	[dreg:$0x1] =	wrdreg $0xFFFFFFFF  }
0xa8: {  	s28 =	simm.s32 $_size_execute0_lowered;
	s4 =	sadd.s32 s4, s6;
	[dreg:$0x0] =	wrdreg $0x0  }
0xa9: {  	s6 =	sshll.u32 s28, $0x1;
	[dreg:$0x2] =	wrdreg s4  }
0xaa: {  	[dreg:$0x3] =	wrdreg s6  }
0xab: {  	[dreg:$0x4] =	wrdreg $0xC0  }
0xac: {  	_ =	task [dreg:s8], $0x5FFFF  }
0xad: {  	[dreg:$0x1] =	wrdreg $0xFFFFFFFF  }
0xae: {  	[dreg:$0x0] =	wrdreg $0x60  }
0xaf: {  	[dreg:$0x2] =	wrdreg s18  }
0xb0: {  	[dreg:$0x3] =	wrdreg s2  }
0xb1: {  	[dreg:$0x4] =	wrdreg s24  }
0xb2: {  	[dreg:$0x5] =	wrdreg $0x9  }
0xb3: {  	_ =	task.clear_ibuf [dreg:s8], $0x6FFFF;
	_ =	strace $0x90000046  }
0xb4: {  	s29 =	simm.s32 $0x9;
	_ =	strace $0x80000048  }
0xb5: {  	_ =	swait.ge [sflag:s29], $0x1  }
0xb6: {  	[sflag:s29] =	ssyncadd.s32 $0xFFFFFFFF  }
0xb7: {  	_ =	strace $0x90000048  }
0xb8: {  	_ =	sfence  }
0xb9: {  	s30 =	sld [smem:$0x0];
	_ =	sdelay $0x2  }
0xba: {  	s31 =	sshll.u32 s1, $0xD;
	s1 =	sshrl.u32 s1, $0x2  }
0xbb: {  	s3 =	sand.u32 $0x4000, s31;
	s1 =	sadd.s32 s1, s30  }
0xbc: {  	s0 =	sor.u32 s3, s0;
	s1 =	sshll.u32 s1, $0x11  }
0xbd: {  	s0 =	sor.u32 s1, s0  }
0xbe: {  	s0 =	sadd.s32 $0x8F2B, s0  }
0xbf: {  	[sflag:s0] =	ssyncadd.remote.s32 $0x1  }
0xc0: {  	_ =	sfence.sel $0xFFFF  }
0xc1: {  	[dreg:$0x0] =	wrdreg $0xFFFFFFFF;
	(pc) =	sbr.abs _section_cstart, $3  }
0xc2: {  	[dreg:$0x1] =	wrdreg $0xFFFFFFFF  }
0xc3: {  	_ =	task.clear_ibuf [dreg:s8], $0x2FFFF;
	_ =	strace $0x9FFFFFFF  }
0xc4: {  	(tm) =	ssettm $0x7FFFFFFF  }
0xc5: {  	_ =	shalt  }
tec
execute0_lowered:
.L_overlay_start_1:
0x0: {  	(tag) =	ssettag $0x1  }
0x1: {  	s1 =	rddreg [dreg:$0x0]  }
0x2: {  	s3 =	rddreg [dreg:$0x1]  }
0x3: {  	s0 =	stileid.u32;
	s2 =	srdreg.scid  }
0x4: {  	s5 =	rddreg [dreg:$0x2];
	s4 =	simm.s32 $0x0;
	s11 =	simm.s32 $0x68  }
0x5: {  	s12 =	simm.s32 $0x100;
	s13 =	simm.s32 $0x60;
	s14 =	simm.s32 $0x3500  }
0x6: {  	s15 =	simm.s32 $0x1;
	s16 =	simm.s32 $0x0;
	s6 =	smul.u32 $0x4B000, s0  }
0x7: {  	s7 =	sand.u32 $0x1, s2;
	s2 =	rddreg [dreg:$0x3];
	s10 =	smul.u32 $0xC00, s0  }
0x8: {  	[smem:$0x7FF] =	sst s4;
	s8 =	smul.u32 $0x25800, s7;
	s9 =	ssub.s32 $0x2, s7  }
0x9: {  	s7 =	smul.u32 $0x600, s7;
	s5 =	sadd.s32 s6, s5;
	s31 =	sshrl.u32 s9, $0x1  }
0xa: {  	_ =	strace $0x80000047;
	s6 =	ssub.s32 s9, s31;
	s8 =	sadd.s32 s8, s5  }
0xb: {  	s7 =	sadd.s32 s7, s10;
	s9 =	simm.s32 $0x400;
	s10 =	simm.s32 $0x2  }
0xc: {  	s5 =	smax.u32 s6, $0x1;
	s6 =	sadd.s32 $0x1800, s8;
	s8 =	simm.s32 $0x80  }
.LBB2_1:
0xd: {  	s17 =	sand.u32 $0x70, s4  }
0xe: {  	s18 =	sand.u32 $0xFFFFF00, s7;
	s17 =	sadd.s32 s1, s17  }
0xf: {  	s17 =	sadd.s32 s18, s17  }
0x10: {  	[tilespmem:s4], [sflag:$0x2] =	stream.strided.gather [hbm4b:s17+s8], $0x100, s9, s8, $0x38;
	[tilespmem:$0x6500] =	vst v63  }
0x11: {  	_ =	swait.ge [sflag:s10], $0x100  }
0x12: {  	[sflag:s10] =	ssyncset.done $0x0  }
0x13: {  	[sflag:s10] =	ssyncadd.s32 $0xFFFFFF00  }
0x14: {  	[tilespmem:s12], [sflag:$0x1] =	stream.indirect.gather [hbm4b:s3+s11], $0x80, s4, s11, $0xb8;
	[tilespmem:$0x6500] =	vst v63  }
0x15: {  	_ = 	snop  }
0x16: {  	[tilespmem:s14], [sflag:$0x1] =	stream.indirect.gather [hbm4b:s3+s13], $0x80, s11, s13, $0xb8;
	[tilespmem:$0x6500] =	vst v63  }
0x17: {  	_ =	swait.ge [sflag:s15], $0x3400  }
0x18: {  	[sflag:s15] =	ssyncset.done $0x0  }
0x19: {  	[sflag:s15] =	ssyncadd.s32 $0xFFFFCC00  }
0x1a: {  	_ =	swait.ge [sflag:s15], $0x3000  }
0x1b: {  	s31 =	simm.s32 $0x10;
	[sflag:s15] =	ssyncset.done $0x0  }
0x1c: {  	s19 =	simm.s32 $0x20;
	s21 =	sand.u32 $0x70, s31;
	[sflag:s15] =	ssyncadd.s32 $0xFFFFD000  }
0x1d: {  	[hbm4b:s6+s4] =	stream.linear.scatter [tilespmem:s12], [sflag:$0x2], $0x6400, $0x38;
	[tilespmem:$0x6500] =	vst v63  }
0x1e: {  	s18 =	sadd.s32 $0x20, s7;
	s21 =	sadd.s32 s1, s21;
	_ =	swait.ge [sflag:s10], $0x6400  }
0x1f: {  	s17 =	sadd.s32 $0xC80, s6;
	s20 =	sand.u32 $0xFFFFF00, s18;
	[sflag:s10] =	ssyncset.done $0x0  }
.LBB2_2:
0x20: {  	s20 =	sadd.s32 s20, s21;
	[sflag:s10] =	ssyncadd.s32 $0xFFFF9C00  }
0x21: {  	s21 =	smov.u32 s19;
	s22 =	sadd.s32 $0x10, s19;
	s23 =	smov.u32 s17  }
0x22: {  	[tilespmem:s4], [sflag:$0x2] =	stream.strided.gather [hbm4b:s20+s8], $0x100, s9, s8, $0x38;
	[tilespmem:$0x6500] =	vst v63  }
0x23: {  	p0 =	sne.s32 s19, $0x2F0;
	_ =	swait.ge [sflag:s10], $0x100  }
0x24: {  	[sflag:s10] =	ssyncset.done $0x0  }
0x25: {  	[sflag:s10] =	ssyncadd.s32 $0xFFFFFF00  }
0x26: {  	[tilespmem:s12], [sflag:$0x1] =	stream.indirect.gather [hbm4b:s3+s11], $0x80, s4, s11, $0xb8;
	[tilespmem:$0x6500] =	vst v63  }
0x27: {  	_ = 	snop  }
0x28: {  	[tilespmem:s14], [sflag:$0x1] =	stream.indirect.gather [hbm4b:s3+s13], $0x80, s11, s13, $0xb8;
	[tilespmem:$0x6500] =	vst v63  }
0x29: {  	_ =	swait.ge [sflag:s15], $0x3400  }
0x2a: {  	[sflag:s15] =	ssyncset.done $0x0  }
0x2b: {  	[sflag:s15] =	ssyncadd.s32 $0xFFFFCC00  }
0x2c: {  	_ =	swait.ge [sflag:s15], $0x3000  }
.Ltmp0:
0x2d: {  	[sflag:s15] =	ssyncset.done $0x0;
	(pc) =	sbr.rel @p0 .LBB2_2-.Ltmp0, $4  }
0x2e: {  	s17 =	sadd.s32 $0xC80, s17;
	s18 =	sadd.s32 $0x20, s18;
	[sflag:s15] =	ssyncadd.s32 $0xFFFFD000  }
0x2f: {  	[hbm4b:s23+s4] =	stream.linear.scatter [tilespmem:s12], [sflag:$0x2], $0x6400, $0x38;
	[tilespmem:$0x6500] =	vst v63  }
0x30: {  	s19 =	sand.u32 $0x70, s21;
	s20 =	sand.u32 $0xFFFFF00, s18;
	_ =	swait.ge [sflag:s10], $0x6400  }
0x31: {  	s21 =	sadd.s32 s1, s19;
	s19 =	smov.u32 s22;
	[sflag:s10] =	ssyncset.done $0x0  }
0x32: {  	s18 =	sadd.s32 s20, s21;
	[sflag:s10] =	ssyncadd.s32 $0xFFFF9C00  }
0x33: {  	[tilespmem:s4], [sflag:$0x2] =	stream.strided.gather [hbm4b:s18+s8], $0x100, s9, s8, $0x38;
	[tilespmem:$0x6500] =	vst v63  }
0x34: {  	_ =	swait.ge [sflag:s10], $0x100  }
0x35: {  	[sflag:s10] =	ssyncset.done $0x0  }
0x36: {  	[sflag:s10] =	ssyncadd.s32 $0xFFFFFF00  }
0x37: {  	[tilespmem:s12], [sflag:$0x1] =	stream.indirect.gather [hbm4b:s3+s11], $0x80, s4, s11, $0xb8;
	[tilespmem:$0x6500] =	vst v63  }
0x38: {  	_ = 	snop  }
0x39: {  	[tilespmem:s14], [sflag:$0x1] =	stream.indirect.gather [hbm4b:s3+s13], $0x80, s11, s13, $0xb8;
	[tilespmem:$0x6500] =	vst v63  }
0x3a: {  	_ =	swait.ge [sflag:s15], $0x3400  }
0x3b: {  	[sflag:s15] =	ssyncset.done $0x0  }
0x3c: {  	[sflag:s15] =	ssyncadd.s32 $0xFFFFCC00  }
0x3d: {  	s16 =	sadd.s32 $0x1, s16;
	_ =	swait.ge [sflag:s15], $0x3000  }
0x3e: {  	p0 =	sne.s32 s16, s5;
	[sflag:s15] =	ssyncset.done $0x0  }
.Ltmp1:
0x3f: {  	[sflag:s15] =	ssyncadd.s32 $0xFFFFD000;
	(pc) =	sbr.rel @p0 .LBB2_1-.Ltmp1, $4  }
0x40: {  	[hbm4b:s17+s4] =	stream.linear.scatter [tilespmem:s12], [sflag:$0x2], $0x6400, $0x38;
	[tilespmem:$0x6500] =	vst v63  }
0x41: {  	_ =	swait.ge [sflag:s10], $0x6400  }
0x42: {  	[sflag:s10] =	ssyncset.done $0x0  }
0x43: {  	[sflag:s10] =	ssyncadd.s32 $0xFFFF9C00  }
0x44: {  	_ =	sfence.sel $0x180000  }
0x45: {  	[bflag:$0x0] =	sbarrier.arrive $0xFFFF  }
0x46: {  	p0 =	sne.s32 s0, $0x0;
	_ =	strace $0x90000047  }
0x47: {  	s0 =	sadd.s32 @!p0 $0x100000, s2;
	[bflag:$0x2] =	sbarrier.arrive $0xFFFF  }
0x48: {  	[sflag:s0] =	ssyncadd.tile.s32 @!p0 $0x1;
	_ =	shalt  }
.Lfunc_end2:
_tile_overlayer_lowered:
.L_overlay_start_2:
0x49: {  	(tag) =	ssettag $0x2  }
0x4a: {  	s0 =	rddreg [dreg:$0x0];
	s2 =	stileid.u32  }
0x4b: {  	s1 =	rddreg [dreg:$0x1];
	p0 =	sne.s32 s2, $0x0  }
0x4c: {  	s3 =	rddreg [dreg:$0x2];
	[bflag:$0x3] =	sbarrier.arrive $0xFFFF;
	s2 =	simm.s32 @!p0 $0x1C02  }
0x4d: {  	[timem:s3], [sflag:s2] =	dma.local @!p0 [hbm:s0], s1  }
0x4e: {  	s0 =	simm.s32 @!p0 $0x2  }
0x4f: {  	_ =	swait.ge @!p0 [sflag:s0], s1  }
0x50: {  	s1 =	ssub.s32 @!p0 $0x0, s1;
	[sflag:s0] =	ssyncset.done @!p0 $0x0  }
0x51: {  	[sflag:s0] =	ssyncadd.s32 @!p0 s1  }
0x52: {  	[bflag:$0x3] =	sbarrier.arrive $0xFFFF  }
0x53: {  	_ =	shalt  }

// kernel: kernel.13.cloned.1.call-start
scs
__scs_entry_jumppad:
0x0: {  	(pc) =	sbr.rel $0x88, $3  }
0x1: {  	(tag) =	ssettag $0x0;
	lr =	simm.s32 $0x1  }
0x2: {  	[smem:$0x3F9A] =	sst lr;
	_ =	strace $0xD0000000  }
0x3: {  	_ = 	snop  }
0x4: {  	_ = 	snop  }
0x5: {  	_ = 	snop  }
0x6: {  	_ = 	snop  }
0x7: {  	_ = 	snop  }
__scs_overlays_trampoline_lowered:
0x8: {  	[smem:$0x3FA9] =	sst s0  }
0x9: {  	[smem:$0x3FAA] =	sst s1  }
0xa: {  	[smem:$0x3FAB] =	sst s2  }
0xb: {  	[smem:$0x3FAC] =	sst s3  }
0xc: {  	[smem:$0x3FAD] =	sst s4  }
0xd: {  	[smem:$0x3FAE] =	sst s5  }
0xe: {  	[smem:$0x3FAF] =	sst s6  }
0xf: {  	[smem:$0x3FB0] =	sst s7  }
0x10: {  	[smem:$0x3FB1] =	sst s8  }
0x11: {  	[smem:$0x3FB2] =	sst s9;
	s0 =	simm.s32 @!p0 $0x0  }
0x12: {  	s1 =	sld [smem:$0x3F98];
	s0 =	simm.s32 @p0 $0x1  }
0x13: {  	[smem:$0x3FB3] =	sst s0;
	s0 =	simm.s32 @!p1 $0x0  }
0x14: {  	s2 =	sld [smem:$0x3F97];
	s0 =	simm.s32 @p1 $0x1  }
0x15: {  	[smem:$0x3FB4] =	sst s0;
	s0 =	simm.s32 @!p2 $0x0  }
0x16: {  	s3 =	sld [smem:$0x3FDB];
	s0 =	simm.s32 @p2 $0x1  }
0x17: {  	s4 =	simm.s32 $0x1BF5;
	[smem:$0x3FB6] =	sst s0  }
0x18: {  	s0 =	sld [smem:$0x3F99];
	_ =	swait.ge [sflag:s4], $0x0  }
0x19: {  	s7 =	sld [smem:$0x3F9A]  }
0x1a: {  	s8 =	sadd.s32 $0xFFFFE003, lr  }
0x1b: {  	s9 =	sadd.s32 $0xFFFFFEF7, lr;
	s5 =	simm.s32 $0xFFFFFFFF;
	p2 =	slt.u32 s8, $0xFFFFF086  }
0x1c: {  	p1 =	slt.u32 s9, $0xF7A;
	s5 =	simm.s32 @!p2 $0x0  }
0x1d: {  	s5 =	simm.s32 @p1 $0x1;
	p0 =	seq.s32 s7, s2  }
0x1e: {  	s7 =	smul.u32 @!p0 $0xF7A, s2;
	p2 =	seq.s32 @!p0 s5, $0x0  }
0x1f: {  	s9 =	smul.u32 $0xF7A, s1;
	s8 =	simm.s32 @!p0 $0x1BF5;
	p2 =	por !p2, p0  }
0x20: {  	[sflag:s8] =	ssyncset.s32 @!p0 $0xFFFFF086;
	s6 =	sadd.s32 @!p0 s3, s7;
	s7 =	simm.s32 @!p0 $0x108  }
0x21: {  	s3 =	sadd.s32 s3, s9;
	s6 =	sadd.s32 @!p0 $0x88, s6;
	s7 =	simm.s32 @p2 $0x1082  }
0x22: {  	[simem:s7], [sflag:s8] =	dma.local @!p0 [hbm:s6], $0xF7A  }
0x23: {  	s9 =	sor.u32 $0xD0000000, s2;
	s6 =	simm.s32 $0x108;
	_ =	swait.ge @!p0 [sflag:s8], $0x0  }
0x24: {  	s3 =	sadd.s32 $0x88, s3;
	s6 =	simm.s32 @!p1 $0x1082;
	[sflag:s4] =	ssyncset.s32 $0xFFFFF086  }
0x25: {  	[simem:s6], [sflag:s4] =	dma.local [hbm:s3], $0xF7A  }
0x26: {  	[smem:$0x3F9A] =	sst s1;
	(tag) =	ssettag s2;
	_ =	strace s9  }
0x27: {  	s1 =	sld [smem:$0x3FAA]  }
0x28: {  	s2 =	sld [smem:$0x3FAB]  }
0x29: {  	s4 =	sld [smem:$0x3FAD]  }
0x2a: {  	p0 =	seq.s32 s5, $0x0;
	s5 =	sld [smem:$0x3FAE]  }
0x2b: {  	s6 =	sld [smem:$0x3FAF]  }
0x2c: {  	s7 =	sld [smem:$0x3FB0]  }
0x2d: {  	s3 =	simm.s32 $0x108;
	s8 =	sld [smem:$0x3FB1]  }
0x2e: {  	s3 =	simm.s32 @!p0 $0x1082;
	s9 =	sld [smem:$0x3FB2]  }
0x2f: {  	lr =	sadd.s32 s0, s3;
	s0 =	sld [smem:$0x3FA9]  }
0x30: {  	s3 =	sld [smem:$0x3FAC]  }
0x31: {  	[smem:$0x3FB5] =	sst s10  }
0x32: {  	s10 =	sld [smem:$0x3FB3];
	_ =	sdelay $0x3  }
0x33: {  	p0 =	seq.s32 s10, $0x1;
	s10 =	sld [smem:$0x3FB5];
	_ =	sdelay $0x3  }
0x34: {  	[smem:$0x3FB5] =	sst s10  }
0x35: {  	s10 =	sld [smem:$0x3FB4];
	_ =	sdelay $0x3  }
0x36: {  	p1 =	seq.s32 s10, $0x1;
	s10 =	sld [smem:$0x3FB5];
	_ =	sdelay $0x3  }
0x37: {  	[smem:$0x3FB5] =	sst s10  }
0x38: {  	s10 =	sld [smem:$0x3FB6]  }
0x39: {  	_ = 	snop;
	(pc) =	sbr.ind lr, $3  }
0x3a: {  	_ = 	snop  }
0x3b: {  	_ = 	snop  }
0x3c: {  	p2 =	seq.s32 s10, $0x1;
	s10 =	sld [smem:$0x3FB5]  }
0x3d: {  	_ =	shalt  }
0x3e: {  	_ =	shalt  }
0x3f: {  	_ =	shalt  }
0x40: {  	_ =	shalt  }
0x41: {  	_ =	shalt  }
0x42: {  	_ =	shalt  }
0x43: {  	_ =	shalt  }
0x44: {  	_ =	shalt  }
0x45: {  	_ =	shalt  }
0x46: {  	_ =	shalt  }
0x47: {  	_ =	shalt  }
0x48: {  	_ =	shalt  }
0x49: {  	_ =	shalt  }
0x4a: {  	_ =	shalt  }
0x4b: {  	_ =	shalt  }
0x4c: {  	_ =	shalt  }
0x4d: {  	_ =	shalt  }
0x4e: {  	_ =	shalt  }
0x4f: {  	_ =	shalt  }
0x50: {  	_ =	shalt  }
0x51: {  	_ =	shalt  }
0x52: {  	_ =	shalt  }
0x53: {  	_ =	shalt  }
0x54: {  	_ =	shalt  }
0x55: {  	_ =	shalt  }
0x56: {  	_ =	shalt  }
0x57: {  	_ =	shalt  }
0x58: {  	_ =	shalt  }
0x59: {  	_ =	shalt  }
0x5a: {  	_ =	shalt  }
0x5b: {  	_ =	shalt  }
0x5c: {  	_ =	shalt  }
0x5d: {  	_ =	shalt  }
0x5e: {  	_ =	shalt  }
0x5f: {  	_ =	shalt  }
0x60: {  	_ =	shalt  }
0x61: {  	_ =	shalt  }
0x62: {  	_ =	shalt  }
0x63: {  	_ =	shalt  }
0x64: {  	_ =	shalt  }
0x65: {  	_ =	shalt  }
0x66: {  	_ =	shalt  }
0x67: {  	_ =	shalt  }
0x68: {  	_ =	shalt  }
0x69: {  	_ =	shalt  }
0x6a: {  	_ =	shalt  }
0x6b: {  	_ =	shalt  }
0x6c: {  	_ =	shalt  }
0x6d: {  	_ =	shalt  }
0x6e: {  	_ =	shalt  }
0x6f: {  	_ =	shalt  }
0x70: {  	_ =	shalt  }
0x71: {  	_ =	shalt  }
0x72: {  	_ =	shalt  }
0x73: {  	_ =	shalt  }
0x74: {  	_ =	shalt  }
0x75: {  	_ =	shalt  }
0x76: {  	_ =	shalt  }
0x77: {  	_ =	shalt  }
0x78: {  	_ =	shalt  }
0x79: {  	_ =	shalt  }
0x7a: {  	_ =	shalt  }
0x7b: {  	_ =	shalt  }
0x7c: {  	_ =	shalt  }
0x7d: {  	_ =	shalt  }
0x7e: {  	_ =	shalt  }
0x7f: {  	_ =	shalt  }
0x80: {  	_ =	shalt  }
0x81: {  	_ =	shalt  }
0x82: {  	_ =	shalt  }
0x83: {  	_ =	shalt  }
0x84: {  	_ =	shalt  }
0x85: {  	_ =	shalt  }
0x86: {  	_ =	shalt  }
0x87: {  	_ =	shalt  }
.Lfunc_end0:
.L_simem_size_0:
called_computation.1_lowered:
.L_overlay_start_0:
0x88: {  	s2 =	sld [smem:$0x3FD9]  }
0x89: {  	s3 =	sld [smem:$0x3FFE];
	_ =	sdelay $0x1  }
0x8a: {  	s1 =	srdreg.scid  }
0x8b: {  	s0 =	sand.u32 $0x1, s1  }
0x8c: {  	s17 =	sshll.u32 s0, $0xA;
	s2 =	sadd.s32 s3, s2  }
0x8d: {  	s2 =	sadd.s32 s2, s17  }
0x8e: {  	[smem:$0x3FC1] =	sst s2  }
0x8f: {  	_ = 	snop  }
0x90: {  	s18 =	sld [smem:$0x3FC7]  }
0x91: {  	s4 =	sld [smem:$0x3FD0];
	(tm) =	ssettm $0x1  }
0x92: {  	s19 =	sld [smem:$0x3FFB];
	_ =	sdelay $0x3  }
0x93: {  	_ =	strace s19  }
0x94: {  	s2 =	sld [smem:$0x3FFC];
	_ =	sdelay $0x3  }
0x95: {  	_ =	strace s2  }
0x96: {  	s2 =	sld [smem:$0x3FFD];
	_ =	sdelay $0x3  }
0x97: {  	_ =	strace s2  }
0x98: {  	_ =	strace $0x8FFFFFFF  }
0x99: {  	s20 =	sld [smem:$0x3FDB];
	_ =	sdelay $0x1  }
0x9a: {  	s5 =	simm.s32 $_scs_section_size  }
0x9b: {  	s6 =	simm.s32 $_size__tile_overlayer_lowered;
	s7 =	simm.s32 $_tile_overlayer_lowered  }
0x9c: {  	s8 =	simm.s32 $0x1BFF;
	s21 =	sshll.u32 s7, $0x1;
	s5 =	sadd.s32 s5, s20  }
0x9d: {  	s22 =	simm.s32 $0x0;
	s6 =	sshll.u32 s6, $0x1;
	s7 =	sadd.s32 s21, s5  }
0x9e: {  	[timem:s22], [sflag:s8] =	dma.local [hbm:s7], s6  }
0x9f: {  	_ =	swait.ge [sflag:s8], s6  }
0xa0: {  	s6 =	ssub.s32 $0x0, s6;
	[sflag:s8] =	ssyncset.done $0x0  }
0xa1: {  	[sflag:s8] =	ssyncadd.s32 s6;
	_ =	sdelay $0x1  }
0xa2: {  	s23 =	simm.s32 $0x1B8B  }
0xa3: {  	_ =	swait.ge [sflag:s23], $0x1  }
0xa4: {  	[sflag:s23] =	ssyncset.done $0x0  }
0xa5: {  	[sflag:s23] =	ssyncadd.s32 $0xFFFFFFFF  }
0xa6: {  	s6 =	sld [smem:$0x0]  }
0xa7: {  	s7 =	sand.u32 $0xFFFFFFFE, s1  }
0xa8: {  	p0 =	sne.s32 s1, s7  }
0xa9: {  	s7 =	sshll.u32 @p0 s7, $0xE  }
0xaa: {  	s7 =	sadd.s32 @p0 $0x11B8D, s7;
	s8 =	sshll.u32 @p0 s6, $0x11  }
0xab: {  	s7 =	sor.u32 @p0 s8, s7  }
0xac: {  	[sflag:s7] =	ssyncadd.remote.s32 @p0 $0x1;
	_ =	sdelay $0x1  }
0xad: {  	s7 =	simm.s32 @p0 $0x1B8D  }
0xae: {  	_ =	swait.eq @p0 [sflag:s7], $0x1  }
0xaf: {  	[sflag:s7] =	ssyncadd.s32 @p0 $0xFFFFFFFF  }
0xb0: {  	s8 =	sshll.u32 @!p0 s1, $0xE  }
0xb1: {  	s8 =	sor.u32 @!p0 $0x4000, s8;
	s7 =	simm.s32 @!p0 $0x1B8D  }
0xb2: {  	s6 =	sshll.u32 @!p0 s6, $0x11;
	s8 =	sadd.s32 @!p0 $0x11B8D, s8;
	_ =	swait.eq @!p0 [sflag:s7], $0x1  }
0xb3: {  	s6 =	sor.u32 @!p0 s6, s8;
	[sflag:s7] =	ssyncadd.s32 @!p0 $0xFFFFFFFF  }
0xb4: {  	s25 =	simm.s32 $0x1B8E;
	s24 =	sld [smem:$0x3FFE];
	[sflag:s6] =	ssyncadd.remote.s32 @!p0 $0x1  }
0xb5: {  	s26 =	simm.s32 $execute0_lowered;
	[smem:$0x3FD2] =	sst s25  }
0xb6: {  	s7 =	sshll.u32 s26, $0x1;
	_ =	strace $0x80000049;
	[dreg:$0x1] =	wrdreg $0xFFFFFFFF  }
0xb7: {  	s28 =	simm.s32 $_size_execute0_lowered;
	s5 =	sadd.s32 s5, s7;
	[dreg:$0x0] =	wrdreg $0x0  }
0xb8: {  	s7 =	sshll.u32 s28, $0x1;
	[dreg:$0x2] =	wrdreg s5  }
0xb9: {  	[dreg:$0x3] =	wrdreg s7  }
0xba: {  	[dreg:$0x4] =	wrdreg $0xC0  }
0xbb: {  	_ =	task [dreg:s22], $0x5FFFF  }
0xbc: {  	[dreg:$0x1] =	wrdreg $0xFFFFFFFF  }
0xbd: {  	[dreg:$0x0] =	wrdreg $0x60  }
0xbe: {  	[dreg:$0x2] =	wrdreg s4  }
0xbf: {  	[dreg:$0x3] =	wrdreg s18  }
0xc0: {  	[dreg:$0x4] =	wrdreg s24  }
0xc1: {  	[dreg:$0x5] =	wrdreg $0xA  }
0xc2: {  	_ =	task.clear_ibuf [dreg:s22], $0x6FFFF;
	_ =	strace $0x90000049  }
0xc3: {  	s29 =	simm.s32 $0xA;
	_ =	strace $0x8000004B  }
0xc4: {  	_ =	swait.ge [sflag:s29], $0x1  }
0xc5: {  	[sflag:s29] =	ssyncadd.s32 $0xFFFFFFFF  }
0xc6: {  	_ =	strace $0x9000004B  }
0xc7: {  	_ =	sfence  }
0xc8: {  	s30 =	sld [smem:$0x0];
	_ =	sdelay $0x2  }
0xc9: {  	s31 =	sshll.u32 s1, $0xD;
	s1 =	sshrl.u32 s1, $0x2  }
0xca: {  	s4 =	sand.u32 $0x4000, s31;
	s1 =	sadd.s32 s1, s30  }
0xcb: {  	s0 =	sor.u32 s4, s0;
	s1 =	sshll.u32 s1, $0x11  }
0xcc: {  	s0 =	sor.u32 s1, s0  }
0xcd: {  	s0 =	sadd.s32 $0x8F2B, s0  }
0xce: {  	[sflag:s0] =	ssyncadd.remote.s32 $0x1  }
0xcf: {  	_ =	sfence.sel $0xFFFF  }
0xd0: {  	[dreg:$0x0] =	wrdreg $0xFFFFFFFF;
	(pc) =	sbr.abs _section_cstart, $3  }
0xd1: {  	[dreg:$0x1] =	wrdreg $0xFFFFFFFF  }
0xd2: {  	_ =	task.clear_ibuf [dreg:s22], $0x2FFFF;
	_ =	strace $0x9FFFFFFF  }
0xd3: {  	(tm) =	ssettm $0x7FFFFFFF  }
tec
execute0_lowered:
.L_overlay_start_1:
0x0: {  	(tag) =	ssettag $0x1  }
0x1: {  	s4 =	rddreg [dreg:$0x0]  }
0x2: {  	s2 =	rddreg [dreg:$0x1]  }
0x3: {  	s5 =	rddreg [dreg:$0x2]  }
0x4: {  	s0 =	rddreg [dreg:$0x3];
	s1 =	stileid.u32  }
0x5: {  	s6 =	srdreg.scid;
	s3 =	simm.s32 $0x0;
	s12 =	simm.s32 $0x100  }
0x6: {  	s13 =	simm.s32 $0x60;
	s14 =	simm.s32 $0x3500;
	s7 =	smul.u32 $0x3E800, s1  }
0x7: {  	s15 =	simm.s32 $0x1;
	s6 =	sand.u32 $0x1, s6;
	s10 =	smul.u32 $0xA00, s1  }
0x8: {  	s16 =	simm.s32 $0x0;
	[smem:$0x7FF] =	sst s3;
	s8 =	smul.u32 $0x1F400, s6  }
0x9: {  	s4 =	sadd.s32 $0xC000, s4;
	s9 =	ssub.s32 $0x2, s6;
	s11 =	smul.u32 $0x500, s6  }
0xa: {  	_ =	strace $0x8000004A;
	s5 =	sadd.s32 s7, s5;
	s29 =	sshrl.u32 s9, $0x1  }
0xb: {  	s30 =	ssub.s32 s9, s29;
	s31 =	sadd.s32 s8, s5;
	s7 =	sadd.s32 s11, s10  }
0xc: {  	s8 =	simm.s32 $0x80;
	s9 =	simm.s32 $0x400;
	s10 =	simm.s32 $0x2  }
0xd: {  	s11 =	simm.s32 $0x68;
	s5 =	smax.u32 s30, $0x1;
	s6 =	sadd.s32 $0x4B1800, s31  }
.LBB2_1:
0xe: {  	s17 =	sand.u32 $0x70, s3  }
0xf: {  	s18 =	sand.u32 $0xFFFFF00, s7;
	s17 =	sadd.s32 s17, s4  }
0x10: {  	s17 =	sadd.s32 s18, s17  }
0x11: {  	[tilespmem:s3], [sflag:$0x2] =	stream.strided.gather [hbm4b:s17+s8], $0x100, s9, s8, $0x38;
	[tilespmem:$0x6500] =	vst v63  }
0x12: {  	_ =	swait.ge [sflag:s10], $0x100  }
0x13: {  	[sflag:s10] =	ssyncset.done $0x0  }
0x14: {  	[sflag:s10] =	ssyncadd.s32 $0xFFFFFF00  }
0x15: {  	[tilespmem:s12], [sflag:$0x1] =	stream.indirect.gather [hbm4b:s2+s11], $0x80, s3, s11, $0xb8;
	[tilespmem:$0x6500] =	vst v63  }
0x16: {  	_ = 	snop  }
0x17: {  	[tilespmem:s14], [sflag:$0x1] =	stream.indirect.gather [hbm4b:s2+s13], $0x80, s11, s13, $0xb8;
	[tilespmem:$0x6500] =	vst v63  }
0x18: {  	_ =	swait.ge [sflag:s15], $0x3400  }
0x19: {  	[sflag:s15] =	ssyncset.done $0x0  }
0x1a: {  	[sflag:s15] =	ssyncadd.s32 $0xFFFFCC00  }
0x1b: {  	_ =	swait.ge [sflag:s15], $0x3000  }
0x1c: {  	s31 =	simm.s32 $0x10;
	[sflag:s15] =	ssyncset.done $0x0  }
0x1d: {  	s19 =	simm.s32 $0x20;
	s21 =	sand.u32 $0x70, s31;
	[sflag:s15] =	ssyncadd.s32 $0xFFFFD000  }
0x1e: {  	[hbm4b:s6+s3] =	stream.linear.scatter [tilespmem:s12], [sflag:$0x2], $0x6400, $0x38;
	[tilespmem:$0x6500] =	vst v63  }
0x1f: {  	s18 =	sadd.s32 $0x20, s7;
	s21 =	sadd.s32 s21, s4;
	_ =	swait.ge [sflag:s10], $0x6400  }
0x20: {  	s17 =	sadd.s32 $0xC80, s6;
	s20 =	sand.u32 $0xFFFFF00, s18;
	[sflag:s10] =	ssyncset.done $0x0  }
.LBB2_2:
0x21: {  	s20 =	sadd.s32 s20, s21;
	[sflag:s10] =	ssyncadd.s32 $0xFFFF9C00  }
0x22: {  	s21 =	smov.u32 s19;
	s22 =	sadd.s32 $0x10, s19;
	s23 =	smov.u32 s17  }
0x23: {  	[tilespmem:s3], [sflag:$0x2] =	stream.strided.gather [hbm4b:s20+s8], $0x100, s9, s8, $0x38;
	[tilespmem:$0x6500] =	vst v63  }
0x24: {  	p0 =	sne.s32 s19, $0x270;
	_ =	swait.ge [sflag:s10], $0x100  }
0x25: {  	[sflag:s10] =	ssyncset.done $0x0  }
0x26: {  	[sflag:s10] =	ssyncadd.s32 $0xFFFFFF00  }
0x27: {  	[tilespmem:s12], [sflag:$0x1] =	stream.indirect.gather [hbm4b:s2+s11], $0x80, s3, s11, $0xb8;
	[tilespmem:$0x6500] =	vst v63  }
0x28: {  	_ = 	snop  }
0x29: {  	[tilespmem:s14], [sflag:$0x1] =	stream.indirect.gather [hbm4b:s2+s13], $0x80, s11, s13, $0xb8;
	[tilespmem:$0x6500] =	vst v63  }
0x2a: {  	_ =	swait.ge [sflag:s15], $0x3400  }
0x2b: {  	[sflag:s15] =	ssyncset.done $0x0  }
0x2c: {  	[sflag:s15] =	ssyncadd.s32 $0xFFFFCC00  }
0x2d: {  	_ =	swait.ge [sflag:s15], $0x3000  }
.Ltmp0:
0x2e: {  	[sflag:s15] =	ssyncset.done $0x0;
	(pc) =	sbr.rel @p0 .LBB2_2-.Ltmp0, $4  }
0x2f: {  	s17 =	sadd.s32 $0xC80, s17;
	s18 =	sadd.s32 $0x20, s18;
	[sflag:s15] =	ssyncadd.s32 $0xFFFFD000  }
0x30: {  	[hbm4b:s23+s3] =	stream.linear.scatter [tilespmem:s12], [sflag:$0x2], $0x6400, $0x38;
	[tilespmem:$0x6500] =	vst v63  }
0x31: {  	s19 =	sand.u32 $0x70, s21;
	s20 =	sand.u32 $0xFFFFF00, s18;
	_ =	swait.ge [sflag:s10], $0x6400  }
0x32: {  	s21 =	sadd.s32 s19, s4;
	s19 =	smov.u32 s22;
	[sflag:s10] =	ssyncset.done $0x0  }
0x33: {  	s18 =	sadd.s32 s20, s21;
	[sflag:s10] =	ssyncadd.s32 $0xFFFF9C00  }
0x34: {  	[tilespmem:s3], [sflag:$0x2] =	stream.strided.gather [hbm4b:s18+s8], $0x100, s9, s8, $0x38;
	[tilespmem:$0x6500] =	vst v63  }
0x35: {  	_ =	swait.ge [sflag:s10], $0x100  }
0x36: {  	[sflag:s10] =	ssyncset.done $0x0  }
0x37: {  	[sflag:s10] =	ssyncadd.s32 $0xFFFFFF00  }
0x38: {  	[tilespmem:s12], [sflag:$0x1] =	stream.indirect.gather [hbm4b:s2+s11], $0x80, s3, s11, $0xb8;
	[tilespmem:$0x6500] =	vst v63  }
0x39: {  	_ = 	snop  }
0x3a: {  	[tilespmem:s14], [sflag:$0x1] =	stream.indirect.gather [hbm4b:s2+s13], $0x80, s11, s13, $0xb8;
	[tilespmem:$0x6500] =	vst v63  }
0x3b: {  	_ =	swait.ge [sflag:s15], $0x3400  }
0x3c: {  	[sflag:s15] =	ssyncset.done $0x0  }
0x3d: {  	[sflag:s15] =	ssyncadd.s32 $0xFFFFCC00  }
0x3e: {  	s16 =	sadd.s32 $0x1, s16;
	_ =	swait.ge [sflag:s15], $0x3000  }
0x3f: {  	p0 =	sne.s32 s16, s5;
	[sflag:s15] =	ssyncset.done $0x0  }
.Ltmp1:
0x40: {  	[sflag:s15] =	ssyncadd.s32 $0xFFFFD000;
	(pc) =	sbr.rel @p0 .LBB2_1-.Ltmp1, $4  }
0x41: {  	[hbm4b:s17+s3] =	stream.linear.scatter [tilespmem:s12], [sflag:$0x2], $0x6400, $0x38;
	[tilespmem:$0x6500] =	vst v63  }
0x42: {  	_ =	swait.ge [sflag:s10], $0x6400  }
0x43: {  	[sflag:s10] =	ssyncset.done $0x0  }
0x44: {  	[sflag:s10] =	ssyncadd.s32 $0xFFFF9C00  }
0x45: {  	_ =	sfence.sel $0x180000  }
0x46: {  	[bflag:$0x0] =	sbarrier.arrive $0xFFFF  }
0x47: {  	p0 =	sne.s32 s1, $0x0;
	_ =	strace $0x9000004A  }
0x48: {  	s0 =	sadd.s32 @!p0 $0x100000, s0;
	[bflag:$0x2] =	sbarrier.arrive $0xFFFF  }
0x49: {  	[sflag:s0] =	ssyncadd.tile.s32 @!p0 $0x1;
	_ =	shalt  }
.Lfunc_end2:
_tile_overlayer_lowered:
.L_overlay_start_2:
0x4a: {  	(tag) =	ssettag $0x2  }
0x4b: {  	s0 =	rddreg [dreg:$0x0];
	s2 =	stileid.u32  }
0x4c: {  	s1 =	rddreg [dreg:$0x1];
	p0 =	sne.s32 s2, $0x0  }
0x4d: {  	s3 =	rddreg [dreg:$0x2];
	[bflag:$0x3] =	sbarrier.arrive $0xFFFF;
	s2 =	simm.s32 @!p0 $0x1C02  }
0x4e: {  	[timem:s3], [sflag:s2] =	dma.local @!p0 [hbm:s0], s1  }
0x4f: {  	s0 =	simm.s32 @!p0 $0x2  }
0x50: {  	_ =	swait.ge @!p0 [sflag:s0], s1  }
0x51: {  	s1 =	ssub.s32 @!p0 $0x0, s1;
	[sflag:s0] =	ssyncset.done @!p0 $0x0  }
0x52: {  	[sflag:s0] =	ssyncadd.s32 @!p0 s1  }
0x53: {  	[bflag:$0x3] =	sbarrier.arrive $0xFFFF  }
0x54: {  	_ =	shalt  }

// kernel: kernel.16.cloned.1.call-start
scs
__scs_entry_jumppad:
0x0: {  	(pc) =	sbr.rel $0x88, $3  }
0x1: {  	(tag) =	ssettag $0x0;
	lr =	simm.s32 $0x1  }
0x2: {  	[smem:$0x3F9A] =	sst lr;
	_ =	strace $0xD0000000  }
0x3: {  	_ = 	snop  }
0x4: {  	_ = 	snop  }
0x5: {  	_ = 	snop  }
0x6: {  	_ = 	snop  }
0x7: {  	_ = 	snop  }
__scs_overlays_trampoline_lowered:
0x8: {  	[smem:$0x3FA9] =	sst s0  }
0x9: {  	[smem:$0x3FAA] =	sst s1  }
0xa: {  	[smem:$0x3FAB] =	sst s2  }
0xb: {  	[smem:$0x3FAC] =	sst s3  }
0xc: {  	[smem:$0x3FAD] =	sst s4  }
0xd: {  	[smem:$0x3FAE] =	sst s5  }
0xe: {  	[smem:$0x3FAF] =	sst s6  }
0xf: {  	[smem:$0x3FB0] =	sst s7  }
0x10: {  	[smem:$0x3FB1] =	sst s8  }
0x11: {  	[smem:$0x3FB2] =	sst s9;
	s0 =	simm.s32 @!p0 $0x0  }
0x12: {  	s1 =	sld [smem:$0x3F98];
	s0 =	simm.s32 @p0 $0x1  }
0x13: {  	[smem:$0x3FB3] =	sst s0;
	s0 =	simm.s32 @!p1 $0x0  }
0x14: {  	s2 =	sld [smem:$0x3F97];
	s0 =	simm.s32 @p1 $0x1  }
0x15: {  	[smem:$0x3FB4] =	sst s0;
	s0 =	simm.s32 @!p2 $0x0  }
0x16: {  	s3 =	sld [smem:$0x3FDB];
	s0 =	simm.s32 @p2 $0x1  }
0x17: {  	s4 =	simm.s32 $0x1BF5;
	[smem:$0x3FB6] =	sst s0  }
0x18: {  	s0 =	sld [smem:$0x3F99];
	_ =	swait.ge [sflag:s4], $0x0  }
0x19: {  	s7 =	sld [smem:$0x3F9A]  }
0x1a: {  	s8 =	sadd.s32 $0xFFFFE003, lr  }
0x1b: {  	s9 =	sadd.s32 $0xFFFFFEF7, lr;
	s5 =	simm.s32 $0xFFFFFFFF;
	p2 =	slt.u32 s8, $0xFFFFF086  }
0x1c: {  	p1 =	slt.u32 s9, $0xF7A;
	s5 =	simm.s32 @!p2 $0x0  }
0x1d: {  	s5 =	simm.s32 @p1 $0x1;
	p0 =	seq.s32 s7, s2  }
0x1e: {  	s7 =	smul.u32 @!p0 $0xF7A, s2;
	p2 =	seq.s32 @!p0 s5, $0x0  }
0x1f: {  	s9 =	smul.u32 $0xF7A, s1;
	s8 =	simm.s32 @!p0 $0x1BF5;
	p2 =	por !p2, p0  }
0x20: {  	[sflag:s8] =	ssyncset.s32 @!p0 $0xFFFFF086;
	s6 =	sadd.s32 @!p0 s3, s7;
	s7 =	simm.s32 @!p0 $0x108  }
0x21: {  	s3 =	sadd.s32 s3, s9;
	s6 =	sadd.s32 @!p0 $0x88, s6;
	s7 =	simm.s32 @p2 $0x1082  }
0x22: {  	[simem:s7], [sflag:s8] =	dma.local @!p0 [hbm:s6], $0xF7A  }
0x23: {  	s9 =	sor.u32 $0xD0000000, s2;
	s6 =	simm.s32 $0x108;
	_ =	swait.ge @!p0 [sflag:s8], $0x0  }
0x24: {  	s3 =	sadd.s32 $0x88, s3;
	s6 =	simm.s32 @!p1 $0x1082;
	[sflag:s4] =	ssyncset.s32 $0xFFFFF086  }
0x25: {  	[simem:s6], [sflag:s4] =	dma.local [hbm:s3], $0xF7A  }
0x26: {  	[smem:$0x3F9A] =	sst s1;
	(tag) =	ssettag s2;
	_ =	strace s9  }
0x27: {  	s1 =	sld [smem:$0x3FAA]  }
0x28: {  	s2 =	sld [smem:$0x3FAB]  }
0x29: {  	s4 =	sld [smem:$0x3FAD]  }
0x2a: {  	p0 =	seq.s32 s5, $0x0;
	s5 =	sld [smem:$0x3FAE]  }
0x2b: {  	s6 =	sld [smem:$0x3FAF]  }
0x2c: {  	s7 =	sld [smem:$0x3FB0]  }
0x2d: {  	s3 =	simm.s32 $0x108;
	s8 =	sld [smem:$0x3FB1]  }
0x2e: {  	s3 =	simm.s32 @!p0 $0x1082;
	s9 =	sld [smem:$0x3FB2]  }
0x2f: {  	lr =	sadd.s32 s0, s3;
	s0 =	sld [smem:$0x3FA9]  }
0x30: {  	s3 =	sld [smem:$0x3FAC]  }
0x31: {  	[smem:$0x3FB5] =	sst s10  }
0x32: {  	s10 =	sld [smem:$0x3FB3];
	_ =	sdelay $0x3  }
0x33: {  	p0 =	seq.s32 s10, $0x1;
	s10 =	sld [smem:$0x3FB5];
	_ =	sdelay $0x3  }
0x34: {  	[smem:$0x3FB5] =	sst s10  }
0x35: {  	s10 =	sld [smem:$0x3FB4];
	_ =	sdelay $0x3  }
0x36: {  	p1 =	seq.s32 s10, $0x1;
	s10 =	sld [smem:$0x3FB5];
	_ =	sdelay $0x3  }
0x37: {  	[smem:$0x3FB5] =	sst s10  }
0x38: {  	s10 =	sld [smem:$0x3FB6]  }
0x39: {  	_ = 	snop;
	(pc) =	sbr.ind lr, $3  }
0x3a: {  	_ = 	snop  }
0x3b: {  	_ = 	snop  }
0x3c: {  	p2 =	seq.s32 s10, $0x1;
	s10 =	sld [smem:$0x3FB5]  }
0x3d: {  	_ =	shalt  }
0x3e: {  	_ =	shalt  }
0x3f: {  	_ =	shalt  }
0x40: {  	_ =	shalt  }
0x41: {  	_ =	shalt  }
0x42: {  	_ =	shalt  }
0x43: {  	_ =	shalt  }
0x44: {  	_ =	shalt  }
0x45: {  	_ =	shalt  }
0x46: {  	_ =	shalt  }
0x47: {  	_ =	shalt  }
0x48: {  	_ =	shalt  }
0x49: {  	_ =	shalt  }
0x4a: {  	_ =	shalt  }
0x4b: {  	_ =	shalt  }
0x4c: {  	_ =	shalt  }
0x4d: {  	_ =	shalt  }
0x4e: {  	_ =	shalt  }
0x4f: {  	_ =	shalt  }
0x50: {  	_ =	shalt  }
0x51: {  	_ =	shalt  }
0x52: {  	_ =	shalt  }
0x53: {  	_ =	shalt  }
0x54: {  	_ =	shalt  }
0x55: {  	_ =	shalt  }
0x56: {  	_ =	shalt  }
0x57: {  	_ =	shalt  }
0x58: {  	_ =	shalt  }
0x59: {  	_ =	shalt  }
0x5a: {  	_ =	shalt  }
0x5b: {  	_ =	shalt  }
0x5c: {  	_ =	shalt  }
0x5d: {  	_ =	shalt  }
0x5e: {  	_ =	shalt  }
0x5f: {  	_ =	shalt  }
0x60: {  	_ =	shalt  }
0x61: {  	_ =	shalt  }
0x62: {  	_ =	shalt  }
0x63: {  	_ =	shalt  }
0x64: {  	_ =	shalt  }
0x65: {  	_ =	shalt  }
0x66: {  	_ =	shalt  }
0x67: {  	_ =	shalt  }
0x68: {  	_ =	shalt  }
0x69: {  	_ =	shalt  }
0x6a: {  	_ =	shalt  }
0x6b: {  	_ =	shalt  }
0x6c: {  	_ =	shalt  }
0x6d: {  	_ =	shalt  }
0x6e: {  	_ =	shalt  }
0x6f: {  	_ =	shalt  }
0x70: {  	_ =	shalt  }
0x71: {  	_ =	shalt  }
0x72: {  	_ =	shalt  }
0x73: {  	_ =	shalt  }
0x74: {  	_ =	shalt  }
0x75: {  	_ =	shalt  }
0x76: {  	_ =	shalt  }
0x77: {  	_ =	shalt  }
0x78: {  	_ =	shalt  }
0x79: {  	_ =	shalt  }
0x7a: {  	_ =	shalt  }
0x7b: {  	_ =	shalt  }
0x7c: {  	_ =	shalt  }
0x7d: {  	_ =	shalt  }
0x7e: {  	_ =	shalt  }
0x7f: {  	_ =	shalt  }
0x80: {  	_ =	shalt  }
0x81: {  	_ =	shalt  }
0x82: {  	_ =	shalt  }
0x83: {  	_ =	shalt  }
0x84: {  	_ =	shalt  }
0x85: {  	_ =	shalt  }
0x86: {  	_ =	shalt  }
0x87: {  	_ =	shalt  }
.Lfunc_end0:
.L_simem_size_0:
called_computation.2_lowered:
.L_overlay_start_0:
0x88: {  	s2 =	sld [smem:$0x3FD9]  }
0x89: {  	s3 =	sld [smem:$0x3FFE];
	_ =	sdelay $0x1  }
0x8a: {  	s1 =	srdreg.scid  }
0x8b: {  	s0 =	sand.u32 $0x1, s1  }
0x8c: {  	s17 =	sshll.u32 s0, $0xA;
	s2 =	sadd.s32 s3, s2  }
0x8d: {  	s2 =	sadd.s32 s2, s17  }
0x8e: {  	[smem:$0x3FC1] =	sst s2  }
0x8f: {  	_ = 	snop  }
0x90: {  	s18 =	sld [smem:$0x3FC7]  }
0x91: {  	s4 =	sld [smem:$0x3FD0];
	(tm) =	ssettm $0x1  }
0x92: {  	s19 =	sld [smem:$0x3FFB];
	_ =	sdelay $0x3  }
0x93: {  	_ =	strace s19  }
0x94: {  	s2 =	sld [smem:$0x3FFC];
	_ =	sdelay $0x3  }
0x95: {  	_ =	strace s2  }
0x96: {  	s2 =	sld [smem:$0x3FFD];
	_ =	sdelay $0x3  }
0x97: {  	_ =	strace s2  }
0x98: {  	_ =	strace $0x8FFFFFFF  }
0x99: {  	s20 =	sld [smem:$0x3FDB];
	_ =	sdelay $0x1  }
0x9a: {  	s5 =	simm.s32 $_scs_section_size  }
0x9b: {  	s6 =	simm.s32 $_size__tile_overlayer_lowered;
	s7 =	simm.s32 $_tile_overlayer_lowered  }
0x9c: {  	s8 =	simm.s32 $0x1BFF;
	s21 =	sshll.u32 s7, $0x1;
	s5 =	sadd.s32 s5, s20  }
0x9d: {  	s22 =	simm.s32 $0x0;
	s6 =	sshll.u32 s6, $0x1;
	s7 =	sadd.s32 s21, s5  }
0x9e: {  	[timem:s22], [sflag:s8] =	dma.local [hbm:s7], s6  }
0x9f: {  	_ =	swait.ge [sflag:s8], s6  }
0xa0: {  	s6 =	ssub.s32 $0x0, s6;
	[sflag:s8] =	ssyncset.done $0x0  }
0xa1: {  	[sflag:s8] =	ssyncadd.s32 s6;
	_ =	sdelay $0x1  }
0xa2: {  	s23 =	simm.s32 $0x1B8B  }
0xa3: {  	_ =	swait.ge [sflag:s23], $0x1  }
0xa4: {  	[sflag:s23] =	ssyncset.done $0x0  }
0xa5: {  	[sflag:s23] =	ssyncadd.s32 $0xFFFFFFFF  }
0xa6: {  	s6 =	sld [smem:$0x0]  }
0xa7: {  	s7 =	sand.u32 $0xFFFFFFFE, s1  }
0xa8: {  	p0 =	sne.s32 s1, s7  }
0xa9: {  	s7 =	sshll.u32 @p0 s7, $0xE  }
0xaa: {  	s7 =	sadd.s32 @p0 $0x11B8D, s7;
	s8 =	sshll.u32 @p0 s6, $0x11  }
0xab: {  	s7 =	sor.u32 @p0 s8, s7  }
0xac: {  	[sflag:s7] =	ssyncadd.remote.s32 @p0 $0x1;
	_ =	sdelay $0x1  }
0xad: {  	s7 =	simm.s32 @p0 $0x1B8D  }
0xae: {  	_ =	swait.eq @p0 [sflag:s7], $0x1  }
0xaf: {  	[sflag:s7] =	ssyncadd.s32 @p0 $0xFFFFFFFF  }
0xb0: {  	s8 =	sshll.u32 @!p0 s1, $0xE  }
0xb1: {  	s8 =	sor.u32 @!p0 $0x4000, s8;
	s7 =	simm.s32 @!p0 $0x1B8D  }
0xb2: {  	s6 =	sshll.u32 @!p0 s6, $0x11;
	s8 =	sadd.s32 @!p0 $0x11B8D, s8;
	_ =	swait.eq @!p0 [sflag:s7], $0x1  }
0xb3: {  	s6 =	sor.u32 @!p0 s6, s8;
	[sflag:s7] =	ssyncadd.s32 @!p0 $0xFFFFFFFF  }
0xb4: {  	s25 =	simm.s32 $0x1B8E;
	s24 =	sld [smem:$0x3FFE];
	[sflag:s6] =	ssyncadd.remote.s32 @!p0 $0x1  }
0xb5: {  	s26 =	simm.s32 $execute0_lowered;
	[smem:$0x3FD2] =	sst s25  }
0xb6: {  	s7 =	sshll.u32 s26, $0x1;
	_ =	strace $0x8000004C;
	[dreg:$0x1] =	wrdreg $0xFFFFFFFF  }
0xb7: {  	s28 =	simm.s32 $_size_execute0_lowered;
	s5 =	sadd.s32 s5, s7;
	[dreg:$0x0] =	wrdreg $0x0  }
0xb8: {  	s7 =	sshll.u32 s28, $0x1;
	[dreg:$0x2] =	wrdreg s5  }
0xb9: {  	[dreg:$0x3] =	wrdreg s7  }
0xba: {  	[dreg:$0x4] =	wrdreg $0xC0  }
0xbb: {  	_ =	task [dreg:s22], $0x5FFFF  }
0xbc: {  	[dreg:$0x1] =	wrdreg $0xFFFFFFFF  }
0xbd: {  	[dreg:$0x0] =	wrdreg $0x60  }
0xbe: {  	[dreg:$0x2] =	wrdreg s4  }
0xbf: {  	[dreg:$0x3] =	wrdreg s18  }
0xc0: {  	[dreg:$0x4] =	wrdreg s24  }
0xc1: {  	[dreg:$0x5] =	wrdreg $0xB  }
0xc2: {  	_ =	task.clear_ibuf [dreg:s22], $0x6FFFF;
	_ =	strace $0x9000004C  }
0xc3: {  	s29 =	simm.s32 $0xB;
	_ =	strace $0x8000004E  }
0xc4: {  	_ =	swait.ge [sflag:s29], $0x1  }
0xc5: {  	[sflag:s29] =	ssyncadd.s32 $0xFFFFFFFF  }
0xc6: {  	_ =	strace $0x9000004E  }
0xc7: {  	_ =	sfence  }
0xc8: {  	s30 =	sld [smem:$0x0];
	_ =	sdelay $0x2  }
0xc9: {  	s31 =	sshll.u32 s1, $0xD;
	s1 =	sshrl.u32 s1, $0x2  }
0xca: {  	s4 =	sand.u32 $0x4000, s31;
	s1 =	sadd.s32 s1, s30  }
0xcb: {  	s0 =	sor.u32 s4, s0;
	s1 =	sshll.u32 s1, $0x11  }
0xcc: {  	s0 =	sor.u32 s1, s0  }
0xcd: {  	s0 =	sadd.s32 $0x8F2B, s0  }
0xce: {  	[sflag:s0] =	ssyncadd.remote.s32 $0x1  }
0xcf: {  	_ =	sfence.sel $0xFFFF  }
0xd0: {  	[dreg:$0x0] =	wrdreg $0xFFFFFFFF;
	(pc) =	sbr.abs _section_cstart, $3  }
0xd1: {  	[dreg:$0x1] =	wrdreg $0xFFFFFFFF  }
0xd2: {  	_ =	task.clear_ibuf [dreg:s22], $0x2FFFF;
	_ =	strace $0x9FFFFFFF  }
0xd3: {  	(tm) =	ssettm $0x7FFFFFFF  }
tec
execute0_lowered:
.L_overlay_start_1:
0x0: {  	(tag) =	ssettag $0x1  }
0x1: {  	s4 =	rddreg [dreg:$0x0]  }
0x2: {  	s2 =	rddreg [dreg:$0x1]  }
0x3: {  	s5 =	rddreg [dreg:$0x2]  }
0x4: {  	s0 =	rddreg [dreg:$0x3];
	s1 =	stileid.u32  }
0x5: {  	s6 =	srdreg.scid;
	s3 =	simm.s32 $0x0;
	s12 =	simm.s32 $0x100  }
0x6: {  	s13 =	simm.s32 $0x60;
	s14 =	simm.s32 $0x3500;
	s7 =	smul.u32 $0x25800, s1  }
0x7: {  	s15 =	simm.s32 $0x1;
	s6 =	sand.u32 $0x1, s6;
	s10 =	smul.u32 $0x600, s1  }
0x8: {  	s16 =	simm.s32 $0x0;
	[smem:$0x7FF] =	sst s3;
	s8 =	smul.u32 $0x12C00, s6  }
0x9: {  	s4 =	sadd.s32 $0x16000, s4;
	s9 =	ssub.s32 $0x2, s6;
	s11 =	smul.u32 $0x300, s6  }
0xa: {  	_ =	strace $0x8000004D;
	s5 =	sadd.s32 s7, s5;
	s29 =	sshrl.u32 s9, $0x1  }
0xb: {  	s30 =	ssub.s32 s9, s29;
	s31 =	sadd.s32 s8, s5;
	s7 =	sadd.s32 s11, s10  }
0xc: {  	s8 =	simm.s32 $0x80;
	s9 =	simm.s32 $0x400;
	s10 =	simm.s32 $0x2  }
0xd: {  	s11 =	simm.s32 $0x68;
	s5 =	smax.u32 s30, $0x1;
	s6 =	sadd.s32 $0x899800, s31  }
.LBB2_1:
0xe: {  	s17 =	sand.u32 $0x70, s3  }
0xf: {  	s18 =	sand.u32 $0xFFFFF00, s7;
	s17 =	sadd.s32 s17, s4  }
0x10: {  	s17 =	sadd.s32 s18, s17  }
0x11: {  	[tilespmem:s3], [sflag:$0x2] =	stream.strided.gather [hbm4b:s17+s8], $0x100, s9, s8, $0x38;
	[tilespmem:$0x6500] =	vst v63  }
0x12: {  	_ =	swait.ge [sflag:s10], $0x100  }
0x13: {  	[sflag:s10] =	ssyncset.done $0x0  }
0x14: {  	[sflag:s10] =	ssyncadd.s32 $0xFFFFFF00  }
0x15: {  	[tilespmem:s12], [sflag:$0x1] =	stream.indirect.gather [hbm4b:s2+s11], $0x80, s3, s11, $0xb8;
	[tilespmem:$0x6500] =	vst v63  }
0x16: {  	_ = 	snop  }
0x17: {  	[tilespmem:s14], [sflag:$0x1] =	stream.indirect.gather [hbm4b:s2+s13], $0x80, s11, s13, $0xb8;
	[tilespmem:$0x6500] =	vst v63  }
0x18: {  	_ =	swait.ge [sflag:s15], $0x3400  }
0x19: {  	[sflag:s15] =	ssyncset.done $0x0  }
0x1a: {  	[sflag:s15] =	ssyncadd.s32 $0xFFFFCC00  }
0x1b: {  	_ =	swait.ge [sflag:s15], $0x3000  }
0x1c: {  	s31 =	simm.s32 $0x10;
	[sflag:s15] =	ssyncset.done $0x0  }
0x1d: {  	s19 =	simm.s32 $0x20;
	s21 =	sand.u32 $0x70, s31;
	[sflag:s15] =	ssyncadd.s32 $0xFFFFD000  }
0x1e: {  	[hbm4b:s6+s3] =	stream.linear.scatter [tilespmem:s12], [sflag:$0x2], $0x6400, $0x38;
	[tilespmem:$0x6500] =	vst v63  }
0x1f: {  	s18 =	sadd.s32 $0x20, s7;
	s21 =	sadd.s32 s21, s4;
	_ =	swait.ge [sflag:s10], $0x6400  }
0x20: {  	s17 =	sadd.s32 $0xC80, s6;
	s20 =	sand.u32 $0xFFFFF00, s18;
	[sflag:s10] =	ssyncset.done $0x0  }
.LBB2_2:
0x21: {  	s20 =	sadd.s32 s20, s21;
	[sflag:s10] =	ssyncadd.s32 $0xFFFF9C00  }
0x22: {  	s21 =	smov.u32 s19;
	s22 =	sadd.s32 $0x10, s19;
	s23 =	smov.u32 s17  }
0x23: {  	[tilespmem:s3], [sflag:$0x2] =	stream.strided.gather [hbm4b:s20+s8], $0x100, s9, s8, $0x38;
	[tilespmem:$0x6500] =	vst v63  }
0x24: {  	p0 =	sne.s32 s19, $0x170;
	_ =	swait.ge [sflag:s10], $0x100  }
0x25: {  	[sflag:s10] =	ssyncset.done $0x0  }
0x26: {  	[sflag:s10] =	ssyncadd.s32 $0xFFFFFF00  }
0x27: {  	[tilespmem:s12], [sflag:$0x1] =	stream.indirect.gather [hbm4b:s2+s11], $0x80, s3, s11, $0xb8;
	[tilespmem:$0x6500] =	vst v63  }
0x28: {  	_ = 	snop  }
0x29: {  	[tilespmem:s14], [sflag:$0x1] =	stream.indirect.gather [hbm4b:s2+s13], $0x80, s11, s13, $0xb8;
	[tilespmem:$0x6500] =	vst v63  }
0x2a: {  	_ =	swait.ge [sflag:s15], $0x3400  }
0x2b: {  	[sflag:s15] =	ssyncset.done $0x0  }
0x2c: {  	[sflag:s15] =	ssyncadd.s32 $0xFFFFCC00  }
0x2d: {  	_ =	swait.ge [sflag:s15], $0x3000  }
.Ltmp0:
0x2e: {  	[sflag:s15] =	ssyncset.done $0x0;
	(pc) =	sbr.rel @p0 .LBB2_2-.Ltmp0, $4  }
0x2f: {  	s17 =	sadd.s32 $0xC80, s17;
	s18 =	sadd.s32 $0x20, s18;
	[sflag:s15] =	ssyncadd.s32 $0xFFFFD000  }
0x30: {  	[hbm4b:s23+s3] =	stream.linear.scatter [tilespmem:s12], [sflag:$0x2], $0x6400, $0x38;
	[tilespmem:$0x6500] =	vst v63  }
0x31: {  	s19 =	sand.u32 $0x70, s21;
	s20 =	sand.u32 $0xFFFFF00, s18;
	_ =	swait.ge [sflag:s10], $0x6400  }
0x32: {  	s21 =	sadd.s32 s19, s4;
	s19 =	smov.u32 s22;
	[sflag:s10] =	ssyncset.done $0x0  }
0x33: {  	s18 =	sadd.s32 s20, s21;
	[sflag:s10] =	ssyncadd.s32 $0xFFFF9C00  }
0x34: {  	[tilespmem:s3], [sflag:$0x2] =	stream.strided.gather [hbm4b:s18+s8], $0x100, s9, s8, $0x38;
	[tilespmem:$0x6500] =	vst v63  }
0x35: {  	_ =	swait.ge [sflag:s10], $0x100  }
0x36: {  	[sflag:s10] =	ssyncset.done $0x0  }
0x37: {  	[sflag:s10] =	ssyncadd.s32 $0xFFFFFF00  }
0x38: {  	[tilespmem:s12], [sflag:$0x1] =	stream.indirect.gather [hbm4b:s2+s11], $0x80, s3, s11, $0xb8;
	[tilespmem:$0x6500] =	vst v63  }
0x39: {  	_ = 	snop  }
0x3a: {  	[tilespmem:s14], [sflag:$0x1] =	stream.indirect.gather [hbm4b:s2+s13], $0x80, s11, s13, $0xb8;
	[tilespmem:$0x6500] =	vst v63  }
0x3b: {  	_ =	swait.ge [sflag:s15], $0x3400  }
0x3c: {  	[sflag:s15] =	ssyncset.done $0x0  }
0x3d: {  	[sflag:s15] =	ssyncadd.s32 $0xFFFFCC00  }
0x3e: {  	s16 =	sadd.s32 $0x1, s16;
	_ =	swait.ge [sflag:s15], $0x3000  }
0x3f: {  	p0 =	sne.s32 s16, s5;
	[sflag:s15] =	ssyncset.done $0x0  }
.Ltmp1:
0x40: {  	[sflag:s15] =	ssyncadd.s32 $0xFFFFD000;
	(pc) =	sbr.rel @p0 .LBB2_1-.Ltmp1, $4  }
0x41: {  	[hbm4b:s17+s3] =	stream.linear.scatter [tilespmem:s12], [sflag:$0x2], $0x6400, $0x38;
	[tilespmem:$0x6500] =	vst v63  }
0x42: {  	_ =	swait.ge [sflag:s10], $0x6400  }
0x43: {  	[sflag:s10] =	ssyncset.done $0x0  }
0x44: {  	[sflag:s10] =	ssyncadd.s32 $0xFFFF9C00  }
0x45: {  	_ =	sfence.sel $0x180000  }
0x46: {  	[bflag:$0x0] =	sbarrier.arrive $0xFFFF  }
0x47: {  	p0 =	sne.s32 s1, $0x0;
	_ =	strace $0x9000004D  }
0x48: {  	s0 =	sadd.s32 @!p0 $0x100000, s0;
	[bflag:$0x2] =	sbarrier.arrive $0xFFFF  }
0x49: {  	[sflag:s0] =	ssyncadd.tile.s32 @!p0 $0x1;
	_ =	shalt  }
.Lfunc_end2:
_tile_overlayer_lowered:
.L_overlay_start_2:
0x4a: {  	(tag) =	ssettag $0x2  }
0x4b: {  	s0 =	rddreg [dreg:$0x0];
	s2 =	stileid.u32  }
0x4c: {  	s1 =	rddreg [dreg:$0x1];
	p0 =	sne.s32 s2, $0x0  }
0x4d: {  	s3 =	rddreg [dreg:$0x2];
	[bflag:$0x3] =	sbarrier.arrive $0xFFFF;
	s2 =	simm.s32 @!p0 $0x1C02  }
0x4e: {  	[timem:s3], [sflag:s2] =	dma.local @!p0 [hbm:s0], s1  }
0x4f: {  	s0 =	simm.s32 @!p0 $0x2  }
0x50: {  	_ =	swait.ge @!p0 [sflag:s0], s1  }
0x51: {  	s1 =	ssub.s32 @!p0 $0x0, s1;
	[sflag:s0] =	ssyncset.done @!p0 $0x0  }
0x52: {  	[sflag:s0] =	ssyncadd.s32 @!p0 s1  }
0x53: {  	[bflag:$0x3] =	sbarrier.arrive $0xFFFF  }
0x54: {  	_ =	shalt  }

// kernel: kernel.19.cloned.1.call-start
scs
__scs_entry_jumppad:
0x0: {  	(pc) =	sbr.rel $0x88, $3  }
0x1: {  	(tag) =	ssettag $0x0;
	lr =	simm.s32 $0x1  }
0x2: {  	[smem:$0x3F9A] =	sst lr;
	_ =	strace $0xD0000000  }
0x3: {  	_ = 	snop  }
0x4: {  	_ = 	snop  }
0x5: {  	_ = 	snop  }
0x6: {  	_ = 	snop  }
0x7: {  	_ = 	snop  }
__scs_overlays_trampoline_lowered:
0x8: {  	[smem:$0x3FA9] =	sst s0  }
0x9: {  	[smem:$0x3FAA] =	sst s1  }
0xa: {  	[smem:$0x3FAB] =	sst s2  }
0xb: {  	[smem:$0x3FAC] =	sst s3  }
0xc: {  	[smem:$0x3FAD] =	sst s4  }
0xd: {  	[smem:$0x3FAE] =	sst s5  }
0xe: {  	[smem:$0x3FAF] =	sst s6  }
0xf: {  	[smem:$0x3FB0] =	sst s7  }
0x10: {  	[smem:$0x3FB1] =	sst s8  }
0x11: {  	[smem:$0x3FB2] =	sst s9;
	s0 =	simm.s32 @!p0 $0x0  }
0x12: {  	s1 =	sld [smem:$0x3F98];
	s0 =	simm.s32 @p0 $0x1  }
0x13: {  	[smem:$0x3FB3] =	sst s0;
	s0 =	simm.s32 @!p1 $0x0  }
0x14: {  	s2 =	sld [smem:$0x3F97];
	s0 =	simm.s32 @p1 $0x1  }
0x15: {  	[smem:$0x3FB4] =	sst s0;
	s0 =	simm.s32 @!p2 $0x0  }
0x16: {  	s3 =	sld [smem:$0x3FDB];
	s0 =	simm.s32 @p2 $0x1  }
0x17: {  	s4 =	simm.s32 $0x1BF5;
	[smem:$0x3FB6] =	sst s0  }
0x18: {  	s0 =	sld [smem:$0x3F99];
	_ =	swait.ge [sflag:s4], $0x0  }
0x19: {  	s7 =	sld [smem:$0x3F9A]  }
0x1a: {  	s8 =	sadd.s32 $0xFFFFE003, lr  }
0x1b: {  	s9 =	sadd.s32 $0xFFFFFEF7, lr;
	s5 =	simm.s32 $0xFFFFFFFF;
	p2 =	slt.u32 s8, $0xFFFFF086  }
0x1c: {  	p1 =	slt.u32 s9, $0xF7A;
	s5 =	simm.s32 @!p2 $0x0  }
0x1d: {  	s5 =	simm.s32 @p1 $0x1;
	p0 =	seq.s32 s7, s2  }
0x1e: {  	s7 =	smul.u32 @!p0 $0xF7A, s2;
	p2 =	seq.s32 @!p0 s5, $0x0  }
0x1f: {  	s9 =	smul.u32 $0xF7A, s1;
	s8 =	simm.s32 @!p0 $0x1BF5;
	p2 =	por !p2, p0  }
0x20: {  	[sflag:s8] =	ssyncset.s32 @!p0 $0xFFFFF086;
	s6 =	sadd.s32 @!p0 s3, s7;
	s7 =	simm.s32 @!p0 $0x108  }
0x21: {  	s3 =	sadd.s32 s3, s9;
	s6 =	sadd.s32 @!p0 $0x88, s6;
	s7 =	simm.s32 @p2 $0x1082  }
0x22: {  	[simem:s7], [sflag:s8] =	dma.local @!p0 [hbm:s6], $0xF7A  }
0x23: {  	s9 =	sor.u32 $0xD0000000, s2;
	s6 =	simm.s32 $0x108;
	_ =	swait.ge @!p0 [sflag:s8], $0x0  }
0x24: {  	s3 =	sadd.s32 $0x88, s3;
	s6 =	simm.s32 @!p1 $0x1082;
	[sflag:s4] =	ssyncset.s32 $0xFFFFF086  }
0x25: {  	[simem:s6], [sflag:s4] =	dma.local [hbm:s3], $0xF7A  }
0x26: {  	[smem:$0x3F9A] =	sst s1;
	(tag) =	ssettag s2;
	_ =	strace s9  }
0x27: {  	s1 =	sld [smem:$0x3FAA]  }
0x28: {  	s2 =	sld [smem:$0x3FAB]  }
0x29: {  	s4 =	sld [smem:$0x3FAD]  }
0x2a: {  	p0 =	seq.s32 s5, $0x0;
	s5 =	sld [smem:$0x3FAE]  }
0x2b: {  	s6 =	sld [smem:$0x3FAF]  }
0x2c: {  	s7 =	sld [smem:$0x3FB0]  }
0x2d: {  	s3 =	simm.s32 $0x108;
	s8 =	sld [smem:$0x3FB1]  }
0x2e: {  	s3 =	simm.s32 @!p0 $0x1082;
	s9 =	sld [smem:$0x3FB2]  }
0x2f: {  	lr =	sadd.s32 s0, s3;
	s0 =	sld [smem:$0x3FA9]  }
0x30: {  	s3 =	sld [smem:$0x3FAC]  }
0x31: {  	[smem:$0x3FB5] =	sst s10  }
0x32: {  	s10 =	sld [smem:$0x3FB3];
	_ =	sdelay $0x3  }
0x33: {  	p0 =	seq.s32 s10, $0x1;
	s10 =	sld [smem:$0x3FB5];
	_ =	sdelay $0x3  }
0x34: {  	[smem:$0x3FB5] =	sst s10  }
0x35: {  	s10 =	sld [smem:$0x3FB4];
	_ =	sdelay $0x3  }
0x36: {  	p1 =	seq.s32 s10, $0x1;
	s10 =	sld [smem:$0x3FB5];
	_ =	sdelay $0x3  }
0x37: {  	[smem:$0x3FB5] =	sst s10  }
0x38: {  	s10 =	sld [smem:$0x3FB6]  }
0x39: {  	_ = 	snop;
	(pc) =	sbr.ind lr, $3  }
0x3a: {  	_ = 	snop  }
0x3b: {  	_ = 	snop  }
0x3c: {  	p2 =	seq.s32 s10, $0x1;
	s10 =	sld [smem:$0x3FB5]  }
0x3d: {  	_ =	shalt  }
0x3e: {  	_ =	shalt  }
0x3f: {  	_ =	shalt  }
0x40: {  	_ =	shalt  }
0x41: {  	_ =	shalt  }
0x42: {  	_ =	shalt  }
0x43: {  	_ =	shalt  }
0x44: {  	_ =	shalt  }
0x45: {  	_ =	shalt  }
0x46: {  	_ =	shalt  }
0x47: {  	_ =	shalt  }
0x48: {  	_ =	shalt  }
0x49: {  	_ =	shalt  }
0x4a: {  	_ =	shalt  }
0x4b: {  	_ =	shalt  }
0x4c: {  	_ =	shalt  }
0x4d: {  	_ =	shalt  }
0x4e: {  	_ =	shalt  }
0x4f: {  	_ =	shalt  }
0x50: {  	_ =	shalt  }
0x51: {  	_ =	shalt  }
0x52: {  	_ =	shalt  }
0x53: {  	_ =	shalt  }
0x54: {  	_ =	shalt  }
0x55: {  	_ =	shalt  }
0x56: {  	_ =	shalt  }
0x57: {  	_ =	shalt  }
0x58: {  	_ =	shalt  }
0x59: {  	_ =	shalt  }
0x5a: {  	_ =	shalt  }
0x5b: {  	_ =	shalt  }
0x5c: {  	_ =	shalt  }
0x5d: {  	_ =	shalt  }
0x5e: {  	_ =	shalt  }
0x5f: {  	_ =	shalt  }
0x60: {  	_ =	shalt  }
0x61: {  	_ =	shalt  }
0x62: {  	_ =	shalt  }
0x63: {  	_ =	shalt  }
0x64: {  	_ =	shalt  }
0x65: {  	_ =	shalt  }
0x66: {  	_ =	shalt  }
0x67: {  	_ =	shalt  }
0x68: {  	_ =	shalt  }
0x69: {  	_ =	shalt  }
0x6a: {  	_ =	shalt  }
0x6b: {  	_ =	shalt  }
0x6c: {  	_ =	shalt  }
0x6d: {  	_ =	shalt  }
0x6e: {  	_ =	shalt  }
0x6f: {  	_ =	shalt  }
0x70: {  	_ =	shalt  }
0x71: {  	_ =	shalt  }
0x72: {  	_ =	shalt  }
0x73: {  	_ =	shalt  }
0x74: {  	_ =	shalt  }
0x75: {  	_ =	shalt  }
0x76: {  	_ =	shalt  }
0x77: {  	_ =	shalt  }
0x78: {  	_ =	shalt  }
0x79: {  	_ =	shalt  }
0x7a: {  	_ =	shalt  }
0x7b: {  	_ =	shalt  }
0x7c: {  	_ =	shalt  }
0x7d: {  	_ =	shalt  }
0x7e: {  	_ =	shalt  }
0x7f: {  	_ =	shalt  }
0x80: {  	_ =	shalt  }
0x81: {  	_ =	shalt  }
0x82: {  	_ =	shalt  }
0x83: {  	_ =	shalt  }
0x84: {  	_ =	shalt  }
0x85: {  	_ =	shalt  }
0x86: {  	_ =	shalt  }
0x87: {  	_ =	shalt  }
.Lfunc_end0:
.L_simem_size_0:
called_computation.3_lowered:
.L_overlay_start_0:
0x88: {  	s2 =	sld [smem:$0x3FD9]  }
0x89: {  	s3 =	sld [smem:$0x3FFE];
	_ =	sdelay $0x1  }
0x8a: {  	s1 =	srdreg.scid  }
0x8b: {  	s0 =	sand.u32 $0x1, s1  }
0x8c: {  	s17 =	sshll.u32 s0, $0xA;
	s2 =	sadd.s32 s3, s2  }
0x8d: {  	s2 =	sadd.s32 s2, s17  }
0x8e: {  	[smem:$0x3FC1] =	sst s2  }
0x8f: {  	_ = 	snop  }
0x90: {  	s18 =	sld [smem:$0x3FC7]  }
0x91: {  	s4 =	sld [smem:$0x3FD0];
	(tm) =	ssettm $0x1  }
0x92: {  	s19 =	sld [smem:$0x3FFB];
	_ =	sdelay $0x3  }
0x93: {  	_ =	strace s19  }
0x94: {  	s2 =	sld [smem:$0x3FFC];
	_ =	sdelay $0x3  }
0x95: {  	_ =	strace s2  }
0x96: {  	s2 =	sld [smem:$0x3FFD];
	_ =	sdelay $0x3  }
0x97: {  	_ =	strace s2  }
0x98: {  	_ =	strace $0x8FFFFFFF  }
0x99: {  	s20 =	sld [smem:$0x3FDB];
	_ =	sdelay $0x1  }
0x9a: {  	s5 =	simm.s32 $_scs_section_size  }
0x9b: {  	s6 =	simm.s32 $_size__tile_overlayer_lowered;
	s7 =	simm.s32 $_tile_overlayer_lowered  }
0x9c: {  	s8 =	simm.s32 $0x1BFF;
	s21 =	sshll.u32 s7, $0x1;
	s5 =	sadd.s32 s5, s20  }
0x9d: {  	s22 =	simm.s32 $0x0;
	s6 =	sshll.u32 s6, $0x1;
	s7 =	sadd.s32 s21, s5  }
0x9e: {  	[timem:s22], [sflag:s8] =	dma.local [hbm:s7], s6  }
0x9f: {  	_ =	swait.ge [sflag:s8], s6  }
0xa0: {  	s6 =	ssub.s32 $0x0, s6;
	[sflag:s8] =	ssyncset.done $0x0  }
0xa1: {  	[sflag:s8] =	ssyncadd.s32 s6;
	_ =	sdelay $0x1  }
0xa2: {  	s23 =	simm.s32 $0x1B8B  }
0xa3: {  	_ =	swait.ge [sflag:s23], $0x1  }
0xa4: {  	[sflag:s23] =	ssyncset.done $0x0  }
0xa5: {  	[sflag:s23] =	ssyncadd.s32 $0xFFFFFFFF  }
0xa6: {  	s6 =	sld [smem:$0x0]  }
0xa7: {  	s7 =	sand.u32 $0xFFFFFFFE, s1  }
0xa8: {  	p0 =	sne.s32 s1, s7  }
0xa9: {  	s7 =	sshll.u32 @p0 s7, $0xE  }
0xaa: {  	s7 =	sadd.s32 @p0 $0x11B8D, s7;
	s8 =	sshll.u32 @p0 s6, $0x11  }
0xab: {  	s7 =	sor.u32 @p0 s8, s7  }
0xac: {  	[sflag:s7] =	ssyncadd.remote.s32 @p0 $0x1;
	_ =	sdelay $0x1  }
0xad: {  	s7 =	simm.s32 @p0 $0x1B8D  }
0xae: {  	_ =	swait.eq @p0 [sflag:s7], $0x1  }
0xaf: {  	[sflag:s7] =	ssyncadd.s32 @p0 $0xFFFFFFFF  }
0xb0: {  	s8 =	sshll.u32 @!p0 s1, $0xE  }
0xb1: {  	s8 =	sor.u32 @!p0 $0x4000, s8;
	s7 =	simm.s32 @!p0 $0x1B8D  }
0xb2: {  	s6 =	sshll.u32 @!p0 s6, $0x11;
	s8 =	sadd.s32 @!p0 $0x11B8D, s8;
	_ =	swait.eq @!p0 [sflag:s7], $0x1  }
0xb3: {  	s6 =	sor.u32 @!p0 s6, s8;
	[sflag:s7] =	ssyncadd.s32 @!p0 $0xFFFFFFFF  }
0xb4: {  	s25 =	simm.s32 $0x1B8E;
	s24 =	sld [smem:$0x3FFE];
	[sflag:s6] =	ssyncadd.remote.s32 @!p0 $0x1  }
0xb5: {  	s26 =	simm.s32 $execute0_lowered;
	[smem:$0x3FD2] =	sst s25  }
0xb6: {  	s7 =	sshll.u32 s26, $0x1;
	_ =	strace $0x8000004F;
	[dreg:$0x1] =	wrdreg $0xFFFFFFFF  }
0xb7: {  	s28 =	simm.s32 $_size_execute0_lowered;
	s5 =	sadd.s32 s5, s7;
	[dreg:$0x0] =	wrdreg $0x0  }
0xb8: {  	s7 =	sshll.u32 s28, $0x1;
	[dreg:$0x2] =	wrdreg s5  }
0xb9: {  	[dreg:$0x3] =	wrdreg s7  }
0xba: {  	[dreg:$0x4] =	wrdreg $0xC0  }
0xbb: {  	_ =	task [dreg:s22], $0x5FFFF  }
0xbc: {  	[dreg:$0x1] =	wrdreg $0xFFFFFFFF  }
0xbd: {  	[dreg:$0x0] =	wrdreg $0x60  }
0xbe: {  	[dreg:$0x2] =	wrdreg s4  }
0xbf: {  	[dreg:$0x3] =	wrdreg s18  }
0xc0: {  	[dreg:$0x4] =	wrdreg s24  }
0xc1: {  	[dreg:$0x5] =	wrdreg $0xC  }
0xc2: {  	_ =	task.clear_ibuf [dreg:s22], $0x6FFFF;
	_ =	strace $0x9000004F  }
0xc3: {  	s29 =	simm.s32 $0xC;
	_ =	strace $0x80000051  }
0xc4: {  	_ =	swait.ge [sflag:s29], $0x1  }
0xc5: {  	[sflag:s29] =	ssyncadd.s32 $0xFFFFFFFF  }
0xc6: {  	_ =	strace $0x90000051  }
0xc7: {  	_ =	sfence  }
0xc8: {  	s30 =	sld [smem:$0x0];
	_ =	sdelay $0x2  }
0xc9: {  	s31 =	sshll.u32 s1, $0xD;
	s1 =	sshrl.u32 s1, $0x2  }
0xca: {  	s4 =	sand.u32 $0x4000, s31;
	s1 =	sadd.s32 s1, s30  }
0xcb: {  	s0 =	sor.u32 s4, s0;
	s1 =	sshll.u32 s1, $0x11  }
0xcc: {  	s0 =	sor.u32 s1, s0  }
0xcd: {  	s0 =	sadd.s32 $0x8F2B, s0  }
0xce: {  	[sflag:s0] =	ssyncadd.remote.s32 $0x1  }
0xcf: {  	_ =	sfence.sel $0xFFFF  }
0xd0: {  	[dreg:$0x0] =	wrdreg $0xFFFFFFFF;
	(pc) =	sbr.abs _section_cstart, $3  }
0xd1: {  	[dreg:$0x1] =	wrdreg $0xFFFFFFFF  }
0xd2: {  	_ =	task.clear_ibuf [dreg:s22], $0x2FFFF;
	_ =	strace $0x9FFFFFFF  }
0xd3: {  	(tm) =	ssettm $0x7FFFFFFF  }
tec
execute0_lowered:
.L_overlay_start_1:
0x0: {  	(tag) =	ssettag $0x1  }
0x1: {  	s4 =	rddreg [dreg:$0x0]  }
0x2: {  	s1 =	rddreg [dreg:$0x1]  }
0x3: {  	s5 =	rddreg [dreg:$0x2]  }
0x4: {  	s0 =	rddreg [dreg:$0x3];
	s6 =	srdreg.scid  }
0x5: {  	s3 =	simm.s32 $0x0;
	s2 =	stileid.u32;
	s11 =	simm.s32 $0x68  }
0x6: {  	s12 =	simm.s32 $0x100;
	s13 =	simm.s32 $0x60;
	s14 =	simm.s32 $0x3500  }
0x7: {  	s15 =	simm.s32 $0x1;
	s16 =	simm.s32 $0x0;
	s6 =	sand.u32 $0x1, s6  }
0x8: {  	[smem:$0x7FF] =	sst s3;
	s7 =	smul.u32 $0x19000, s2;
	s4 =	sadd.s32 $0x1C000, s4  }
0x9: {  	s30 =	sshll.u32 s2, $0xA;
	s8 =	ssub.s32 $0x2, s6;
	_ =	strace $0x80000050  }
0xa: {  	s10 =	smul.u32 $0xC800, s6;
	s6 =	sshll.u32 s6, $0x9;
	s9 =	sshrl.u32 s8, $0x1  }
0xb: {  	s5 =	sadd.s32 s7, s5;
	s6 =	sor.u32 s6, s30;
	s29 =	ssub.s32 s8, s9  }
0xc: {  	s31 =	sadd.s32 s10, s5;
	s8 =	simm.s32 $0x80;
	s9 =	simm.s32 $0x400  }
0xd: {  	s10 =	simm.s32 $0x2;
	s5 =	smax.u32 s29, $0x1;
	s7 =	sadd.s32 $0xAF1800, s31  }
.LBB2_1:
0xe: {  	s17 =	sand.u32 $0x70, s3;
	s18 =	sand.u32 $0x3F00, s6  }
0xf: {  	s17 =	sor.u32 s18, s17  }
0x10: {  	s17 =	sadd.s32 s17, s4  }
0x11: {  	[tilespmem:s3], [sflag:$0x2] =	stream.strided.gather [hbm4b:s17+s8], $0x100, s9, s8, $0x38;
	[tilespmem:$0x6500] =	vst v63  }
0x12: {  	_ =	swait.ge [sflag:s10], $0x100  }
0x13: {  	[sflag:s10] =	ssyncset.done $0x0  }
0x14: {  	[sflag:s10] =	ssyncadd.s32 $0xFFFFFF00  }
0x15: {  	[tilespmem:s12], [sflag:$0x1] =	stream.indirect.gather [hbm4b:s1+s11], $0x80, s3, s11, $0xb8;
	[tilespmem:$0x6500] =	vst v63  }
0x16: {  	_ = 	snop  }
0x17: {  	[tilespmem:s14], [sflag:$0x1] =	stream.indirect.gather [hbm4b:s1+s13], $0x80, s11, s13, $0xb8;
	[tilespmem:$0x6500] =	vst v63  }
0x18: {  	_ =	swait.ge [sflag:s15], $0x3400  }
0x19: {  	[sflag:s15] =	ssyncset.done $0x0  }
0x1a: {  	[sflag:s15] =	ssyncadd.s32 $0xFFFFCC00  }
0x1b: {  	_ =	swait.ge [sflag:s15], $0x3000  }
0x1c: {  	s31 =	simm.s32 $0x10;
	[sflag:s15] =	ssyncset.done $0x0  }
0x1d: {  	s19 =	simm.s32 $0x20;
	s18 =	sadd.s32 $0x20, s6;
	[sflag:s15] =	ssyncadd.s32 $0xFFFFD000  }
0x1e: {  	[hbm4b:s7+s3] =	stream.linear.scatter [tilespmem:s12], [sflag:$0x2], $0x6400, $0x38;
	[tilespmem:$0x6500] =	vst v63  }
0x1f: {  	s20 =	sand.u32 $0x3F00, s18;
	s17 =	sand.u32 $0x70, s31;
	_ =	swait.ge [sflag:s10], $0x6400  }
0x20: {  	s20 =	sor.u32 s20, s17;
	s17 =	sadd.s32 $0xC80, s7;
	[sflag:s10] =	ssyncset.done $0x0  }
.LBB2_2:
0x21: {  	s20 =	sadd.s32 s20, s4  }
0x22: {  	[sflag:s10] =	ssyncadd.s32 $0xFFFF9C00;
	s21 =	smov.u32 s19;
	s22 =	sadd.s32 $0x10, s19  }
0x23: {  	[tilespmem:s3], [sflag:$0x2] =	stream.strided.gather [hbm4b:s20+s8], $0x100, s9, s8, $0x38;
	[tilespmem:$0x6500] =	vst v63  }
0x24: {  	p0 =	sne.s32 s19, $0xF0;
	_ =	swait.ge [sflag:s10], $0x100  }
0x25: {  	[sflag:s10] =	ssyncset.done $0x0  }
0x26: {  	[sflag:s10] =	ssyncadd.s32 $0xFFFFFF00  }
0x27: {  	[tilespmem:s12], [sflag:$0x1] =	stream.indirect.gather [hbm4b:s1+s11], $0x80, s3, s11, $0xb8;
	[tilespmem:$0x6500] =	vst v63  }
0x28: {  	_ = 	snop  }
0x29: {  	[tilespmem:s14], [sflag:$0x1] =	stream.indirect.gather [hbm4b:s1+s13], $0x80, s11, s13, $0xb8;
	[tilespmem:$0x6500] =	vst v63  }
0x2a: {  	_ =	swait.ge [sflag:s15], $0x3400  }
0x2b: {  	[sflag:s15] =	ssyncset.done $0x0  }
0x2c: {  	[sflag:s15] =	ssyncadd.s32 $0xFFFFCC00  }
0x2d: {  	_ =	swait.ge [sflag:s15], $0x3000  }
.Ltmp0:
0x2e: {  	s18 =	sadd.s32 $0x20, s18;
	[sflag:s15] =	ssyncset.done $0x0;
	(pc) =	sbr.rel @p0 .LBB2_2-.Ltmp0, $4  }
0x2f: {  	s19 =	sand.u32 $0x70, s21;
	s20 =	sand.u32 $0x3F00, s18;
	[sflag:s15] =	ssyncadd.s32 $0xFFFFD000  }
0x30: {  	[hbm4b:s17+s3] =	stream.linear.scatter [tilespmem:s12], [sflag:$0x2], $0x6400, $0x38;
	[tilespmem:$0x6500] =	vst v63  }
0x31: {  	s20 =	sor.u32 s20, s19;
	_ =	swait.ge [sflag:s10], $0x6400  }
0x32: {  	s19 =	smov.u32 s22;
	s17 =	sadd.s32 $0xC80, s17;
	[sflag:s10] =	ssyncset.done $0x0  }
0x33: {  	s18 =	sadd.s32 s20, s4;
	[sflag:s10] =	ssyncadd.s32 $0xFFFF9C00  }
0x34: {  	[tilespmem:s3], [sflag:$0x2] =	stream.strided.gather [hbm4b:s18+s8], $0x100, s9, s8, $0x38;
	[tilespmem:$0x6500] =	vst v63  }
0x35: {  	_ =	swait.ge [sflag:s10], $0x100  }
0x36: {  	[sflag:s10] =	ssyncset.done $0x0  }
0x37: {  	[sflag:s10] =	ssyncadd.s32 $0xFFFFFF00  }
0x38: {  	[tilespmem:s12], [sflag:$0x1] =	stream.indirect.gather [hbm4b:s1+s11], $0x80, s3, s11, $0xb8;
	[tilespmem:$0x6500] =	vst v63  }
0x39: {  	_ = 	snop  }
0x3a: {  	[tilespmem:s14], [sflag:$0x1] =	stream.indirect.gather [hbm4b:s1+s13], $0x80, s11, s13, $0xb8;
	[tilespmem:$0x6500] =	vst v63  }
0x3b: {  	_ =	swait.ge [sflag:s15], $0x3400  }
0x3c: {  	[sflag:s15] =	ssyncset.done $0x0  }
0x3d: {  	[sflag:s15] =	ssyncadd.s32 $0xFFFFCC00  }
0x3e: {  	s16 =	sadd.s32 $0x1, s16;
	_ =	swait.ge [sflag:s15], $0x3000  }
0x3f: {  	p0 =	sne.s32 s16, s5;
	[sflag:s15] =	ssyncset.done $0x0  }
.Ltmp1:
0x40: {  	[sflag:s15] =	ssyncadd.s32 $0xFFFFD000;
	(pc) =	sbr.rel @p0 .LBB2_1-.Ltmp1, $4  }
0x41: {  	[hbm4b:s17+s3] =	stream.linear.scatter [tilespmem:s12], [sflag:$0x2], $0x6400, $0x38;
	[tilespmem:$0x6500] =	vst v63  }
0x42: {  	_ =	swait.ge [sflag:s10], $0x6400  }
0x43: {  	[sflag:s10] =	ssyncset.done $0x0  }
0x44: {  	[sflag:s10] =	ssyncadd.s32 $0xFFFF9C00  }
0x45: {  	_ =	sfence.sel $0x180000  }
0x46: {  	[bflag:$0x0] =	sbarrier.arrive $0xFFFF  }
0x47: {  	p0 =	sne.s32 s2, $0x0;
	_ =	strace $0x90000050  }
0x48: {  	s0 =	sadd.s32 @!p0 $0x100000, s0;
	[bflag:$0x2] =	sbarrier.arrive $0xFFFF  }
0x49: {  	[sflag:s0] =	ssyncadd.tile.s32 @!p0 $0x1;
	_ =	shalt  }
.Lfunc_end2:
_tile_overlayer_lowered:
.L_overlay_start_2:
0x4a: {  	(tag) =	ssettag $0x2  }
0x4b: {  	s0 =	rddreg [dreg:$0x0];
	s2 =	stileid.u32  }
0x4c: {  	s1 =	rddreg [dreg:$0x1];
	p0 =	sne.s32 s2, $0x0  }
0x4d: {  	s3 =	rddreg [dreg:$0x2];
	[bflag:$0x3] =	sbarrier.arrive $0xFFFF;
	s2 =	simm.s32 @!p0 $0x1C02  }
0x4e: {  	[timem:s3], [sflag:s2] =	dma.local @!p0 [hbm:s0], s1  }
0x4f: {  	s0 =	simm.s32 @!p0 $0x2  }
0x50: {  	_ =	swait.ge @!p0 [sflag:s0], s1  }
0x51: {  	s1 =	ssub.s32 @!p0 $0x0, s1;
	[sflag:s0] =	ssyncset.done @!p0 $0x0  }
0x52: {  	[sflag:s0] =	ssyncadd.s32 @!p0 s1  }
0x53: {  	[bflag:$0x3] =	sbarrier.arrive $0xFFFF  }
0x54: {  	_ =	shalt  }

</sc_bundles>
